<compile_context>
chip_gen: v7x
topology: tpu7x:2x2x1
jax: 0.10.2.dev20260603
libtpu: 0.0.44.dev20260713+nightly
codegen_flags: <defaults>
</compile_context>

<pallas_src>
import functools

import jax
import jax.numpy as jnp
from jax import lax
from jax.experimental import pallas as pl
from jax.experimental.pallas import tpu as pltpu
from jax.experimental.pallas import tpu_sc as plsc

N_NODES = 50000
N_EDGES = 800000
NPAD = 51200
DUMMY = 50008
BIGV = 1 << 30
NT = 16
EPT = N_EDGES // NT
CH = 2000
NCHUNK = EPT // CH
RL = CH // 16
SLICE = NPAD // NT

_MESH = plsc.VectorSubcoreMesh(core_axis_name="c", subcore_axis_name="s")


def _gelu_exact(x):
    return x * 0.5 * (1.0 + lax.erf(x * 0.7071067811865476))


def _logits_body(ea_ref, w1_ref, b1_ref, w2_ref, b2_ref, w3_ref, b3_ref, o_ref):
    blk, cols = ea_ref.shape[0], ea_ref.shape[1]
    x = ea_ref[...].reshape(blk * cols, 16)
    h = jnp.dot(x, w1_ref[...], preferred_element_type=jnp.float32, precision=lax.Precision.HIGHEST) + b1_ref[...]
    h = _gelu_exact(h)
    h = jnp.dot(h, w2_ref[...], preferred_element_type=jnp.float32, precision=lax.Precision.HIGHEST) + b2_ref[...]
    h = _gelu_exact(h)
    lg = jnp.sum(h * w3_ref[...], axis=1) + b3_ref[0, 0]
    o_ref[...] = lg.reshape(blk, cols)


def _edge_logits(ea_r, W1T, b1r, W2T, b2r, w3r, b3r):
    rows, cols = ea_r.shape[0], ea_r.shape[1]
    blk = 8
    return pl.pallas_call(
        _logits_body,
        grid=(rows // blk,),
        in_specs=[
            pl.BlockSpec((blk, cols, 16), lambda i: (i, 0, 0)),
            pl.BlockSpec((16, 16), lambda i: (0, 0)),
            pl.BlockSpec((1, 16), lambda i: (0, 0)),
            pl.BlockSpec((16, 16), lambda i: (0, 0)),
            pl.BlockSpec((1, 16), lambda i: (0, 0)),
            pl.BlockSpec((1, 16), lambda i: (0, 0)),
            pl.BlockSpec((1, 1), lambda i: (0, 0)),
        ],
        out_specs=pl.BlockSpec((blk, cols), lambda i: (i, 0)),
        out_shape=jax.ShapeDtypeStruct((rows, cols), jnp.float32),
    )(ea_r, W1T, b1r, W2T, b2r, w3r, b3r)


def _matvec_body(c_ref, x_ref, m_ref, o_ref):
    @pl.when(pl.program_id(0) == 0)
    def _():
        o_ref[...] = jnp.zeros_like(o_ref)

    o_ref[...] += jnp.sum(x_ref[...] * m_ref[...] * c_ref[...], axis=0,
                          keepdims=True)


def _weighted_sum(c2d, x32, m32):
    blk = 400
    return pl.pallas_call(
        _matvec_body,
        grid=(N_NODES // blk,),
        in_specs=[
            pl.BlockSpec((blk, 1), lambda i: (i, 0)),
            pl.BlockSpec((blk, 32), lambda i: (i, 0)),
            pl.BlockSpec((blk, 32), lambda i: (i, 0)),
        ],
        out_specs=pl.BlockSpec((1, 32), lambda i: (0, 0)),
        out_shape=jax.ShapeDtypeStruct((1, 32), jnp.float32),
    )(c2d, x32, m32)


CHB = 10000
NCHUNKB = EPT // CHB
RLB = CHB // 16
SB = 4


def _bfs_body(src_hbm, dst_hbm, hop_hbm, t_hbm, hop_out,
              sbuf, dbuf, wbuf, hdbuf, hsbuf, valbuf, tbuf,
              hop_sh):
    tid = lax.axis_index("s")
    ii = lax.iota(jnp.int32, 16)
    nbase = tid * SLICE

    pltpu.sync_copy(hop_hbm.at[pl.ds(nbase, SLICE)], hop_sh.at[pl.ds(nbase, SLICE)])
    pltpu.sync_copy(t_hbm, tbuf)
    plsc.subcore_barrier()
    t = tbuf[...][0]

    for s in range(SB):
        lvl = t + s

        def _chunk(k, _, lvl=lvl):
            eb = tid * EPT + k * CHB
            pltpu.sync_copy(src_hbm.at[pl.ds(eb, CHB)], sbuf)
            pltpu.sync_copy(dst_hbm.at[pl.ds(eb, CHB)], dbuf)
            pltpu.sync_copy(hop_sh.at[dbuf], hdbuf)
            pltpu.sync_copy(hop_sh.at[sbuf], hsbuf)

            def _reg(i, _2):
                vhd = hdbuf[pl.ds(i * 16, 16)]
                vhs = hsbuf[pl.ds(i * 16, 16)]
                vs = sbuf[pl.ds(i * 16, 16)]
                m = (vhd == lvl - 1) & (vhs == BIGV)
                dummy_v = (50048 + ((i * 16) & 1023)) + ii
                wbuf[pl.ds(i * 16, 16)] = jnp.where(m, vs, dummy_v)
                valbuf[pl.ds(i * 16, 16)] = vhd + 1
                return 0
            lax.fori_loop(0, RLB, _reg, 0)
            pltpu.sync_copy(valbuf, hop_sh.at[wbuf])
            return 0

        lax.fori_loop(0, NCHUNKB, _chunk, 0)
        plsc.subcore_barrier()

    pltpu.sync_copy(hop_sh.at[pl.ds(nbase, SLICE)], hop_out.at[pl.ds(nbase, SLICE)])


_bfs_step = pl.kernel(
    _bfs_body,
    out_type=jax.ShapeDtypeStruct((NPAD,), jnp.int32),
    mesh=_MESH,
    scratch_types=[
        pltpu.VMEM((CHB,), jnp.int32),
        pltpu.VMEM((CHB,), jnp.int32),
        pltpu.VMEM((CHB,), jnp.int32),
        pltpu.VMEM((CHB,), jnp.int32),
        pltpu.VMEM((CHB,), jnp.int32),
        pltpu.VMEM((CHB,), jnp.int32),
        pltpu.VMEM((16,), jnp.int32),
        pltpu.VMEM_SHARED((NPAD,), jnp.int32),
    ],
)


def _alpha_body(src_hbm, dst_hbm, lg_hbm, hop_hbm, vt_hbm, a_hbm,
                sbuf, dbuf, wbuf, hdbuf, hsbuf,
                ewbuf, kvbuf, ebuf, vmbuf, zslice, v8, vmb,
                hop_sh, vmean_sh, k_sh, s_sh):
    tid = lax.axis_index("s")
    cid = lax.axis_index("c")
    ii = lax.iota(jnp.int32, 16)
    nbase = tid * SLICE
    wbase = cid * N_EDGES + tid * EPT

    pltpu.sync_copy(hop_hbm.at[pl.ds(nbase, SLICE)], hop_sh.at[pl.ds(nbase, SLICE)])

    def _fill(i, _):
        zslice[pl.ds(i * 16, 16)] = jnp.zeros((16,), jnp.float32)
        return 0
    lax.fori_loop(0, SLICE // 16, _fill, 0)
    pltpu.sync_copy(zslice, k_sh.at[pl.ds(nbase, SLICE)])
    pltpu.sync_copy(zslice, s_sh.at[pl.ds(nbase, SLICE)])

    def _vmz(i, _):
        vmb[pl.ds(i * 16, 16)] = jnp.zeros((16,), jnp.float32)
        return 0
    lax.fori_loop(0, SLICE // 16, _vmz, 0)
    for l in range(8):
        pltpu.sync_copy(vt_hbm.at[l, pl.ds(nbase, SLICE)], v8)

        def _vm(i, _):
            vmb[pl.ds(i * 16, 16)] = vmb[pl.ds(i * 16, 16)] + v8[pl.ds(i * 16, 16)]
            return 0
        lax.fori_loop(0, SLICE // 16, _vm, 0)

    def _vms(i, _):
        vmb[pl.ds(i * 16, 16)] = vmb[pl.ds(i * 16, 16)] * 0.125
        return 0
    lax.fori_loop(0, SLICE // 16, _vms, 0)
    pltpu.sync_copy(vmb, vmean_sh.at[pl.ds(nbase, SLICE)])
    plsc.subcore_barrier()

    def _c1(k, _):
        eb = tid * EPT + k * CHB
        wb = wbase + k * CHB
        pltpu.sync_copy(src_hbm.at[pl.ds(eb, CHB)], sbuf)
        pltpu.sync_copy(dst_hbm.at[pl.ds(eb, CHB)], dbuf)
        pltpu.sync_copy(lg_hbm.at[pl.ds(eb, CHB)], ebuf)
        pltpu.sync_copy(hop_sh.at[dbuf], hdbuf)
        pltpu.sync_copy(hop_sh.at[sbuf], hsbuf)
        pltpu.sync_copy(vmean_sh.at[sbuf], vmbuf)

        def _reg(i, _2):
            vhd = hdbuf[pl.ds(i * 16, 16)]
            vhs = hsbuf[pl.ds(i * 16, 16)]
            vd = dbuf[pl.ds(i * 16, 16)]
            ew = ebuf[pl.ds(i * 16, 16)] * vmbuf[pl.ds(i * 16, 16)]
            on = (vhs == vhd + 1) & (vhd != BIGV)
            dummy_v = (50048 + ((i * 16) & 1023)) + ii
            ewbuf[pl.ds(i * 16, 16)] = jnp.where(on, ew, -1e30)
            wbuf[pl.ds(i * 16, 16)] = jnp.where(on, vd, dummy_v)
            return 0
        lax.fori_loop(0, RLB, _reg, 0)
        pltpu.sync_copy(ewbuf, a_hbm.at[pl.ds(wb, CHB)])
        pltpu.sync_copy(ewbuf, k_sh.at[wbuf])
        return 0
    lax.fori_loop(0, NCHUNKB, _c1, 0)
    plsc.subcore_barrier()

    def _c2(k, _):
        eb = tid * EPT + k * CHB
        wb = wbase + k * CHB
        pltpu.sync_copy(dst_hbm.at[pl.ds(eb, CHB)], dbuf)
        pltpu.sync_copy(a_hbm.at[pl.ds(wb, CHB)], ewbuf)
        pltpu.sync_copy(k_sh.at[dbuf], kvbuf)

        def _reg(i, _2):
            ew = ewbuf[pl.ds(i * 16, 16)]
            kv = kvbuf[pl.ds(i * 16, 16)]
            vd = dbuf[pl.ds(i * 16, 16)]
            dummy_v = (50048 + ((i * 16) & 1023)) + ii
            wbuf[pl.ds(i * 16, 16)] = jnp.where(ew > kv, vd, dummy_v)
            return 0
        lax.fori_loop(0, RLB, _reg, 0)
        pltpu.sync_copy(ewbuf, k_sh.at[wbuf])
        return 0
    lax.fori_loop(0, NCHUNKB, _c2, 0)
    plsc.subcore_barrier()

    def _c3(k, _):
        eb = tid * EPT + k * CHB
        wb = wbase + k * CHB
        pltpu.sync_copy(dst_hbm.at[pl.ds(eb, CHB)], dbuf)
        pltpu.sync_copy(a_hbm.at[pl.ds(wb, CHB)], ewbuf)
        pltpu.sync_copy(k_sh.at[dbuf], kvbuf)

        def _reg(i, _2):
            ew = ewbuf[pl.ds(i * 16, 16)]
            kv = kvbuf[pl.ds(i * 16, 16)]
            ebuf[pl.ds(i * 16, 16)] = jnp.exp(ew - kv)
            return 0
        lax.fori_loop(0, RLB, _reg, 0)
        pltpu.sync_copy(ebuf, a_hbm.at[pl.ds(wb, CHB)])
        pltpu.sync_copy(ebuf, s_sh.at[dbuf], add=True)
        return 0
    lax.fori_loop(0, NCHUNKB, _c3, 0)
    plsc.subcore_barrier()

    def _c4(k, _):
        eb = tid * EPT + k * CHB
        wb = wbase + k * CHB
        pltpu.sync_copy(dst_hbm.at[pl.ds(eb, CHB)], dbuf)
        pltpu.sync_copy(a_hbm.at[pl.ds(wb, CHB)], ebuf)
        pltpu.sync_copy(s_sh.at[dbuf], kvbuf)

        def _reg(i, _2):
            e = ebuf[pl.ds(i * 16, 16)]
            sv = kvbuf[pl.ds(i * 16, 16)]
            ewbuf[pl.ds(i * 16, 16)] = e / (sv + 1e-16)
            return 0
        lax.fori_loop(0, RLB, _reg, 0)
        pltpu.sync_copy(ewbuf, a_hbm.at[pl.ds(wb, CHB)])
        return 0
    lax.fori_loop(0, NCHUNKB, _c4, 0)


_alpha_kernel = pl.kernel(
    _alpha_body,
    out_type=jax.ShapeDtypeStruct((2 * N_EDGES,), jnp.float32),
    mesh=_MESH,
    scratch_types=[
        pltpu.VMEM((CHB,), jnp.int32),
        pltpu.VMEM((CHB,), jnp.int32),
        pltpu.VMEM((CHB,), jnp.int32),
        pltpu.VMEM((CHB,), jnp.int32),
        pltpu.VMEM((CHB,), jnp.int32),
        pltpu.VMEM((CHB,), jnp.float32),
        pltpu.VMEM((CHB,), jnp.float32),
        pltpu.VMEM((CHB,), jnp.float32),
        pltpu.VMEM((CHB,), jnp.float32),
        pltpu.VMEM((SLICE,), jnp.float32),
        pltpu.VMEM((SLICE,), jnp.float32),
        pltpu.VMEM((SLICE,), jnp.float32),
        pltpu.VMEM_SHARED((NPAD,), jnp.int32),
        pltpu.VMEM_SHARED((NPAD,), jnp.float32),
        pltpu.VMEM_SHARED((NPAD,), jnp.float32),
        pltpu.VMEM_SHARED((NPAD,), jnp.float32),
    ],
)


SP = 3


def _prop_body(src_hbm, dst_hbm, a_hbm, c_hbm, c_out,
               sbuf, dbuf, abuf, cvbuf, ubuf, zslice, one16, idx0,
               ca_sh, cb_sh):
    tid = lax.axis_index("s")
    ii = lax.iota(jnp.int32, 16)
    nbase = tid * SLICE

    pltpu.sync_copy(c_hbm.at[pl.ds(nbase, SLICE)], ca_sh.at[pl.ds(nbase, SLICE)])

    def _fill(i, _):
        zslice[pl.ds(i * 16, 16)] = jnp.zeros((16,), jnp.float32)
        return 0
    lax.fori_loop(0, SLICE // 16, _fill, 0)
    one16[...] = jnp.where(ii == 0, 1.0, 0.0).astype(jnp.float32)
    idx0[...] = jnp.where(ii == 0, 0, DUMMY)
    pltpu.sync_copy(zslice, cb_sh.at[pl.ds(nbase, SLICE)])
    plsc.subcore_barrier()

    for p in range(SP):
        src_sh, dst_sh = (ca_sh, cb_sh) if p % 2 == 0 else (cb_sh, ca_sh)

        def _chunk(k, _, src_sh=src_sh, dst_sh=dst_sh):
            eb = tid * EPT + k * CHB
            pltpu.sync_copy(src_hbm.at[pl.ds(eb, CHB)], sbuf)
            pltpu.sync_copy(dst_hbm.at[pl.ds(eb, CHB)], dbuf)
            pltpu.sync_copy(a_hbm.at[pl.ds(eb, CHB)], abuf)
            pltpu.sync_copy(src_sh.at[dbuf], cvbuf)

            def _reg(i, _2):
                a = abuf[pl.ds(i * 16, 16)]
                cv = cvbuf[pl.ds(i * 16, 16)]
                ubuf[pl.ds(i * 16, 16)] = a * cv
                return 0
            lax.fori_loop(0, RLB, _reg, 0)
            pltpu.sync_copy(ubuf, dst_sh.at[sbuf], add=True)
            return 0
        lax.fori_loop(0, NCHUNKB, _chunk, 0)
        plsc.subcore_barrier()
        pltpu.sync_copy(one16, dst_sh.at[idx0])
        if p + 1 < SP:
            pltpu.sync_copy(zslice, src_sh.at[pl.ds(nbase, SLICE)])
        plsc.subcore_barrier()

    out_sh = cb_sh if (SP - 1) % 2 == 0 else ca_sh
    pltpu.sync_copy(out_sh.at[pl.ds(nbase, SLICE)], c_out.at[pl.ds(nbase, SLICE)])


_prop_step = pl.kernel(
    _prop_body,
    out_type=jax.ShapeDtypeStruct((NPAD,), jnp.float32),
    mesh=_MESH,
    scratch_types=[
        pltpu.VMEM((CHB,), jnp.int32),
        pltpu.VMEM((CHB,), jnp.int32),
        pltpu.VMEM((CHB,), jnp.float32),
        pltpu.VMEM((CHB,), jnp.float32),
        pltpu.VMEM((CHB,), jnp.float32),
        pltpu.VMEM((SLICE,), jnp.float32),
        pltpu.VMEM((16,), jnp.float32),
        pltpu.VMEM((16,), jnp.int32),
        pltpu.VMEM_SHARED((NPAD,), jnp.float32),
        pltpu.VMEM_SHARED((NPAD,), jnp.float32),
    ],
)


def kernel(nodes, edge_index, edge_attr, valid, r, fx, W1, b1, W2, b2, W3, b3):
    N = nodes.shape[0]
    src = edge_index[0].astype(jnp.int32)
    dst = edge_index[1].astype(jnp.int32)

    ea_r = edge_attr.reshape(800, 1000, 16)
    logitsE = _edge_logits(
        ea_r, W1.T, b1.reshape(1, 16), W2.T, b2.reshape(1, 16),
        W3.reshape(1, 16), b3.reshape(1, 1)).reshape(N_EDGES)

    vf = valid[0].astype(jnp.float32)
    validT_pad = jnp.zeros((8, NPAD), jnp.float32).at[:, :N].set(vf.T)

    hop0 = jnp.full((NPAD,), BIGV, jnp.int32).at[0].set(0)

    def _bfs_cond(carry):
        _, _, cont = carry
        return cont > 0

    def _bfs_xla(carry):
        hop, t, _ = carry
        t16 = jnp.full((16,), t, jnp.int32)
        hop_new = _bfs_step(src, dst, hop, t16)
        cur = jnp.max(jnp.where(hop_new[:N_NODES] >= BIGV, -1, hop_new[:N_NODES]))
        cont = (cur == t + SB - 1).astype(jnp.int32)
        return hop_new, t + SB, cont

    hop, _, _ = lax.while_loop(
        _bfs_cond, _bfs_xla, (hop0, jnp.int32(1), jnp.int32(1)))
    max_hop = jnp.max(jnp.where(hop[:N_NODES] >= BIGV, -1, hop[:N_NODES]))

    alpha = _alpha_kernel(src, dst, logitsE, hop, validT_pad)[:N_EDGES]

    c0 = jnp.zeros((NPAD,), jnp.float32).at[0].set(1.0)

    def _prop_xla(_, c):
        return _prop_step(src, dst, alpha, c)

    n_prop = (max_hop + SP - 1) // SP
    c = lax.fori_loop(0, n_prop, _prop_xla, c0)[:N]

    x32 = nodes.reshape(N, 32)
    m32 = jnp.repeat(vf, 4, axis=1)
    return _weighted_sum(c.reshape(N, 1), x32, m32)

# --- scband reference (transcript-rebuilt; emitter-appended) ---
"""Pipeline reference for scband-gatwith-edge-attr-25546465476813 (READ-ONLY COPY).

The authoritative reference and input builder live on the scoring server;
editing this copy changes nothing except your own understanding.
"""

import jax, jax.numpy as jnp
import numpy as np

N_NODES = 50000
N_EDGES = 800000
L = 8
C = 4
EDGE_DIM = 16


def _gelu(x):
    return jax.nn.gelu(x, approximate=False)


def _lin_edge(ea, W1, b1, W2, b2, W3, b3):
    h = _gelu(ea @ W1.T + b1)
    h = _gelu(h @ W2.T + b2)
    return h @ W3.T + b3


def _hops_to_target0(edge_index, num_nodes):
    src = edge_index[0]
    dst = edge_index[1]
    big = jnp.int32(num_nodes + 1)
    hop0 = jnp.full((num_nodes,), big, dtype=jnp.int32).at[0].set(0)

    def cond_fn(state):
        _, changed = state
        return changed

    def body_fn(state):
        hop, _ = state
        cand = hop[dst] + jnp.int32(1)
        relaxed = jnp.minimum(
            hop, jax.ops.segment_min(cand, src, num_segments=num_nodes)
        )
        return relaxed, jnp.any(relaxed != hop)

    hop, _ = jax.lax.while_loop(cond_fn, body_fn, (hop0, jnp.bool_(True)))
    return jnp.where(hop >= big, jnp.int32(-1), hop)


def setup_inputs(seed: int = 0):
    key = jax.random.key(seed)
    ks = jax.random.split(key, 12)
    nodes = jax.random.normal(ks[0], (N_NODES, L, C), dtype=jnp.float32)
    edge_index = jax.random.randint(ks[1], (2, N_EDGES), 0, N_NODES)
    edge_attr = jax.random.normal(ks[2], (N_EDGES, EDGE_DIM), dtype=jnp.float32)
    valid = jax.random.randint(ks[3], (1, N_NODES, L), 0, 2).astype(bool)
    r = jax.random.normal(ks[4], (1,), dtype=jnp.float32)
    fx = jax.random.normal(ks[5], (1,), dtype=jnp.float32)
    W1 = jax.random.normal(ks[6], (16, EDGE_DIM), dtype=jnp.float32) / np.sqrt(EDGE_DIM)
    b1 = jnp.zeros((16,), dtype=jnp.float32)
    W2 = jax.random.normal(ks[7], (16, 16), dtype=jnp.float32) / 4.0
    b2 = jnp.zeros((16,), dtype=jnp.float32)
    W3 = jax.random.normal(ks[8], (1, 16), dtype=jnp.float32) / 4.0
    b3 = jnp.zeros((1,), dtype=jnp.float32)
    return {"nodes": nodes, "edge_index": edge_index, "edge_attr": edge_attr, "valid": valid, "r": r, "fx": fx, "W1": W1, "b1": b1, "W2": W2, "b2": b2, "W3": W3, "b3": b3}


def reference(nodes, edge_index, edge_attr, valid, r, fx, W1, b1, W2, b2, W3, b3):
    # GATWithEdgeAttr.forward
    valid3 = valid[0][..., None]              # squeeze(0).unsqueeze(-1): [N, L, 1] bool
    nodes = nodes * valid3                    # mask invalid entries
    N = nodes.shape[0]
    nodes_flat = nodes.reshape(N, -1)         # [N, L*C]
    x = nodes_flat[..., None]                 # unsqueeze(-1): [N, Lp, 1]
    # EdgeAttrGNNLayer.forward
    valid_sq = valid3[..., 0]                 # valid.squeeze(-1): [N, L] bool
    src, dst = edge_index[0], edge_index[1]
    logits = _lin_edge(edge_attr, W1, b1, W2, b2, W3, b3)[:, 0]  # [E]
    hops = _hops_to_target0(edge_index, N)
    hs, hd = hops[src], hops[dst]
    on_path = (hs >= 0) & (hd >= 0) & (hs == hd + 1)
    max_hop = hops.max()

    def _step(i, x_out):
        h = max_hop - i
        m = on_path & (hs == h) & (hd == h - 1)
        xf = x_out.reshape(N, -1)
        x_j = xf[src]
        valid_j = valid_sq[src].astype(jnp.float32).mean(axis=-1)
        ew = logits * valid_j
        # PyG-style grouped softmax over destination index
        ew_m = jnp.where(m, ew, -jnp.inf)
        seg_max = jax.ops.segment_max(ew_m, dst, num_segments=N)
        seg_max = jnp.where(jnp.isfinite(seg_max), seg_max, 0.0)
        e = jnp.where(m, jnp.exp(ew - seg_max[dst]), 0.0)
        denom = jax.ops.segment_sum(e, dst, num_segments=N)[dst] + 1e-16
        alpha = e / denom
        msg = x_j * alpha[:, None]
        out_h = jax.ops.segment_sum(msg, dst, num_segments=N)   # aggr='add'
        return x_out + out_h.reshape(x.shape)

    x_out = jax.lax.fori_loop(0, max_hop, _step, x)
    pred = x_out[..., 0]   # post_update = Identity (out_channels=-1), then squeeze(-1)
    return pred[:1]

if __name__ == "__main__":
    import jax
    _d = setup_inputs()
    print(jax.jit(kernel)(*tuple(_d.values())))

</pallas_src>

<mosaic_0001>
#map = affine_map<(d0, d1) -> (0)>
module attributes {stable_mosaic.version = 14 : i64} {
  func.func @_prop_body(%arg0: i32, %arg1: i32, %arg2: memref<800000xi32, #tpu.memory_space<hbm>>, %arg3: memref<800000xi32, #tpu.memory_space<hbm>>, %arg4: memref<800000xf32, #tpu.memory_space<hbm>>, %arg5: memref<51200xf32, #tpu.memory_space<hbm>>, %arg6: memref<51200xf32, #tpu.memory_space<hbm>>, %arg7: memref<10000xi32, #tpu.memory_space<vmem>>, %arg8: memref<10000xi32, #tpu.memory_space<vmem>>, %arg9: memref<10000xf32, #tpu.memory_space<vmem>>, %arg10: memref<10000xf32, #tpu.memory_space<vmem>>, %arg11: memref<10000xf32, #tpu.memory_space<vmem>>, %arg12: memref<3200xf32, #tpu.memory_space<vmem>>, %arg13: memref<16xf32, #tpu.memory_space<vmem>>, %arg14: memref<16xi32, #tpu.memory_space<vmem>>, %arg15: memref<51200xf32, #tpu.memory_space<vmem_shared>>, %arg16: memref<51200xf32, #tpu.memory_space<vmem_shared>>) attributes {dimension_semantics = [#tpu.dimension_semantics<core_parallel>, #tpu.dimension_semantics<subcore_parallel>], iteration_bounds = array<i64: 2, 16>, scalar_prefetch = 0 : i64, scratch_operands = 10 : i64, tpu.core_type = #tpu.core_type<sc_vector_subcore>, window_params = [{transform_indices = #map}, {transform_indices = #map}, {transform_indices = #map}, {transform_indices = #map}, {transform_indices = #map}]} {
    %iota3A = tpu.iota {dimensions = array<i32: 0>} : vector<16xi32>
    %mul3A = arith.constant 3200 : i32
    %mul3A_0 = arith.muli %arg1, %mul3A : i32
    "tpu.region"() ({
      %run_scoped3A = tpu.sem_alloc : memref<!tpu.dma_semaphore, #tpu.memory_space<semaphore_mem>>
      %dma_start3A = tpu.memref_slice %arg15[%mul3A_0] : memref<51200xf32, #tpu.memory_space<vmem_shared>> -> memref<3200xf32, #tpu.memory_space<vmem_shared>>
      %dma_start3A_53 = tpu.memref_slice %arg5[%mul3A_0] : memref<51200xf32, #tpu.memory_space<hbm>> -> memref<3200xf32, #tpu.memory_space<hbm>>
      tpu.enqueue_dma source(%dma_start3A_53 : memref<3200xf32, #tpu.memory_space<hbm>>) target(%dma_start3A : memref<3200xf32, #tpu.memory_space<vmem_shared>>) target_semaphore(%run_scoped3A : memref<!tpu.dma_semaphore, #tpu.memory_space<semaphore_mem>>)
      %dma_wait3A = tpu.memref_slice %arg15[%mul3A_0] : memref<51200xf32, #tpu.memory_space<vmem_shared>> -> memref<3200xf32, #tpu.memory_space<vmem_shared>>
      %dma_wait3A_54 = tpu.memref_slice %arg5[%mul3A_0] : memref<51200xf32, #tpu.memory_space<hbm>> -> memref<3200xf32, #tpu.memory_space<hbm>>
      tpu.wait_dma2 semaphore(%run_scoped3A : memref<!tpu.dma_semaphore, #tpu.memory_space<semaphore_mem>>) src(%dma_wait3A_54 : memref<3200xf32, #tpu.memory_space<hbm>>) dst(%dma_wait3A : memref<3200xf32, #tpu.memory_space<vmem_shared>>)
      tpu.yield
    }) : () -> ()
    %scan3A = arith.constant 0 : i32
    %scan3A_1 = arith.constant 0 : i32
    %scan3A_2 = arith.constant 200 : i32
    %scan3A_3 = arith.addi %scan3A_1, %scan3A_2 : i32
    %scan3A_4 = arith.constant 1 : i32
    %scan3A_5 = scf.for %scan3A_53 = %scan3A_1 to %scan3A_3 step %scan3A_4 iter_args(%scan3A_54 = %scan3A) -> (i32)  : i32 {
      %broadcast_in_dim3A_55 = arith.constant 0.000000e+00 : f32
      %broadcast_in_dim3A_56 = vector.broadcast %broadcast_in_dim3A_55 : f32 to vector<16xf32>
      %mul3A_57 = arith.constant 16 : i32
      %mul3A_58 = arith.muli %scan3A_53, %mul3A_57 : i32
      %swap3A_59 = arith.index_cast %mul3A_58 : i32 to index
      %swap3A_60 = tpu.vector_load %arg12[%swap3A_59] {strides = array<i32>} : memref<3200xf32, #tpu.memory_space<vmem>>, vector<16xf32>,
      %swap3A_61 = vector.shape_cast %swap3A_60 : vector<16xf32> to vector<16xf32>
      %swap3A_62 = vector.shape_cast %broadcast_in_dim3A_56 : vector<16xf32> to vector<16xf32>
      tpu.vector_store %arg12[%swap3A_59], %swap3A_62 {strides = array<i32>} : memref<3200xf32, #tpu.memory_space<vmem>>, vector<16xf32>,
      %scan3A_63 = arith.constant 0 : i32
      scf.yield %scan3A_63 : i32
    }
    %scan3A_6 = arith.constant 200 : i32
    %eq3A = arith.constant 0 : i32
    %eq3A_7 = vector.broadcast %eq3A : i32 to vector<16xi32>
    %eq3A_8 = arith.cmpi eq, %iota3A, %eq3A_7 : vector<16xi32>
    %jit3A = arith.constant 1.000000e+00 : f32
    %jit3A_9 = arith.constant 0.000000e+00 : f32
    %broadcast_in_dim3A = vector.broadcast %jit3A : f32 to vector<16xf32>
    %broadcast_in_dim3A_10 = vector.broadcast %jit3A_9 : f32 to vector<16xf32>
    %select_n3A = arith.select %eq3A_8, %broadcast_in_dim3A, %broadcast_in_dim3A_10 : vector<16xi1>, vector<16xf32>
    %swap3A = arith.constant 0 : index
    %swap3A_11 = tpu.vector_load %arg13[%swap3A] {strides = array<i32>} : memref<16xf32, #tpu.memory_space<vmem>>, vector<16xf32>,
    %swap3A_12 = vector.shape_cast %swap3A_11 : vector<16xf32> to vector<16xf32>
    %swap3A_13 = vector.shape_cast %select_n3A : vector<16xf32> to vector<16xf32>
    tpu.vector_store %arg13[%swap3A], %swap3A_13 {strides = array<i32>} : memref<16xf32, #tpu.memory_space<vmem>>, vector<16xf32>,
    %eq3A_14 = arith.constant 0 : i32
    %eq3A_15 = vector.broadcast %eq3A_14 : i32 to vector<16xi32>
    %eq3A_16 = arith.cmpi eq, %iota3A, %eq3A_15 : vector<16xi32>
    %jit3A_17 = arith.constant 0 : i32
    %jit3A_18 = arith.constant 50008 : i32
    %broadcast_in_dim3A_19 = vector.broadcast %jit3A_17 : i32 to vector<16xi32>
    %broadcast_in_dim3A_20 = vector.broadcast %jit3A_18 : i32 to vector<16xi32>
    %select_n3A_21 = arith.select %eq3A_16, %broadcast_in_dim3A_19, %broadcast_in_dim3A_20 : vector<16xi1>, vector<16xi32>
    %swap3A_22 = arith.constant 0 : index
    %swap3A_23 = tpu.vector_load %arg14[%swap3A_22] {strides = array<i32>} : memref<16xi32, #tpu.memory_space<vmem>>, vector<16xi32>,
    %swap3A_24 = vector.shape_cast %swap3A_23 : vector<16xi32> to vector<16xi32>
    %swap3A_25 = vector.shape_cast %select_n3A_21 : vector<16xi32> to vector<16xi32>
    tpu.vector_store %arg14[%swap3A_22], %swap3A_25 {strides = array<i32>} : memref<16xi32, #tpu.memory_space<vmem>>, vector<16xi32>,
    "tpu.region"() ({
      %run_scoped3A = tpu.sem_alloc : memref<!tpu.dma_semaphore, #tpu.memory_space<semaphore_mem>>
      %dma_start3A = tpu.memref_slice %arg16[%mul3A_0] : memref<51200xf32, #tpu.memory_space<vmem_shared>> -> memref<3200xf32, #tpu.memory_space<vmem_shared>>
      %dma_start3A_53 = tpu.memref_slice %arg16[%mul3A_0] : memref<51200xf32, #tpu.memory_space<vmem_shared>> -> memref<3200xf32, #tpu.memory_space<vmem_shared>>
      tpu.enqueue_dma source(%arg12 : memref<3200xf32, #tpu.memory_space<vmem>>) target(%dma_start3A_53 : memref<3200xf32, #tpu.memory_space<vmem_shared>>) target_semaphore(%run_scoped3A : memref<!tpu.dma_semaphore, #tpu.memory_space<semaphore_mem>>)
      %dma_wait3A = tpu.memref_slice %arg16[%mul3A_0] : memref<51200xf32, #tpu.memory_space<vmem_shared>> -> memref<3200xf32, #tpu.memory_space<vmem_shared>>
      %dma_wait3A_54 = tpu.memref_slice %arg16[%mul3A_0] : memref<51200xf32, #tpu.memory_space<vmem_shared>> -> memref<3200xf32, #tpu.memory_space<vmem_shared>>
      tpu.wait_dma2 semaphore(%run_scoped3A : memref<!tpu.dma_semaphore, #tpu.memory_space<semaphore_mem>>) src(%arg12 : memref<3200xf32, #tpu.memory_space<vmem>>) dst(%dma_wait3A_54 : memref<3200xf32, #tpu.memory_space<vmem_shared>>)
      tpu.yield
    }) : () -> ()
    %barrier3A = arith.constant 0 : index
    tpu.barrier barrier_id(%barrier3A)
    %scan3A_26 = arith.constant 0 : i32
    %scan3A_27 = arith.constant 0 : i32
    %scan3A_28 = arith.constant 5 : i32
    %scan3A_29 = arith.addi %scan3A_27, %scan3A_28 : i32
    %scan3A_30 = arith.constant 1 : i32
    %scan3A_31 = scf.for %scan3A_53 = %scan3A_27 to %scan3A_29 step %scan3A_30 iter_args(%scan3A_54 = %scan3A_26) -> (i32)  : i32 {
      %mul3A_55 = arith.constant 50000 : i32
      %mul3A_56 = arith.muli %arg1, %mul3A_55 : i32
      %mul3A_57 = arith.constant 10000 : i32
      %mul3A_58 = arith.muli %scan3A_53, %mul3A_57 : i32
      %add3A = arith.addi %mul3A_56, %mul3A_58 : i32
      "tpu.region"() ({
        %run_scoped3A = tpu.sem_alloc : memref<!tpu.dma_semaphore, #tpu.memory_space<semaphore_mem>>
        %dma_start3A = tpu.memref_slice %arg2[%add3A] : memref<800000xi32, #tpu.memory_space<hbm>> -> memref<10000xi32, #tpu.memory_space<hbm>>
        %dma_start3A_67 = tpu.memref_slice %arg2[%add3A] : memref<800000xi32, #tpu.memory_space<hbm>> -> memref<10000xi32, #tpu.memory_space<hbm>>
        tpu.enqueue_dma source(%dma_start3A_67 : memref<10000xi32, #tpu.memory_space<hbm>>) target(%arg7 : memref<10000xi32, #tpu.memory_space<vmem>>) target_semaphore(%run_scoped3A : memref<!tpu.dma_semaphore, #tpu.memory_space<semaphore_mem>>)
        %dma_wait3A = tpu.memref_slice %arg2[%add3A] : memref<800000xi32, #tpu.memory_space<hbm>> -> memref<10000xi32, #tpu.memory_space<hbm>>
        %dma_wait3A_68 = tpu.memref_slice %arg2[%add3A] : memref<800000xi32, #tpu.memory_space<hbm>> -> memref<10000xi32, #tpu.memory_space<hbm>>
        tpu.wait_dma2 semaphore(%run_scoped3A : memref<!tpu.dma_semaphore, #tpu.memory_space<semaphore_mem>>) src(%dma_wait3A_68 : memref<10000xi32, #tpu.memory_space<hbm>>) dst(%arg7 : memref<10000xi32, #tpu.memory_space<vmem>>)
        tpu.yield
      }) : () -> ()
      "tpu.region"() ({
        %run_scoped3A = tpu.sem_alloc : memref<!tpu.dma_semaphore, #tpu.memory_space<semaphore_mem>>
        %dma_start3A = tpu.memref_slice %arg3[%add3A] : memref<800000xi32, #tpu.memory_space<hbm>> -> memref<10000xi32, #tpu.memory_space<hbm>>
        %dma_start3A_67 = tpu.memref_slice %arg3[%add3A] : memref<800000xi32, #tpu.memory_space<hbm>> -> memref<10000xi32, #tpu.memory_space<hbm>>
        tpu.enqueue_dma source(%dma_start3A_67 : memref<10000xi32, #tpu.memory_space<hbm>>) target(%arg8 : memref<10000xi32, #tpu.memory_space<vmem>>) target_semaphore(%run_scoped3A : memref<!tpu.dma_semaphore, #tpu.memory_space<semaphore_mem>>)
        %dma_wait3A = tpu.memref_slice %arg3[%add3A] : memref<800000xi32, #tpu.memory_space<hbm>> -> memref<10000xi32, #tpu.memory_space<hbm>>
        %dma_wait3A_68 = tpu.memref_slice %arg3[%add3A] : memref<800000xi32, #tpu.memory_space<hbm>> -> memref<10000xi32, #tpu.memory_space<hbm>>
        tpu.wait_dma2 semaphore(%run_scoped3A : memref<!tpu.dma_semaphore, #tpu.memory_space<semaphore_mem>>) src(%dma_wait3A_68 : memref<10000xi32, #tpu.memory_space<hbm>>) dst(%arg8 : memref<10000xi32, #tpu.memory_space<vmem>>)
        tpu.yield
      }) : () -> ()
      "tpu.region"() ({
        %run_scoped3A = tpu.sem_alloc : memref<!tpu.dma_semaphore, #tpu.memory_space<semaphore_mem>>
        %dma_start3A = tpu.memref_slice %arg4[%add3A] : memref<800000xf32, #tpu.memory_space<hbm>> -> memref<10000xf32, #tpu.memory_space<hbm>>
        %dma_start3A_67 = tpu.memref_slice %arg4[%add3A] : memref<800000xf32, #tpu.memory_space<hbm>> -> memref<10000xf32, #tpu.memory_space<hbm>>
        tpu.enqueue_dma source(%dma_start3A_67 : memref<10000xf32, #tpu.memory_space<hbm>>) target(%arg9 : memref<10000xf32, #tpu.memory_space<vmem>>) target_semaphore(%run_scoped3A : memref<!tpu.dma_semaphore, #tpu.memory_space<semaphore_mem>>)
        %dma_wait3A = tpu.memref_slice %arg4[%add3A] : memref<800000xf32, #tpu.memory_space<hbm>> -> memref<10000xf32, #tpu.memory_space<hbm>>
        %dma_wait3A_68 = tpu.memref_slice %arg4[%add3A] : memref<800000xf32, #tpu.memory_space<hbm>> -> memref<10000xf32, #tpu.memory_space<hbm>>
        tpu.wait_dma2 semaphore(%run_scoped3A : memref<!tpu.dma_semaphore, #tpu.memory_space<semaphore_mem>>) src(%dma_wait3A_68 : memref<10000xf32, #tpu.memory_space<hbm>>) dst(%arg9 : memref<10000xf32, #tpu.memory_space<vmem>>)
        tpu.yield
      }) : () -> ()
      "tpu.region"() ({
        %run_scoped3A = tpu.sem_alloc : memref<!tpu.dma_semaphore, #tpu.memory_space<semaphore_mem>>
        %dma_start3A = arith.constant 0 : i32
        %dma_start3A_67 = tpu.memref_slice %arg15[%dma_start3A] : memref<51200xf32, #tpu.memory_space<vmem_shared>> -> memref<51200xf32, #tpu.memory_space<vmem_shared>>
        tpu.enqueue_indirect_dma source(%dma_start3A_67 : memref<51200xf32, #tpu.memory_space<vmem_shared>>) target(%arg10 : memref<10000xf32, #tpu.memory_space<vmem>>) offsets(%arg8 : memref<10000xi32, #tpu.memory_space<vmem>>) semaphore(%run_scoped3A : memref<!tpu.dma_semaphore, #tpu.memory_space<semaphore_mem>>)
        %dma_wait3A = arith.constant 0 : i32
        %dma_wait3A_68 = tpu.memref_slice %arg15[%dma_wait3A] : memref<51200xf32, #tpu.memory_space<vmem_shared>> -> memref<51200xf32, #tpu.memory_space<vmem_shared>>
        tpu.wait_indirect_dma semaphore(%run_scoped3A : memref<!tpu.dma_semaphore, #tpu.memory_space<semaphore_mem>>) src(%dma_wait3A_68 : memref<51200xf32, #tpu.memory_space<vmem_shared>>) dst(%arg10 : memref<10000xf32, #tpu.memory_space<vmem>>)
        tpu.yield
      }) : () -> ()
      %scan3A_59 = arith.constant 0 : i32
      %scan3A_60 = arith.constant 0 : i32
      %scan3A_61 = arith.constant 625 : i32
      %scan3A_62 = arith.addi %scan3A_60, %scan3A_61 : i32
      %scan3A_63 = arith.constant 1 : i32
      %scan3A_64 = scf.for %scan3A_67 = %scan3A_60 to %scan3A_62 step %scan3A_63 iter_args(%scan3A_68 = %scan3A_59) -> (i32)  : i32 {
        %mul3A_69 = arith.constant 16 : i32
        %mul3A_70 = arith.muli %scan3A_67, %mul3A_69 : i32
        %get3A = arith.index_cast %mul3A_70 : i32 to index
        %get3A_71 = tpu.vector_load %arg9[%get3A] {strides = array<i32>} : memref<10000xf32, #tpu.memory_space<vmem>>, vector<16xf32>,
        %get3A_72 = vector.shape_cast %get3A_71 : vector<16xf32> to vector<16xf32>
        %mul3A_73 = arith.constant 16 : i32
        %mul3A_74 = arith.muli %scan3A_67, %mul3A_73 : i32
        %get3A_75 = arith.index_cast %mul3A_74 : i32 to index
        %get3A_76 = tpu.vector_load %arg10[%get3A_75] {strides = array<i32>} : memref<10000xf32, #tpu.memory_space<vmem>>, vector<16xf32>,
        %get3A_77 = vector.shape_cast %get3A_76 : vector<16xf32> to vector<16xf32>
        %mul3A_78 = arith.mulf %get3A_72, %get3A_77 : vector<16xf32>
        %mul3A_79 = arith.constant 16 : i32
        %mul3A_80 = arith.muli %scan3A_67, %mul3A_79 : i32
        %swap3A_81 = arith.index_cast %mul3A_80 : i32 to index
        %swap3A_82 = tpu.vector_load %arg11[%swap3A_81] {strides = array<i32>} : memref<10000xf32, #tpu.memory_space<vmem>>, vector<16xf32>,
        %swap3A_83 = vector.shape_cast %swap3A_82 : vector<16xf32> to vector<16xf32>
        %swap3A_84 = vector.shape_cast %mul3A_78 : vector<16xf32> to vector<16xf32>
        tpu.vector_store %arg11[%swap3A_81], %swap3A_84 {strides = array<i32>} : memref<10000xf32, #tpu.memory_space<vmem>>, vector<16xf32>,
        %scan3A_85 = arith.constant 0 : i32
        scf.yield %scan3A_85 : i32
      }
      %scan3A_65 = arith.constant 625 : i32
      "tpu.region"() ({
        %run_scoped3A = tpu.sem_alloc : memref<!tpu.dma_semaphore, #tpu.memory_space<semaphore_mem>>
        %dma_start3A = arith.constant 0 : i32
        %dma_start3A_67 = tpu.memref_slice %arg16[%dma_start3A] : memref<51200xf32, #tpu.memory_space<vmem_shared>> -> memref<51200xf32, #tpu.memory_space<vmem_shared>>
        tpu.enqueue_indirect_dma source(%arg11 : memref<10000xf32, #tpu.memory_space<vmem>>) target(%dma_start3A_67 : memref<51200xf32, #tpu.memory_space<vmem_shared>>) offsets(%arg7 : memref<10000xi32, #tpu.memory_space<vmem>>) semaphore(%run_scoped3A : memref<!tpu.dma_semaphore, #tpu.memory_space<semaphore_mem>>) {add = true}
        %dma_wait3A = arith.constant 0 : i32
        %dma_wait3A_68 = tpu.memref_slice %arg16[%dma_wait3A] : memref<51200xf32, #tpu.memory_space<vmem_shared>> -> memref<51200xf32, #tpu.memory_space<vmem_shared>>
        tpu.wait_indirect_dma semaphore(%run_scoped3A : memref<!tpu.dma_semaphore, #tpu.memory_space<semaphore_mem>>) src(%arg11 : memref<10000xf32, #tpu.memory_space<vmem>>) dst(%dma_wait3A_68 : memref<51200xf32, #tpu.memory_space<vmem_shared>>)
        tpu.yield
      }) : () -> ()
      %scan3A_66 = arith.constant 0 : i32
      scf.yield %scan3A_66 : i32
    }
    %scan3A_32 = arith.constant 5 : i32
    %barrier3A_33 = arith.constant 0 : index
    tpu.barrier barrier_id(%barrier3A_33)
    "tpu.region"() ({
      %run_scoped3A = tpu.sem_alloc : memref<!tpu.dma_semaphore, #tpu.memory_space<semaphore_mem>>
      %dma_start3A = arith.constant 0 : i32
      %dma_start3A_53 = tpu.memref_slice %arg16[%dma_start3A] : memref<51200xf32, #tpu.memory_space<vmem_shared>> -> memref<51200xf32, #tpu.memory_space<vmem_shared>>
      tpu.enqueue_indirect_dma source(%arg13 : memref<16xf32, #tpu.memory_space<vmem>>) target(%dma_start3A_53 : memref<51200xf32, #tpu.memory_space<vmem_shared>>) offsets(%arg14 : memref<16xi32, #tpu.memory_space<vmem>>) semaphore(%run_scoped3A : memref<!tpu.dma_semaphore, #tpu.memory_space<semaphore_mem>>)
      %dma_wait3A = arith.constant 0 : i32
      %dma_wait3A_54 = tpu.memref_slice %arg16[%dma_wait3A] : memref<51200xf32, #tpu.memory_space<vmem_shared>> -> memref<51200xf32, #tpu.memory_space<vmem_shared>>
      tpu.wait_indirect_dma semaphore(%run_scoped3A : memref<!tpu.dma_semaphore, #tpu.memory_space<semaphore_mem>>) src(%arg13 : memref<16xf32, #tpu.memory_space<vmem>>) dst(%dma_wait3A_54 : memref<51200xf32, #tpu.memory_space<vmem_shared>>)
      tpu.yield
    }) : () -> ()
    "tpu.region"() ({
      %run_scoped3A = tpu.sem_alloc : memref<!tpu.dma_semaphore, #tpu.memory_space<semaphore_mem>>
      %dma_start3A = tpu.memref_slice %arg15[%mul3A_0] : memref<51200xf32, #tpu.memory_space<vmem_shared>> -> memref<3200xf32, #tpu.memory_space<vmem_shared>>
      %dma_start3A_53 = tpu.memref_slice %arg15[%mul3A_0] : memref<51200xf32, #tpu.memory_space<vmem_shared>> -> memref<3200xf32, #tpu.memory_space<vmem_shared>>
      tpu.enqueue_dma source(%arg12 : memref<3200xf32, #tpu.memory_space<vmem>>) target(%dma_start3A_53 : memref<3200xf32, #tpu.memory_space<vmem_shared>>) target_semaphore(%run_scoped3A : memref<!tpu.dma_semaphore, #tpu.memory_space<semaphore_mem>>)
      %dma_wait3A = tpu.memref_slice %arg15[%mul3A_0] : memref<51200xf32, #tpu.memory_space<vmem_shared>> -> memref<3200xf32, #tpu.memory_space<vmem_shared>>
      %dma_wait3A_54 = tpu.memref_slice %arg15[%mul3A_0] : memref<51200xf32, #tpu.memory_space<vmem_shared>> -> memref<3200xf32, #tpu.memory_space<vmem_shared>>
      tpu.wait_dma2 semaphore(%run_scoped3A : memref<!tpu.dma_semaphore, #tpu.memory_space<semaphore_mem>>) src(%arg12 : memref<3200xf32, #tpu.memory_space<vmem>>) dst(%dma_wait3A_54 : memref<3200xf32, #tpu.memory_space<vmem_shared>>)
      tpu.yield
    }) : () -> ()
    %barrier3A_34 = arith.constant 0 : index
    tpu.barrier barrier_id(%barrier3A_34)
    %scan3A_35 = arith.constant 0 : i32
    %scan3A_36 = arith.constant 0 : i32
    %scan3A_37 = arith.constant 5 : i32
    %scan3A_38 = arith.addi %scan3A_36, %scan3A_37 : i32
    %scan3A_39 = arith.constant 1 : i32
    %scan3A_40 = scf.for %scan3A_53 = %scan3A_36 to %scan3A_38 step %scan3A_39 iter_args(%scan3A_54 = %scan3A_35) -> (i32)  : i32 {
      %mul3A_55 = arith.constant 50000 : i32
      %mul3A_56 = arith.muli %arg1, %mul3A_55 : i32
      %mul3A_57 = arith.constant 10000 : i32
      %mul3A_58 = arith.muli %scan3A_53, %mul3A_57 : i32
      %add3A = arith.addi %mul3A_56, %mul3A_58 : i32
      "tpu.region"() ({
        %run_scoped3A = tpu.sem_alloc : memref<!tpu.dma_semaphore, #tpu.memory_space<semaphore_mem>>
        %dma_start3A = tpu.memref_slice %arg2[%add3A] : memref<800000xi32, #tpu.memory_space<hbm>> -> memref<10000xi32, #tpu.memory_space<hbm>>
        %dma_start3A_67 = tpu.memref_slice %arg2[%add3A] : memref<800000xi32, #tpu.memory_space<hbm>> -> memref<10000xi32, #tpu.memory_space<hbm>>
        tpu.enqueue_dma source(%dma_start3A_67 : memref<10000xi32, #tpu.memory_space<hbm>>) target(%arg7 : memref<10000xi32, #tpu.memory_space<vmem>>) target_semaphore(%run_scoped3A : memref<!tpu.dma_semaphore, #tpu.memory_space<semaphore_mem>>)
        %dma_wait3A = tpu.memref_slice %arg2[%add3A] : memref<800000xi32, #tpu.memory_space<hbm>> -> memref<10000xi32, #tpu.memory_space<hbm>>
        %dma_wait3A_68 = tpu.memref_slice %arg2[%add3A] : memref<800000xi32, #tpu.memory_space<hbm>> -> memref<10000xi32, #tpu.memory_space<hbm>>
        tpu.wait_dma2 semaphore(%run_scoped3A : memref<!tpu.dma_semaphore, #tpu.memory_space<semaphore_mem>>) src(%dma_wait3A_68 : memref<10000xi32, #tpu.memory_space<hbm>>) dst(%arg7 : memref<10000xi32, #tpu.memory_space<vmem>>)
        tpu.yield
      }) : () -> ()
      "tpu.region"() ({
        %run_scoped3A = tpu.sem_alloc : memref<!tpu.dma_semaphore, #tpu.memory_space<semaphore_mem>>
        %dma_start3A = tpu.memref_slice %arg3[%add3A] : memref<800000xi32, #tpu.memory_space<hbm>> -> memref<10000xi32, #tpu.memory_space<hbm>>
        %dma_start3A_67 = tpu.memref_slice %arg3[%add3A] : memref<800000xi32, #tpu.memory_space<hbm>> -> memref<10000xi32, #tpu.memory_space<hbm>>
        tpu.enqueue_dma source(%dma_start3A_67 : memref<10000xi32, #tpu.memory_space<hbm>>) target(%arg8 : memref<10000xi32, #tpu.memory_space<vmem>>) target_semaphore(%run_scoped3A : memref<!tpu.dma_semaphore, #tpu.memory_space<semaphore_mem>>)
        %dma_wait3A = tpu.memref_slice %arg3[%add3A] : memref<800000xi32, #tpu.memory_space<hbm>> -> memref<10000xi32, #tpu.memory_space<hbm>>
        %dma_wait3A_68 = tpu.memref_slice %arg3[%add3A] : memref<800000xi32, #tpu.memory_space<hbm>> -> memref<10000xi32, #tpu.memory_space<hbm>>
        tpu.wait_dma2 semaphore(%run_scoped3A : memref<!tpu.dma_semaphore, #tpu.memory_space<semaphore_mem>>) src(%dma_wait3A_68 : memref<10000xi32, #tpu.memory_space<hbm>>) dst(%arg8 : memref<10000xi32, #tpu.memory_space<vmem>>)
        tpu.yield
      }) : () -> ()
      "tpu.region"() ({
        %run_scoped3A = tpu.sem_alloc : memref<!tpu.dma_semaphore, #tpu.memory_space<semaphore_mem>>
        %dma_start3A = tpu.memref_slice %arg4[%add3A] : memref<800000xf32, #tpu.memory_space<hbm>> -> memref<10000xf32, #tpu.memory_space<hbm>>
        %dma_start3A_67 = tpu.memref_slice %arg4[%add3A] : memref<800000xf32, #tpu.memory_space<hbm>> -> memref<10000xf32, #tpu.memory_space<hbm>>
        tpu.enqueue_dma source(%dma_start3A_67 : memref<10000xf32, #tpu.memory_space<hbm>>) target(%arg9 : memref<10000xf32, #tpu.memory_space<vmem>>) target_semaphore(%run_scoped3A : memref<!tpu.dma_semaphore, #tpu.memory_space<semaphore_mem>>)
        %dma_wait3A = tpu.memref_slice %arg4[%add3A] : memref<800000xf32, #tpu.memory_space<hbm>> -> memref<10000xf32, #tpu.memory_space<hbm>>
        %dma_wait3A_68 = tpu.memref_slice %arg4[%add3A] : memref<800000xf32, #tpu.memory_space<hbm>> -> memref<10000xf32, #tpu.memory_space<hbm>>
        tpu.wait_dma2 semaphore(%run_scoped3A : memref<!tpu.dma_semaphore, #tpu.memory_space<semaphore_mem>>) src(%dma_wait3A_68 : memref<10000xf32, #tpu.memory_space<hbm>>) dst(%arg9 : memref<10000xf32, #tpu.memory_space<vmem>>)
        tpu.yield
      }) : () -> ()
      "tpu.region"() ({
        %run_scoped3A = tpu.sem_alloc : memref<!tpu.dma_semaphore, #tpu.memory_space<semaphore_mem>>
        %dma_start3A = arith.constant 0 : i32
        %dma_start3A_67 = tpu.memref_slice %arg16[%dma_start3A] : memref<51200xf32, #tpu.memory_space<vmem_shared>> -> memref<51200xf32, #tpu.memory_space<vmem_shared>>
        tpu.enqueue_indirect_dma source(%dma_start3A_67 : memref<51200xf32, #tpu.memory_space<vmem_shared>>) target(%arg10 : memref<10000xf32, #tpu.memory_space<vmem>>) offsets(%arg8 : memref<10000xi32, #tpu.memory_space<vmem>>) semaphore(%run_scoped3A : memref<!tpu.dma_semaphore, #tpu.memory_space<semaphore_mem>>)
        %dma_wait3A = arith.constant 0 : i32
        %dma_wait3A_68 = tpu.memref_slice %arg16[%dma_wait3A] : memref<51200xf32, #tpu.memory_space<vmem_shared>> -> memref<51200xf32, #tpu.memory_space<vmem_shared>>
        tpu.wait_indirect_dma semaphore(%run_scoped3A : memref<!tpu.dma_semaphore, #tpu.memory_space<semaphore_mem>>) src(%dma_wait3A_68 : memref<51200xf32, #tpu.memory_space<vmem_shared>>) dst(%arg10 : memref<10000xf32, #tpu.memory_space<vmem>>)
        tpu.yield
      }) : () -> ()
      %scan3A_59 = arith.constant 0 : i32
      %scan3A_60 = arith.constant 0 : i32
      %scan3A_61 = arith.constant 625 : i32
      %scan3A_62 = arith.addi %scan3A_60, %scan3A_61 : i32
      %scan3A_63 = arith.constant 1 : i32
      %scan3A_64 = scf.for %scan3A_67 = %scan3A_60 to %scan3A_62 step %scan3A_63 iter_args(%scan3A_68 = %scan3A_59) -> (i32)  : i32 {
        %mul3A_69 = arith.constant 16 : i32
        %mul3A_70 = arith.muli %scan3A_67, %mul3A_69 : i32
        %get3A = arith.index_cast %mul3A_70 : i32 to index
        %get3A_71 = tpu.vector_load %arg9[%get3A] {strides = array<i32>} : memref<10000xf32, #tpu.memory_space<vmem>>, vector<16xf32>,
        %get3A_72 = vector.shape_cast %get3A_71 : vector<16xf32> to vector<16xf32>
        %mul3A_73 = arith.constant 16 : i32
        %mul3A_74 = arith.muli %scan3A_67, %mul3A_73 : i32
        %get3A_75 = arith.index_cast %mul3A_74 : i32 to index
        %get3A_76 = tpu.vector_load %arg10[%get3A_75] {strides = array<i32>} : memref<10000xf32, #tpu.memory_space<vmem>>, vector<16xf32>,
        %get3A_77 = vector.shape_cast %get3A_76 : vector<16xf32> to vector<16xf32>
        %mul3A_78 = arith.mulf %get3A_72, %get3A_77 : vector<16xf32>
        %mul3A_79 = arith.constant 16 : i32
        %mul3A_80 = arith.muli %scan3A_67, %mul3A_79 : i32
        %swap3A_81 = arith.index_cast %mul3A_80 : i32 to index
        %swap3A_82 = tpu.vector_load %arg11[%swap3A_81] {strides = array<i32>} : memref<10000xf32, #tpu.memory_space<vmem>>, vector<16xf32>,
        %swap3A_83 = vector.shape_cast %swap3A_82 : vector<16xf32> to vector<16xf32>
        %swap3A_84 = vector.shape_cast %mul3A_78 : vector<16xf32> to vector<16xf32>
        tpu.vector_store %arg11[%swap3A_81], %swap3A_84 {strides = array<i32>} : memref<10000xf32, #tpu.memory_space<vmem>>, vector<16xf32>,
        %scan3A_85 = arith.constant 0 : i32
        scf.yield %scan3A_85 : i32
      }
      %scan3A_65 = arith.constant 625 : i32
      "tpu.region"() ({
        %run_scoped3A = tpu.sem_alloc : memref<!tpu.dma_semaphore, #tpu.memory_space<semaphore_mem>>
        %dma_start3A = arith.constant 0 : i32
        %dma_start3A_67 = tpu.memref_slice %arg15[%dma_start3A] : memref<51200xf32, #tpu.memory_space<vmem_shared>> -> memref<51200xf32, #tpu.memory_space<vmem_shared>>
        tpu.enqueue_indirect_dma source(%arg11 : memref<10000xf32, #tpu.memory_space<vmem>>) target(%dma_start3A_67 : memref<51200xf32, #tpu.memory_space<vmem_shared>>) offsets(%arg7 : memref<10000xi32, #tpu.memory_space<vmem>>) semaphore(%run_scoped3A : memref<!tpu.dma_semaphore, #tpu.memory_space<semaphore_mem>>) {add = true}
        %dma_wait3A = arith.constant 0 : i32
        %dma_wait3A_68 = tpu.memref_slice %arg15[%dma_wait3A] : memref<51200xf32, #tpu.memory_space<vmem_shared>> -> memref<51200xf32, #tpu.memory_space<vmem_shared>>
        tpu.wait_indirect_dma semaphore(%run_scoped3A : memref<!tpu.dma_semaphore, #tpu.memory_space<semaphore_mem>>) src(%arg11 : memref<10000xf32, #tpu.memory_space<vmem>>) dst(%dma_wait3A_68 : memref<51200xf32, #tpu.memory_space<vmem_shared>>)
        tpu.yield
      }) : () -> ()
      %scan3A_66 = arith.constant 0 : i32
      scf.yield %scan3A_66 : i32
    }
    %scan3A_41 = arith.constant 5 : i32
    %barrier3A_42 = arith.constant 0 : index
    tpu.barrier barrier_id(%barrier3A_42)
    "tpu.region"() ({
      %run_scoped3A = tpu.sem_alloc : memref<!tpu.dma_semaphore, #tpu.memory_space<semaphore_mem>>
      %dma_start3A = arith.constant 0 : i32
      %dma_start3A_53 = tpu.memref_slice %arg15[%dma_start3A] : memref<51200xf32, #tpu.memory_space<vmem_shared>> -> memref<51200xf32, #tpu.memory_space<vmem_shared>>
      tpu.enqueue_indirect_dma source(%arg13 : memref<16xf32, #tpu.memory_space<vmem>>) target(%dma_start3A_53 : memref<51200xf32, #tpu.memory_space<vmem_shared>>) offsets(%arg14 : memref<16xi32, #tpu.memory_space<vmem>>) semaphore(%run_scoped3A : memref<!tpu.dma_semaphore, #tpu.memory_space<semaphore_mem>>)
      %dma_wait3A = arith.constant 0 : i32
      %dma_wait3A_54 = tpu.memref_slice %arg15[%dma_wait3A] : memref<51200xf32, #tpu.memory_space<vmem_shared>> -> memref<51200xf32, #tpu.memory_space<vmem_shared>>
      tpu.wait_indirect_dma semaphore(%run_scoped3A : memref<!tpu.dma_semaphore, #tpu.memory_space<semaphore_mem>>) src(%arg13 : memref<16xf32, #tpu.memory_space<vmem>>) dst(%dma_wait3A_54 : memref<51200xf32, #tpu.memory_space<vmem_shared>>)
      tpu.yield
    }) : () -> ()
    "tpu.region"() ({
      %run_scoped3A = tpu.sem_alloc : memref<!tpu.dma_semaphore, #tpu.memory_space<semaphore_mem>>
      %dma_start3A = tpu.memref_slice %arg16[%mul3A_0] : memref<51200xf32, #tpu.memory_space<vmem_shared>> -> memref<3200xf32, #tpu.memory_space<vmem_shared>>
      %dma_start3A_53 = tpu.memref_slice %arg16[%mul3A_0] : memref<51200xf32, #tpu.memory_space<vmem_shared>> -> memref<3200xf32, #tpu.memory_space<vmem_shared>>
      tpu.enqueue_dma source(%arg12 : memref<3200xf32, #tpu.memory_space<vmem>>) target(%dma_start3A_53 : memref<3200xf32, #tpu.memory_space<vmem_shared>>) target_semaphore(%run_scoped3A : memref<!tpu.dma_semaphore, #tpu.memory_space<semaphore_mem>>)
      %dma_wait3A = tpu.memref_slice %arg16[%mul3A_0] : memref<51200xf32, #tpu.memory_space<vmem_shared>> -> memref<3200xf32, #tpu.memory_space<vmem_shared>>
      %dma_wait3A_54 = tpu.memref_slice %arg16[%mul3A_0] : memref<51200xf32, #tpu.memory_space<vmem_shared>> -> memref<3200xf32, #tpu.memory_space<vmem_shared>>
      tpu.wait_dma2 semaphore(%run_scoped3A : memref<!tpu.dma_semaphore, #tpu.memory_space<semaphore_mem>>) src(%arg12 : memref<3200xf32, #tpu.memory_space<vmem>>) dst(%dma_wait3A_54 : memref<3200xf32, #tpu.memory_space<vmem_shared>>)
      tpu.yield
    }) : () -> ()
    %barrier3A_43 = arith.constant 0 : index
    tpu.barrier barrier_id(%barrier3A_43)
    %scan3A_44 = arith.constant 0 : i32
    %scan3A_45 = arith.constant 0 : i32
    %scan3A_46 = arith.constant 5 : i32
    %scan3A_47 = arith.addi %scan3A_45, %scan3A_46 : i32
    %scan3A_48 = arith.constant 1 : i32
    %scan3A_49 = scf.for %scan3A_53 = %scan3A_45 to %scan3A_47 step %scan3A_48 iter_args(%scan3A_54 = %scan3A_44) -> (i32)  : i32 {
      %mul3A_55 = arith.constant 50000 : i32
      %mul3A_56 = arith.muli %arg1, %mul3A_55 : i32
      %mul3A_57 = arith.constant 10000 : i32
      %mul3A_58 = arith.muli %scan3A_53, %mul3A_57 : i32
      %add3A = arith.addi %mul3A_56, %mul3A_58 : i32
      "tpu.region"() ({
        %run_scoped3A = tpu.sem_alloc : memref<!tpu.dma_semaphore, #tpu.memory_space<semaphore_mem>>
        %dma_start3A = tpu.memref_slice %arg2[%add3A] : memref<800000xi32, #tpu.memory_space<hbm>> -> memref<10000xi32, #tpu.memory_space<hbm>>
        %dma_start3A_67 = tpu.memref_slice %arg2[%add3A] : memref<800000xi32, #tpu.memory_space<hbm>> -> memref<10000xi32, #tpu.memory_space<hbm>>
        tpu.enqueue_dma source(%dma_start3A_67 : memref<10000xi32, #tpu.memory_space<hbm>>) target(%arg7 : memref<10000xi32, #tpu.memory_space<vmem>>) target_semaphore(%run_scoped3A : memref<!tpu.dma_semaphore, #tpu.memory_space<semaphore_mem>>)
        %dma_wait3A = tpu.memref_slice %arg2[%add3A] : memref<800000xi32, #tpu.memory_space<hbm>> -> memref<10000xi32, #tpu.memory_space<hbm>>
        %dma_wait3A_68 = tpu.memref_slice %arg2[%add3A] : memref<800000xi32, #tpu.memory_space<hbm>> -> memref<10000xi32, #tpu.memory_space<hbm>>
        tpu.wait_dma2 semaphore(%run_scoped3A : memref<!tpu.dma_semaphore, #tpu.memory_space<semaphore_mem>>) src(%dma_wait3A_68 : memref<10000xi32, #tpu.memory_space<hbm>>) dst(%arg7 : memref<10000xi32, #tpu.memory_space<vmem>>)
        tpu.yield
      }) : () -> ()
      "tpu.region"() ({
        %run_scoped3A = tpu.sem_alloc : memref<!tpu.dma_semaphore, #tpu.memory_space<semaphore_mem>>
        %dma_start3A = tpu.memref_slice %arg3[%add3A] : memref<800000xi32, #tpu.memory_space<hbm>> -> memref<10000xi32, #tpu.memory_space<hbm>>
        %dma_start3A_67 = tpu.memref_slice %arg3[%add3A] : memref<800000xi32, #tpu.memory_space<hbm>> -> memref<10000xi32, #tpu.memory_space<hbm>>
        tpu.enqueue_dma source(%dma_start3A_67 : memref<10000xi32, #tpu.memory_space<hbm>>) target(%arg8 : memref<10000xi32, #tpu.memory_space<vmem>>) target_semaphore(%run_scoped3A : memref<!tpu.dma_semaphore, #tpu.memory_space<semaphore_mem>>)
        %dma_wait3A = tpu.memref_slice %arg3[%add3A] : memref<800000xi32, #tpu.memory_space<hbm>> -> memref<10000xi32, #tpu.memory_space<hbm>>
        %dma_wait3A_68 = tpu.memref_slice %arg3[%add3A] : memref<800000xi32, #tpu.memory_space<hbm>> -> memref<10000xi32, #tpu.memory_space<hbm>>
        tpu.wait_dma2 semaphore(%run_scoped3A : memref<!tpu.dma_semaphore, #tpu.memory_space<semaphore_mem>>) src(%dma_wait3A_68 : memref<10000xi32, #tpu.memory_space<hbm>>) dst(%arg8 : memref<10000xi32, #tpu.memory_space<vmem>>)
        tpu.yield
      }) : () -> ()
      "tpu.region"() ({
        %run_scoped3A = tpu.sem_alloc : memref<!tpu.dma_semaphore, #tpu.memory_space<semaphore_mem>>
        %dma_start3A = tpu.memref_slice %arg4[%add3A] : memref<800000xf32, #tpu.memory_space<hbm>> -> memref<10000xf32, #tpu.memory_space<hbm>>
        %dma_start3A_67 = tpu.memref_slice %arg4[%add3A] : memref<800000xf32, #tpu.memory_space<hbm>> -> memref<10000xf32, #tpu.memory_space<hbm>>
        tpu.enqueue_dma source(%dma_start3A_67 : memref<10000xf32, #tpu.memory_space<hbm>>) target(%arg9 : memref<10000xf32, #tpu.memory_space<vmem>>) target_semaphore(%run_scoped3A : memref<!tpu.dma_semaphore, #tpu.memory_space<semaphore_mem>>)
        %dma_wait3A = tpu.memref_slice %arg4[%add3A] : memref<800000xf32, #tpu.memory_space<hbm>> -> memref<10000xf32, #tpu.memory_space<hbm>>
        %dma_wait3A_68 = tpu.memref_slice %arg4[%add3A] : memref<800000xf32, #tpu.memory_space<hbm>> -> memref<10000xf32, #tpu.memory_space<hbm>>
        tpu.wait_dma2 semaphore(%run_scoped3A : memref<!tpu.dma_semaphore, #tpu.memory_space<semaphore_mem>>) src(%dma_wait3A_68 : memref<10000xf32, #tpu.memory_space<hbm>>) dst(%arg9 : memref<10000xf32, #tpu.memory_space<vmem>>)
        tpu.yield
      }) : () -> ()
      "tpu.region"() ({
        %run_scoped3A = tpu.sem_alloc : memref<!tpu.dma_semaphore, #tpu.memory_space<semaphore_mem>>
        %dma_start3A = arith.constant 0 : i32
        %dma_start3A_67 = tpu.memref_slice %arg15[%dma_start3A] : memref<51200xf32, #tpu.memory_space<vmem_shared>> -> memref<51200xf32, #tpu.memory_space<vmem_shared>>
        tpu.enqueue_indirect_dma source(%dma_start3A_67 : memref<51200xf32, #tpu.memory_space<vmem_shared>>) target(%arg10 : memref<10000xf32, #tpu.memory_space<vmem>>) offsets(%arg8 : memref<10000xi32, #tpu.memory_space<vmem>>) semaphore(%run_scoped3A : memref<!tpu.dma_semaphore, #tpu.memory_space<semaphore_mem>>)
        %dma_wait3A = arith.constant 0 : i32
        %dma_wait3A_68 = tpu.memref_slice %arg15[%dma_wait3A] : memref<51200xf32, #tpu.memory_space<vmem_shared>> -> memref<51200xf32, #tpu.memory_space<vmem_shared>>
        tpu.wait_indirect_dma semaphore(%run_scoped3A : memref<!tpu.dma_semaphore, #tpu.memory_space<semaphore_mem>>) src(%dma_wait3A_68 : memref<51200xf32, #tpu.memory_space<vmem_shared>>) dst(%arg10 : memref<10000xf32, #tpu.memory_space<vmem>>)
        tpu.yield
      }) : () -> ()
      %scan3A_59 = arith.constant 0 : i32
      %scan3A_60 = arith.constant 0 : i32
      %scan3A_61 = arith.constant 625 : i32
      %scan3A_62 = arith.addi %scan3A_60, %scan3A_61 : i32
      %scan3A_63 = arith.constant 1 : i32
      %scan3A_64 = scf.for %scan3A_67 = %scan3A_60 to %scan3A_62 step %scan3A_63 iter_args(%scan3A_68 = %scan3A_59) -> (i32)  : i32 {
        %mul3A_69 = arith.constant 16 : i32
        %mul3A_70 = arith.muli %scan3A_67, %mul3A_69 : i32
        %get3A = arith.index_cast %mul3A_70 : i32 to index
        %get3A_71 = tpu.vector_load %arg9[%get3A] {strides = array<i32>} : memref<10000xf32, #tpu.memory_space<vmem>>, vector<16xf32>,
        %get3A_72 = vector.shape_cast %get3A_71 : vector<16xf32> to vector<16xf32>
        %mul3A_73 = arith.constant 16 : i32
        %mul3A_74 = arith.muli %scan3A_67, %mul3A_73 : i32
        %get3A_75 = arith.index_cast %mul3A_74 : i32 to index
        %get3A_76 = tpu.vector_load %arg10[%get3A_75] {strides = array<i32>} : memref<10000xf32, #tpu.memory_space<vmem>>, vector<16xf32>,
        %get3A_77 = vector.shape_cast %get3A_76 : vector<16xf32> to vector<16xf32>
        %mul3A_78 = arith.mulf %get3A_72, %get3A_77 : vector<16xf32>
        %mul3A_79 = arith.constant 16 : i32
        %mul3A_80 = arith.muli %scan3A_67, %mul3A_79 : i32
        %swap3A_81 = arith.index_cast %mul3A_80 : i32 to index
        %swap3A_82 = tpu.vector_load %arg11[%swap3A_81] {strides = array<i32>} : memref<10000xf32, #tpu.memory_space<vmem>>, vector<16xf32>,
        %swap3A_83 = vector.shape_cast %swap3A_82 : vector<16xf32> to vector<16xf32>
        %swap3A_84 = vector.shape_cast %mul3A_78 : vector<16xf32> to vector<16xf32>
        tpu.vector_store %arg11[%swap3A_81], %swap3A_84 {strides = array<i32>} : memref<10000xf32, #tpu.memory_space<vmem>>, vector<16xf32>,
        %scan3A_85 = arith.constant 0 : i32
        scf.yield %scan3A_85 : i32
      }
      %scan3A_65 = arith.constant 625 : i32
      "tpu.region"() ({
        %run_scoped3A = tpu.sem_alloc : memref<!tpu.dma_semaphore, #tpu.memory_space<semaphore_mem>>
        %dma_start3A = arith.constant 0 : i32
        %dma_start3A_67 = tpu.memref_slice %arg16[%dma_start3A] : memref<51200xf32, #tpu.memory_space<vmem_shared>> -> memref<51200xf32, #tpu.memory_space<vmem_shared>>
        tpu.enqueue_indirect_dma source(%arg11 : memref<10000xf32, #tpu.memory_space<vmem>>) target(%dma_start3A_67 : memref<51200xf32, #tpu.memory_space<vmem_shared>>) offsets(%arg7 : memref<10000xi32, #tpu.memory_space<vmem>>) semaphore(%run_scoped3A : memref<!tpu.dma_semaphore, #tpu.memory_space<semaphore_mem>>) {add = true}
        %dma_wait3A = arith.constant 0 : i32
        %dma_wait3A_68 = tpu.memref_slice %arg16[%dma_wait3A] : memref<51200xf32, #tpu.memory_space<vmem_shared>> -> memref<51200xf32, #tpu.memory_space<vmem_shared>>
        tpu.wait_indirect_dma semaphore(%run_scoped3A : memref<!tpu.dma_semaphore, #tpu.memory_space<semaphore_mem>>) src(%arg11 : memref<10000xf32, #tpu.memory_space<vmem>>) dst(%dma_wait3A_68 : memref<51200xf32, #tpu.memory_space<vmem_shared>>)
        tpu.yield
      }) : () -> ()
      %scan3A_66 = arith.constant 0 : i32
      scf.yield %scan3A_66 : i32
    }
    %scan3A_50 = arith.constant 5 : i32
    %barrier3A_51 = arith.constant 0 : index
    tpu.barrier barrier_id(%barrier3A_51)
    "tpu.region"() ({
      %run_scoped3A = tpu.sem_alloc : memref<!tpu.dma_semaphore, #tpu.memory_space<semaphore_mem>>
      %dma_start3A = arith.constant 0 : i32
      %dma_start3A_53 = tpu.memref_slice %arg16[%dma_start3A] : memref<51200xf32, #tpu.memory_space<vmem_shared>> -> memref<51200xf32, #tpu.memory_space<vmem_shared>>
      tpu.enqueue_indirect_dma source(%arg13 : memref<16xf32, #tpu.memory_space<vmem>>) target(%dma_start3A_53 : memref<51200xf32, #tpu.memory_space<vmem_shared>>) offsets(%arg14 : memref<16xi32, #tpu.memory_space<vmem>>) semaphore(%run_scoped3A : memref<!tpu.dma_semaphore, #tpu.memory_space<semaphore_mem>>)
      %dma_wait3A = arith.constant 0 : i32
      %dma_wait3A_54 = tpu.memref_slice %arg16[%dma_wait3A] : memref<51200xf32, #tpu.memory_space<vmem_shared>> -> memref<51200xf32, #tpu.memory_space<vmem_shared>>
      tpu.wait_indirect_dma semaphore(%run_scoped3A : memref<!tpu.dma_semaphore, #tpu.memory_space<semaphore_mem>>) src(%arg13 : memref<16xf32, #tpu.memory_space<vmem>>) dst(%dma_wait3A_54 : memref<51200xf32, #tpu.memory_space<vmem_shared>>)
      tpu.yield
    }) : () -> ()
    %barrier3A_52 = arith.constant 0 : index
    tpu.barrier barrier_id(%barrier3A_52)
    "tpu.region"() ({
      %run_scoped3A = tpu.sem_alloc : memref<!tpu.dma_semaphore, #tpu.memory_space<semaphore_mem>>
      %dma_start3A = tpu.memref_slice %arg6[%mul3A_0] : memref<51200xf32, #tpu.memory_space<hbm>> -> memref<3200xf32, #tpu.memory_space<hbm>>
      %dma_start3A_53 = tpu.memref_slice %arg16[%mul3A_0] : memref<51200xf32, #tpu.memory_space<vmem_shared>> -> memref<3200xf32, #tpu.memory_space<vmem_shared>>
      tpu.enqueue_dma source(%dma_start3A_53 : memref<3200xf32, #tpu.memory_space<vmem_shared>>) target(%dma_start3A : memref<3200xf32, #tpu.memory_space<hbm>>) target_semaphore(%run_scoped3A : memref<!tpu.dma_semaphore, #tpu.memory_space<semaphore_mem>>)
      %dma_wait3A = tpu.memref_slice %arg6[%mul3A_0] : memref<51200xf32, #tpu.memory_space<hbm>> -> memref<3200xf32, #tpu.memory_space<hbm>>
      %dma_wait3A_54 = tpu.memref_slice %arg16[%mul3A_0] : memref<51200xf32, #tpu.memory_space<vmem_shared>> -> memref<3200xf32, #tpu.memory_space<vmem_shared>>
      tpu.wait_dma2 semaphore(%run_scoped3A : memref<!tpu.dma_semaphore, #tpu.memory_space<semaphore_mem>>) src(%dma_wait3A_54 : memref<3200xf32, #tpu.memory_space<vmem_shared>>) dst(%dma_wait3A : memref<3200xf32, #tpu.memory_space<hbm>>)
      tpu.yield
    }) : () -> ()
    return
  }
}

#map = affine_map<(d0, d1) -> (0)>
#map1 = affine_map<(d0, d1) -> (0, 0)>
module attributes {stable_mosaic.version = 14 : i64} {
  func.func @_alpha_body(%arg0: i32, %arg1: i32, %arg2: memref<800000xi32, #tpu.memory_space<hbm>>, %arg3: memref<800000xi32, #tpu.memory_space<hbm>>, %arg4: memref<800000xf32, #tpu.memory_space<hbm>>, %arg5: memref<51200xi32, #tpu.memory_space<hbm>>, %arg6: memref<8x51200xf32, #tpu.memory_space<hbm>>, %arg7: memref<1600000xf32, #tpu.memory_space<hbm>>, %arg8: memref<10000xi32, #tpu.memory_space<vmem>>, %arg9: memref<10000xi32, #tpu.memory_space<vmem>>, %arg10: memref<10000xi32, #tpu.memory_space<vmem>>, %arg11: memref<10000xi32, #tpu.memory_space<vmem>>, %arg12: memref<10000xi32, #tpu.memory_space<vmem>>, %arg13: memref<10000xf32, #tpu.memory_space<vmem>>, %arg14: memref<10000xf32, #tpu.memory_space<vmem>>, %arg15: memref<10000xf32, #tpu.memory_space<vmem>>, %arg16: memref<10000xf32, #tpu.memory_space<vmem>>, %arg17: memref<3200xf32, #tpu.memory_space<vmem>>, %arg18: memref<3200xf32, #tpu.memory_space<vmem>>, %arg19: memref<3200xf32, #tpu.memory_space<vmem>>, %arg20: memref<51200xi32, #tpu.memory_space<vmem_shared>>, %arg21: memref<51200xf32, #tpu.memory_space<vmem_shared>>, %arg22: memref<51200xf32, #tpu.memory_space<vmem_shared>>, %arg23: memref<51200xf32, #tpu.memory_space<vmem_shared>>) attributes {dimension_semantics = [#tpu.dimension_semantics<core_parallel>, #tpu.dimension_semantics<subcore_parallel>], iteration_bounds = array<i64: 2, 16>, scalar_prefetch = 0 : i64, scratch_operands = 16 : i64, tpu.core_type = #tpu.core_type<sc_vector_subcore>, window_params = [{transform_indices = #map}, {transform_indices = #map}, {transform_indices = #map}, {transform_indices = #map}, {transform_indices = #map1}, {transform_indices = #map}]} {
    %iota3A = tpu.iota {dimensions = array<i32: 0>} : vector<16xi32>
    %mul3A = arith.constant 3200 : i32
    %mul3A_0 = arith.muli %arg1, %mul3A : i32
    %mul3A_1 = arith.constant 800000 : i32
    %mul3A_2 = arith.muli %arg0, %mul3A_1 : i32
    %mul3A_3 = arith.constant 50000 : i32
    %mul3A_4 = arith.muli %arg1, %mul3A_3 : i32
    %add3A = arith.addi %mul3A_2, %mul3A_4 : i32
    "tpu.region"() ({
      %run_scoped3A_119 = tpu.sem_alloc : memref<!tpu.dma_semaphore, #tpu.memory_space<semaphore_mem>>
      %dma_start3A = tpu.memref_slice %arg20[%mul3A_0] : memref<51200xi32, #tpu.memory_space<vmem_shared>> -> memref<3200xi32, #tpu.memory_space<vmem_shared>>
      %dma_start3A_120 = tpu.memref_slice %arg5[%mul3A_0] : memref<51200xi32, #tpu.memory_space<hbm>> -> memref<3200xi32, #tpu.memory_space<hbm>>
      tpu.enqueue_dma source(%dma_start3A_120 : memref<3200xi32, #tpu.memory_space<hbm>>) target(%dma_start3A : memref<3200xi32, #tpu.memory_space<vmem_shared>>) target_semaphore(%run_scoped3A_119 : memref<!tpu.dma_semaphore, #tpu.memory_space<semaphore_mem>>)
      %dma_wait3A = tpu.memref_slice %arg20[%mul3A_0] : memref<51200xi32, #tpu.memory_space<vmem_shared>> -> memref<3200xi32, #tpu.memory_space<vmem_shared>>
      %dma_wait3A_121 = tpu.memref_slice %arg5[%mul3A_0] : memref<51200xi32, #tpu.memory_space<hbm>> -> memref<3200xi32, #tpu.memory_space<hbm>>
      tpu.wait_dma2 semaphore(%run_scoped3A_119 : memref<!tpu.dma_semaphore, #tpu.memory_space<semaphore_mem>>) src(%dma_wait3A_121 : memref<3200xi32, #tpu.memory_space<hbm>>) dst(%dma_wait3A : memref<3200xi32, #tpu.memory_space<vmem_shared>>)
      tpu.yield
    }) : () -> ()
    %scan3A = arith.constant 0 : i32
    %scan3A_5 = arith.constant 0 : i32
    %scan3A_6 = arith.constant 200 : i32
    %scan3A_7 = arith.addi %scan3A_5, %scan3A_6 : i32
    %scan3A_8 = arith.constant 1 : i32
    %scan3A_9 = scf.for %scan3A_119 = %scan3A_5 to %scan3A_7 step %scan3A_8 iter_args(%scan3A_120 = %scan3A) -> (i32)  : i32 {
      %broadcast_in_dim3A = arith.constant 0.000000e+00 : f32
      %broadcast_in_dim3A_121 = vector.broadcast %broadcast_in_dim3A : f32 to vector<16xf32>
      %mul3A_122 = arith.constant 16 : i32
      %mul3A_123 = arith.muli %scan3A_119, %mul3A_122 : i32
      %swap3A = arith.index_cast %mul3A_123 : i32 to index
      %swap3A_124 = tpu.vector_load %arg17[%swap3A] {strides = array<i32>} : memref<3200xf32, #tpu.memory_space<vmem>>, vector<16xf32>,
      %swap3A_125 = vector.shape_cast %swap3A_124 : vector<16xf32> to vector<16xf32>
      %swap3A_126 = vector.shape_cast %broadcast_in_dim3A_121 : vector<16xf32> to vector<16xf32>
      tpu.vector_store %arg17[%swap3A], %swap3A_126 {strides = array<i32>} : memref<3200xf32, #tpu.memory_space<vmem>>, vector<16xf32>,
      %scan3A_127 = arith.constant 0 : i32
      scf.yield %scan3A_127 : i32
    }
    %scan3A_10 = arith.constant 200 : i32
    "tpu.region"() ({
      %run_scoped3A_119 = tpu.sem_alloc : memref<!tpu.dma_semaphore, #tpu.memory_space<semaphore_mem>>
      %dma_start3A = tpu.memref_slice %arg22[%mul3A_0] : memref<51200xf32, #tpu.memory_space<vmem_shared>> -> memref<3200xf32, #tpu.memory_space<vmem_shared>>
      %dma_start3A_120 = tpu.memref_slice %arg22[%mul3A_0] : memref<51200xf32, #tpu.memory_space<vmem_shared>> -> memref<3200xf32, #tpu.memory_space<vmem_shared>>
      tpu.enqueue_dma source(%arg17 : memref<3200xf32, #tpu.memory_space<vmem>>) target(%dma_start3A_120 : memref<3200xf32, #tpu.memory_space<vmem_shared>>) target_semaphore(%run_scoped3A_119 : memref<!tpu.dma_semaphore, #tpu.memory_space<semaphore_mem>>)
      %dma_wait3A = tpu.memref_slice %arg22[%mul3A_0] : memref<51200xf32, #tpu.memory_space<vmem_shared>> -> memref<3200xf32, #tpu.memory_space<vmem_shared>>
      %dma_wait3A_121 = tpu.memref_slice %arg22[%mul3A_0] : memref<51200xf32, #tpu.memory_space<vmem_shared>> -> memref<3200xf32, #tpu.memory_space<vmem_shared>>
      tpu.wait_dma2 semaphore(%run_scoped3A_119 : memref<!tpu.dma_semaphore, #tpu.memory_space<semaphore_mem>>) src(%arg17 : memref<3200xf32, #tpu.memory_space<vmem>>) dst(%dma_wait3A_121 : memref<3200xf32, #tpu.memory_space<vmem_shared>>)
      tpu.yield
    }) : () -> ()
    "tpu.region"() ({
      %run_scoped3A_119 = tpu.sem_alloc : memref<!tpu.dma_semaphore, #tpu.memory_space<semaphore_mem>>
      %dma_start3A = tpu.memref_slice %arg23[%mul3A_0] : memref<51200xf32, #tpu.memory_space<vmem_shared>> -> memref<3200xf32, #tpu.memory_space<vmem_shared>>
      %dma_start3A_120 = tpu.memref_slice %arg23[%mul3A_0] : memref<51200xf32, #tpu.memory_space<vmem_shared>> -> memref<3200xf32, #tpu.memory_space<vmem_shared>>
      tpu.enqueue_dma source(%arg17 : memref<3200xf32, #tpu.memory_space<vmem>>) target(%dma_start3A_120 : memref<3200xf32, #tpu.memory_space<vmem_shared>>) target_semaphore(%run_scoped3A_119 : memref<!tpu.dma_semaphore, #tpu.memory_space<semaphore_mem>>)
      %dma_wait3A = tpu.memref_slice %arg23[%mul3A_0] : memref<51200xf32, #tpu.memory_space<vmem_shared>> -> memref<3200xf32, #tpu.memory_space<vmem_shared>>
      %dma_wait3A_121 = tpu.memref_slice %arg23[%mul3A_0] : memref<51200xf32, #tpu.memory_space<vmem_shared>> -> memref<3200xf32, #tpu.memory_space<vmem_shared>>
      tpu.wait_dma2 semaphore(%run_scoped3A_119 : memref<!tpu.dma_semaphore, #tpu.memory_space<semaphore_mem>>) src(%arg17 : memref<3200xf32, #tpu.memory_space<vmem>>) dst(%dma_wait3A_121 : memref<3200xf32, #tpu.memory_space<vmem_shared>>)
      tpu.yield
    }) : () -> ()
    %scan3A_11 = arith.constant 0 : i32
    %scan3A_12 = arith.constant 0 : i32
    %scan3A_13 = arith.constant 200 : i32
    %scan3A_14 = arith.addi %scan3A_12, %scan3A_13 : i32
    %scan3A_15 = arith.constant 1 : i32
    %scan3A_16 = scf.for %scan3A_119 = %scan3A_12 to %scan3A_14 step %scan3A_15 iter_args(%scan3A_120 = %scan3A_11) -> (i32)  : i32 {
      %broadcast_in_dim3A = arith.constant 0.000000e+00 : f32
      %broadcast_in_dim3A_121 = vector.broadcast %broadcast_in_dim3A : f32 to vector<16xf32>
      %mul3A_122 = arith.constant 16 : i32
      %mul3A_123 = arith.muli %scan3A_119, %mul3A_122 : i32
      %swap3A = arith.index_cast %mul3A_123 : i32 to index
      %swap3A_124 = tpu.vector_load %arg19[%swap3A] {strides = array<i32>} : memref<3200xf32, #tpu.memory_space<vmem>>, vector<16xf32>,
      %swap3A_125 = vector.shape_cast %swap3A_124 : vector<16xf32> to vector<16xf32>
      %swap3A_126 = vector.shape_cast %broadcast_in_dim3A_121 : vector<16xf32> to vector<16xf32>
      tpu.vector_store %arg19[%swap3A], %swap3A_126 {strides = array<i32>} : memref<3200xf32, #tpu.memory_space<vmem>>, vector<16xf32>,
      %scan3A_127 = arith.constant 0 : i32
      scf.yield %scan3A_127 : i32
    }
    %scan3A_17 = arith.constant 200 : i32
    %run_scoped3A = arith.constant 0 : i32
    "tpu.region"() ({
      %run_scoped3A_119 = tpu.sem_alloc : memref<!tpu.dma_semaphore, #tpu.memory_space<semaphore_mem>>
      %dma_start3A = tpu.memref_slice %arg6[%run_scoped3A, %mul3A_0] : memref<8x51200xf32, #tpu.memory_space<hbm>> -> memref<1x3200xf32, #tpu.memory_space<hbm>>
      %dma_start3A_120 = tpu.memref_squeeze %dma_start3A : memref<1x3200xf32, #tpu.memory_space<hbm>> -> memref<3200xf32, #tpu.memory_space<hbm>>
      %dma_start3A_121 = tpu.memref_slice %arg6[%run_scoped3A, %mul3A_0] : memref<8x51200xf32, #tpu.memory_space<hbm>> -> memref<1x3200xf32, #tpu.memory_space<hbm>>
      %dma_start3A_122 = tpu.memref_squeeze %dma_start3A_121 : memref<1x3200xf32, #tpu.memory_space<hbm>> -> memref<3200xf32, #tpu.memory_space<hbm>>
      tpu.enqueue_dma source(%dma_start3A_122 : memref<3200xf32, #tpu.memory_space<hbm>>) target(%arg18 : memref<3200xf32, #tpu.memory_space<vmem>>) target_semaphore(%run_scoped3A_119 : memref<!tpu.dma_semaphore, #tpu.memory_space<semaphore_mem>>)
      %dma_wait3A = tpu.memref_slice %arg6[%run_scoped3A, %mul3A_0] : memref<8x51200xf32, #tpu.memory_space<hbm>> -> memref<1x3200xf32, #tpu.memory_space<hbm>>
      %dma_wait3A_123 = tpu.memref_squeeze %dma_wait3A : memref<1x3200xf32, #tpu.memory_space<hbm>> -> memref<3200xf32, #tpu.memory_space<hbm>>
      %dma_wait3A_124 = tpu.memref_slice %arg6[%run_scoped3A, %mul3A_0] : memref<8x51200xf32, #tpu.memory_space<hbm>> -> memref<1x3200xf32, #tpu.memory_space<hbm>>
      %dma_wait3A_125 = tpu.memref_squeeze %dma_wait3A_124 : memref<1x3200xf32, #tpu.memory_space<hbm>> -> memref<3200xf32, #tpu.memory_space<hbm>>
      tpu.wait_dma2 semaphore(%run_scoped3A_119 : memref<!tpu.dma_semaphore, #tpu.memory_space<semaphore_mem>>) src(%dma_wait3A_125 : memref<3200xf32, #tpu.memory_space<hbm>>) dst(%arg18 : memref<3200xf32, #tpu.memory_space<vmem>>)
      tpu.yield
    }) : () -> ()
    %scan3A_18 = arith.constant 0 : i32
    %scan3A_19 = arith.constant 0 : i32
    %scan3A_20 = arith.constant 200 : i32
    %scan3A_21 = arith.addi %scan3A_19, %scan3A_20 : i32
    %scan3A_22 = arith.constant 1 : i32
    %scan3A_23 = scf.for %scan3A_119 = %scan3A_19 to %scan3A_21 step %scan3A_22 iter_args(%scan3A_120 = %scan3A_18) -> (i32)  : i32 {
      %mul3A_121 = arith.constant 16 : i32
      %mul3A_122 = arith.muli %scan3A_119, %mul3A_121 : i32
      %get3A = arith.index_cast %mul3A_122 : i32 to index
      %get3A_123 = tpu.vector_load %arg19[%get3A] {strides = array<i32>} : memref<3200xf32, #tpu.memory_space<vmem>>, vector<16xf32>,
      %get3A_124 = vector.shape_cast %get3A_123 : vector<16xf32> to vector<16xf32>
      %mul3A_125 = arith.constant 16 : i32
      %mul3A_126 = arith.muli %scan3A_119, %mul3A_125 : i32
      %get3A_127 = arith.index_cast %mul3A_126 : i32 to index
      %get3A_128 = tpu.vector_load %arg18[%get3A_127] {strides = array<i32>} : memref<3200xf32, #tpu.memory_space<vmem>>, vector<16xf32>,
      %get3A_129 = vector.shape_cast %get3A_128 : vector<16xf32> to vector<16xf32>
      %add3A_130 = arith.addf %get3A_124, %get3A_129 : vector<16xf32>
      %mul3A_131 = arith.constant 16 : i32
      %mul3A_132 = arith.muli %scan3A_119, %mul3A_131 : i32
      %swap3A = arith.index_cast %mul3A_132 : i32 to index
      %swap3A_133 = tpu.vector_load %arg19[%swap3A] {strides = array<i32>} : memref<3200xf32, #tpu.memory_space<vmem>>, vector<16xf32>,
      %swap3A_134 = vector.shape_cast %swap3A_133 : vector<16xf32> to vector<16xf32>
      %swap3A_135 = vector.shape_cast %add3A_130 : vector<16xf32> to vector<16xf32>
      tpu.vector_store %arg19[%swap3A], %swap3A_135 {strides = array<i32>} : memref<3200xf32, #tpu.memory_space<vmem>>, vector<16xf32>,
      %scan3A_136 = arith.constant 0 : i32
      scf.yield %scan3A_136 : i32
    }
    %scan3A_24 = arith.constant 200 : i32
    %run_scoped3A_25 = arith.constant 1 : i32
    "tpu.region"() ({
      %run_scoped3A_119 = tpu.sem_alloc : memref<!tpu.dma_semaphore, #tpu.memory_space<semaphore_mem>>
      %dma_start3A = tpu.memref_slice %arg6[%run_scoped3A_25, %mul3A_0] : memref<8x51200xf32, #tpu.memory_space<hbm>> -> memref<1x3200xf32, #tpu.memory_space<hbm>>
      %dma_start3A_120 = tpu.memref_squeeze %dma_start3A : memref<1x3200xf32, #tpu.memory_space<hbm>> -> memref<3200xf32, #tpu.memory_space<hbm>>
      %dma_start3A_121 = tpu.memref_slice %arg6[%run_scoped3A_25, %mul3A_0] : memref<8x51200xf32, #tpu.memory_space<hbm>> -> memref<1x3200xf32, #tpu.memory_space<hbm>>
      %dma_start3A_122 = tpu.memref_squeeze %dma_start3A_121 : memref<1x3200xf32, #tpu.memory_space<hbm>> -> memref<3200xf32, #tpu.memory_space<hbm>>
      tpu.enqueue_dma source(%dma_start3A_122 : memref<3200xf32, #tpu.memory_space<hbm>>) target(%arg18 : memref<3200xf32, #tpu.memory_space<vmem>>) target_semaphore(%run_scoped3A_119 : memref<!tpu.dma_semaphore, #tpu.memory_space<semaphore_mem>>)
      %dma_wait3A = tpu.memref_slice %arg6[%run_scoped3A_25, %mul3A_0] : memref<8x51200xf32, #tpu.memory_space<hbm>> -> memref<1x3200xf32, #tpu.memory_space<hbm>>
      %dma_wait3A_123 = tpu.memref_squeeze %dma_wait3A : memref<1x3200xf32, #tpu.memory_space<hbm>> -> memref<3200xf32, #tpu.memory_space<hbm>>
      %dma_wait3A_124 = tpu.memref_slice %arg6[%run_scoped3A_25, %mul3A_0] : memref<8x51200xf32, #tpu.memory_space<hbm>> -> memref<1x3200xf32, #tpu.memory_space<hbm>>
      %dma_wait3A_125 = tpu.memref_squeeze %dma_wait3A_124 : memref<1x3200xf32, #tpu.memory_space<hbm>> -> memref<3200xf32, #tpu.memory_space<hbm>>
      tpu.wait_dma2 semaphore(%run_scoped3A_119 : memref<!tpu.dma_semaphore, #tpu.memory_space<semaphore_mem>>) src(%dma_wait3A_125 : memref<3200xf32, #tpu.memory_space<hbm>>) dst(%arg18 : memref<3200xf32, #tpu.memory_space<vmem>>)
      tpu.yield
    }) : () -> ()
    %scan3A_26 = arith.constant 0 : i32
    %scan3A_27 = arith.constant 0 : i32
    %scan3A_28 = arith.constant 200 : i32
    %scan3A_29 = arith.addi %scan3A_27, %scan3A_28 : i32
    %scan3A_30 = arith.constant 1 : i32
    %scan3A_31 = scf.for %scan3A_119 = %scan3A_27 to %scan3A_29 step %scan3A_30 iter_args(%scan3A_120 = %scan3A_26) -> (i32)  : i32 {
      %mul3A_121 = arith.constant 16 : i32
      %mul3A_122 = arith.muli %scan3A_119, %mul3A_121 : i32
      %get3A = arith.index_cast %mul3A_122 : i32 to index
      %get3A_123 = tpu.vector_load %arg19[%get3A] {strides = array<i32>} : memref<3200xf32, #tpu.memory_space<vmem>>, vector<16xf32>,
      %get3A_124 = vector.shape_cast %get3A_123 : vector<16xf32> to vector<16xf32>
      %mul3A_125 = arith.constant 16 : i32
      %mul3A_126 = arith.muli %scan3A_119, %mul3A_125 : i32
      %get3A_127 = arith.index_cast %mul3A_126 : i32 to index
      %get3A_128 = tpu.vector_load %arg18[%get3A_127] {strides = array<i32>} : memref<3200xf32, #tpu.memory_space<vmem>>, vector<16xf32>,
      %get3A_129 = vector.shape_cast %get3A_128 : vector<16xf32> to vector<16xf32>
      %add3A_130 = arith.addf %get3A_124, %get3A_129 : vector<16xf32>
      %mul3A_131 = arith.constant 16 : i32
      %mul3A_132 = arith.muli %scan3A_119, %mul3A_131 : i32
      %swap3A = arith.index_cast %mul3A_132 : i32 to index
      %swap3A_133 = tpu.vector_load %arg19[%swap3A] {strides = array<i32>} : memref<3200xf32, #tpu.memory_space<vmem>>, vector<16xf32>,
      %swap3A_134 = vector.shape_cast %swap3A_133 : vector<16xf32> to vector<16xf32>
      %swap3A_135 = vector.shape_cast %add3A_130 : vector<16xf32> to vector<16xf32>
      tpu.vector_store %arg19[%swap3A], %swap3A_135 {strides = array<i32>} : memref<3200xf32, #tpu.memory_space<vmem>>, vector<16xf32>,
      %scan3A_136 = arith.constant 0 : i32
      scf.yield %scan3A_136 : i32
    }
    %scan3A_32 = arith.constant 200 : i32
    %run_scoped3A_33 = arith.constant 2 : i32
    "tpu.region"() ({
      %run_scoped3A_119 = tpu.sem_alloc : memref<!tpu.dma_semaphore, #tpu.memory_space<semaphore_mem>>
      %dma_start3A = tpu.memref_slice %arg6[%run_scoped3A_33, %mul3A_0] : memref<8x51200xf32, #tpu.memory_space<hbm>> -> memref<1x3200xf32, #tpu.memory_space<hbm>>
      %dma_start3A_120 = tpu.memref_squeeze %dma_start3A : memref<1x3200xf32, #tpu.memory_space<hbm>> -> memref<3200xf32, #tpu.memory_space<hbm>>
      %dma_start3A_121 = tpu.memref_slice %arg6[%run_scoped3A_33, %mul3A_0] : memref<8x51200xf32, #tpu.memory_space<hbm>> -> memref<1x3200xf32, #tpu.memory_space<hbm>>
      %dma_start3A_122 = tpu.memref_squeeze %dma_start3A_121 : memref<1x3200xf32, #tpu.memory_space<hbm>> -> memref<3200xf32, #tpu.memory_space<hbm>>
      tpu.enqueue_dma source(%dma_start3A_122 : memref<3200xf32, #tpu.memory_space<hbm>>) target(%arg18 : memref<3200xf32, #tpu.memory_space<vmem>>) target_semaphore(%run_scoped3A_119 : memref<!tpu.dma_semaphore, #tpu.memory_space<semaphore_mem>>)
      %dma_wait3A = tpu.memref_slice %arg6[%run_scoped3A_33, %mul3A_0] : memref<8x51200xf32, #tpu.memory_space<hbm>> -> memref<1x3200xf32, #tpu.memory_space<hbm>>
      %dma_wait3A_123 = tpu.memref_squeeze %dma_wait3A : memref<1x3200xf32, #tpu.memory_space<hbm>> -> memref<3200xf32, #tpu.memory_space<hbm>>
      %dma_wait3A_124 = tpu.memref_slice %arg6[%run_scoped3A_33, %mul3A_0] : memref<8x51200xf32, #tpu.memory_space<hbm>> -> memref<1x3200xf32, #tpu.memory_space<hbm>>
      %dma_wait3A_125 = tpu.memref_squeeze %dma_wait3A_124 : memref<1x3200xf32, #tpu.memory_space<hbm>> -> memref<3200xf32, #tpu.memory_space<hbm>>
      tpu.wait_dma2 semaphore(%run_scoped3A_119 : memref<!tpu.dma_semaphore, #tpu.memory_space<semaphore_mem>>) src(%dma_wait3A_125 : memref<3200xf32, #tpu.memory_space<hbm>>) dst(%arg18 : memref<3200xf32, #tpu.memory_space<vmem>>)
      tpu.yield
    }) : () -> ()
    %scan3A_34 = arith.constant 0 : i32
    %scan3A_35 = arith.constant 0 : i32
    %scan3A_36 = arith.constant 200 : i32
    %scan3A_37 = arith.addi %scan3A_35, %scan3A_36 : i32
    %scan3A_38 = arith.constant 1 : i32
    %scan3A_39 = scf.for %scan3A_119 = %scan3A_35 to %scan3A_37 step %scan3A_38 iter_args(%scan3A_120 = %scan3A_34) -> (i32)  : i32 {
      %mul3A_121 = arith.constant 16 : i32
      %mul3A_122 = arith.muli %scan3A_119, %mul3A_121 : i32
      %get3A = arith.index_cast %mul3A_122 : i32 to index
      %get3A_123 = tpu.vector_load %arg19[%get3A] {strides = array<i32>} : memref<3200xf32, #tpu.memory_space<vmem>>, vector<16xf32>,
      %get3A_124 = vector.shape_cast %get3A_123 : vector<16xf32> to vector<16xf32>
      %mul3A_125 = arith.constant 16 : i32
      %mul3A_126 = arith.muli %scan3A_119, %mul3A_125 : i32
      %get3A_127 = arith.index_cast %mul3A_126 : i32 to index
      %get3A_128 = tpu.vector_load %arg18[%get3A_127] {strides = array<i32>} : memref<3200xf32, #tpu.memory_space<vmem>>, vector<16xf32>,
      %get3A_129 = vector.shape_cast %get3A_128 : vector<16xf32> to vector<16xf32>
      %add3A_130 = arith.addf %get3A_124, %get3A_129 : vector<16xf32>
      %mul3A_131 = arith.constant 16 : i32
      %mul3A_132 = arith.muli %scan3A_119, %mul3A_131 : i32
      %swap3A = arith.index_cast %mul3A_132 : i32 to index
      %swap3A_133 = tpu.vector_load %arg19[%swap3A] {strides = array<i32>} : memref<3200xf32, #tpu.memory_space<vmem>>, vector<16xf32>,
      %swap3A_134 = vector.shape_cast %swap3A_133 : vector<16xf32> to vector<16xf32>
      %swap3A_135 = vector.shape_cast %add3A_130 : vector<16xf32> to vector<16xf32>
      tpu.vector_store %arg19[%swap3A], %swap3A_135 {strides = array<i32>} : memref<3200xf32, #tpu.memory_space<vmem>>, vector<16xf32>,
      %scan3A_136 = arith.constant 0 : i32
      scf.yield %scan3A_136 : i32
    }
    %scan3A_40 = arith.constant 200 : i32
    %run_scoped3A_41 = arith.constant 3 : i32
    "tpu.region"() ({
      %run_scoped3A_119 = tpu.sem_alloc : memref<!tpu.dma_semaphore, #tpu.memory_space<semaphore_mem>>
      %dma_start3A = tpu.memref_slice %arg6[%run_scoped3A_41, %mul3A_0] : memref<8x51200xf32, #tpu.memory_space<hbm>> -> memref<1x3200xf32, #tpu.memory_space<hbm>>
      %dma_start3A_120 = tpu.memref_squeeze %dma_start3A : memref<1x3200xf32, #tpu.memory_space<hbm>> -> memref<3200xf32, #tpu.memory_space<hbm>>
      %dma_start3A_121 = tpu.memref_slice %arg6[%run_scoped3A_41, %mul3A_0] : memref<8x51200xf32, #tpu.memory_space<hbm>> -> memref<1x3200xf32, #tpu.memory_space<hbm>>
      %dma_start3A_122 = tpu.memref_squeeze %dma_start3A_121 : memref<1x3200xf32, #tpu.memory_space<hbm>> -> memref<3200xf32, #tpu.memory_space<hbm>>
      tpu.enqueue_dma source(%dma_start3A_122 : memref<3200xf32, #tpu.memory_space<hbm>>) target(%arg18 : memref<3200xf32, #tpu.memory_space<vmem>>) target_semaphore(%run_scoped3A_119 : memref<!tpu.dma_semaphore, #tpu.memory_space<semaphore_mem>>)
      %dma_wait3A = tpu.memref_slice %arg6[%run_scoped3A_41, %mul3A_0] : memref<8x51200xf32, #tpu.memory_space<hbm>> -> memref<1x3200xf32, #tpu.memory_space<hbm>>
      %dma_wait3A_123 = tpu.memref_squeeze %dma_wait3A : memref<1x3200xf32, #tpu.memory_space<hbm>> -> memref<3200xf32, #tpu.memory_space<hbm>>
      %dma_wait3A_124 = tpu.memref_slice %arg6[%run_scoped3A_41, %mul3A_0] : memref<8x51200xf32, #tpu.memory_space<hbm>> -> memref<1x3200xf32, #tpu.memory_space<hbm>>
      %dma_wait3A_125 = tpu.memref_squeeze %dma_wait3A_124 : memref<1x3200xf32, #tpu.memory_space<hbm>> -> memref<3200xf32, #tpu.memory_space<hbm>>
      tpu.wait_dma2 semaphore(%run_scoped3A_119 : memref<!tpu.dma_semaphore, #tpu.memory_space<semaphore_mem>>) src(%dma_wait3A_125 : memref<3200xf32, #tpu.memory_space<hbm>>) dst(%arg18 : memref<3200xf32, #tpu.memory_space<vmem>>)
      tpu.yield
    }) : () -> ()
    %scan3A_42 = arith.constant 0 : i32
    %scan3A_43 = arith.constant 0 : i32
    %scan3A_44 = arith.constant 200 : i32
    %scan3A_45 = arith.addi %scan3A_43, %scan3A_44 : i32
    %scan3A_46 = arith.constant 1 : i32
    %scan3A_47 = scf.for %scan3A_119 = %scan3A_43 to %scan3A_45 step %scan3A_46 iter_args(%scan3A_120 = %scan3A_42) -> (i32)  : i32 {
      %mul3A_121 = arith.constant 16 : i32
      %mul3A_122 = arith.muli %scan3A_119, %mul3A_121 : i32
      %get3A = arith.index_cast %mul3A_122 : i32 to index
      %get3A_123 = tpu.vector_load %arg19[%get3A] {strides = array<i32>} : memref<3200xf32, #tpu.memory_space<vmem>>, vector<16xf32>,
      %get3A_124 = vector.shape_cast %get3A_123 : vector<16xf32> to vector<16xf32>
      %mul3A_125 = arith.constant 16 : i32
      %mul3A_126 = arith.muli %scan3A_119, %mul3A_125 : i32
      %get3A_127 = arith.index_cast %mul3A_126 : i32 to index
      %get3A_128 = tpu.vector_load %arg18[%get3A_127] {strides = array<i32>} : memref<3200xf32, #tpu.memory_space<vmem>>, vector<16xf32>,
      %get3A_129 = vector.shape_cast %get3A_128 : vector<16xf32> to vector<16xf32>
      %add3A_130 = arith.addf %get3A_124, %get3A_129 : vector<16xf32>
      %mul3A_131 = arith.constant 16 : i32
      %mul3A_132 = arith.muli %scan3A_119, %mul3A_131 : i32
      %swap3A = arith.index_cast %mul3A_132 : i32 to index
      %swap3A_133 = tpu.vector_load %arg19[%swap3A] {strides = array<i32>} : memref<3200xf32, #tpu.memory_space<vmem>>, vector<16xf32>,
      %swap3A_134 = vector.shape_cast %swap3A_133 : vector<16xf32> to vector<16xf32>
      %swap3A_135 = vector.shape_cast %add3A_130 : vector<16xf32> to vector<16xf32>
      tpu.vector_store %arg19[%swap3A], %swap3A_135 {strides = array<i32>} : memref<3200xf32, #tpu.memory_space<vmem>>, vector<16xf32>,
      %scan3A_136 = arith.constant 0 : i32
      scf.yield %scan3A_136 : i32
    }
    %scan3A_48 = arith.constant 200 : i32
    %run_scoped3A_49 = arith.constant 4 : i32
    "tpu.region"() ({
      %run_scoped3A_119 = tpu.sem_alloc : memref<!tpu.dma_semaphore, #tpu.memory_space<semaphore_mem>>
      %dma_start3A = tpu.memref_slice %arg6[%run_scoped3A_49, %mul3A_0] : memref<8x51200xf32, #tpu.memory_space<hbm>> -> memref<1x3200xf32, #tpu.memory_space<hbm>>
      %dma_start3A_120 = tpu.memref_squeeze %dma_start3A : memref<1x3200xf32, #tpu.memory_space<hbm>> -> memref<3200xf32, #tpu.memory_space<hbm>>
      %dma_start3A_121 = tpu.memref_slice %arg6[%run_scoped3A_49, %mul3A_0] : memref<8x51200xf32, #tpu.memory_space<hbm>> -> memref<1x3200xf32, #tpu.memory_space<hbm>>
      %dma_start3A_122 = tpu.memref_squeeze %dma_start3A_121 : memref<1x3200xf32, #tpu.memory_space<hbm>> -> memref<3200xf32, #tpu.memory_space<hbm>>
      tpu.enqueue_dma source(%dma_start3A_122 : memref<3200xf32, #tpu.memory_space<hbm>>) target(%arg18 : memref<3200xf32, #tpu.memory_space<vmem>>) target_semaphore(%run_scoped3A_119 : memref<!tpu.dma_semaphore, #tpu.memory_space<semaphore_mem>>)
      %dma_wait3A = tpu.memref_slice %arg6[%run_scoped3A_49, %mul3A_0] : memref<8x51200xf32, #tpu.memory_space<hbm>> -> memref<1x3200xf32, #tpu.memory_space<hbm>>
      %dma_wait3A_123 = tpu.memref_squeeze %dma_wait3A : memref<1x3200xf32, #tpu.memory_space<hbm>> -> memref<3200xf32, #tpu.memory_space<hbm>>
      %dma_wait3A_124 = tpu.memref_slice %arg6[%run_scoped3A_49, %mul3A_0] : memref<8x51200xf32, #tpu.memory_space<hbm>> -> memref<1x3200xf32, #tpu.memory_space<hbm>>
      %dma_wait3A_125 = tpu.memref_squeeze %dma_wait3A_124 : memref<1x3200xf32, #tpu.memory_space<hbm>> -> memref<3200xf32, #tpu.memory_space<hbm>>
      tpu.wait_dma2 semaphore(%run_scoped3A_119 : memref<!tpu.dma_semaphore, #tpu.memory_space<semaphore_mem>>) src(%dma_wait3A_125 : memref<3200xf32, #tpu.memory_space<hbm>>) dst(%arg18 : memref<3200xf32, #tpu.memory_space<vmem>>)
      tpu.yield
    }) : () -> ()
    %scan3A_50 = arith.constant 0 : i32
    %scan3A_51 = arith.constant 0 : i32
    %scan3A_52 = arith.constant 200 : i32
    %scan3A_53 = arith.addi %scan3A_51, %scan3A_52 : i32
    %scan3A_54 = arith.constant 1 : i32
    %scan3A_55 = scf.for %scan3A_119 = %scan3A_51 to %scan3A_53 step %scan3A_54 iter_args(%scan3A_120 = %scan3A_50) -> (i32)  : i32 {
      %mul3A_121 = arith.constant 16 : i32
      %mul3A_122 = arith.muli %scan3A_119, %mul3A_121 : i32
      %get3A = arith.index_cast %mul3A_122 : i32 to index
      %get3A_123 = tpu.vector_load %arg19[%get3A] {strides = array<i32>} : memref<3200xf32, #tpu.memory_space<vmem>>, vector<16xf32>,
      %get3A_124 = vector.shape_cast %get3A_123 : vector<16xf32> to vector<16xf32>
      %mul3A_125 = arith.constant 16 : i32
      %mul3A_126 = arith.muli %scan3A_119, %mul3A_125 : i32
      %get3A_127 = arith.index_cast %mul3A_126 : i32 to index
      %get3A_128 = tpu.vector_load %arg18[%get3A_127] {strides = array<i32>} : memref<3200xf32, #tpu.memory_space<vmem>>, vector<16xf32>,
      %get3A_129 = vector.shape_cast %get3A_128 : vector<16xf32> to vector<16xf32>
      %add3A_130 = arith.addf %get3A_124, %get3A_129 : vector<16xf32>
      %mul3A_131 = arith.constant 16 : i32
      %mul3A_132 = arith.muli %scan3A_119, %mul3A_131 : i32
      %swap3A = arith.index_cast %mul3A_132 : i32 to index
      %swap3A_133 = tpu.vector_load %arg19[%swap3A] {strides = array<i32>} : memref<3200xf32, #tpu.memory_space<vmem>>, vector<16xf32>,
      %swap3A_134 = vector.shape_cast %swap3A_133 : vector<16xf32> to vector<16xf32>
      %swap3A_135 = vector.shape_cast %add3A_130 : vector<16xf32> to vector<16xf32>
      tpu.vector_store %arg19[%swap3A], %swap3A_135 {strides = array<i32>} : memref<3200xf32, #tpu.memory_space<vmem>>, vector<16xf32>,
      %scan3A_136 = arith.constant 0 : i32
      scf.yield %scan3A_136 : i32
    }
    %scan3A_56 = arith.constant 200 : i32
    %run_scoped3A_57 = arith.constant 5 : i32
    "tpu.region"() ({
      %run_scoped3A_119 = tpu.sem_alloc : memref<!tpu.dma_semaphore, #tpu.memory_space<semaphore_mem>>
      %dma_start3A = tpu.memref_slice %arg6[%run_scoped3A_57, %mul3A_0] : memref<8x51200xf32, #tpu.memory_space<hbm>> -> memref<1x3200xf32, #tpu.memory_space<hbm>>
      %dma_start3A_120 = tpu.memref_squeeze %dma_start3A : memref<1x3200xf32, #tpu.memory_space<hbm>> -> memref<3200xf32, #tpu.memory_space<hbm>>
      %dma_start3A_121 = tpu.memref_slice %arg6[%run_scoped3A_57, %mul3A_0] : memref<8x51200xf32, #tpu.memory_space<hbm>> -> memref<1x3200xf32, #tpu.memory_space<hbm>>
      %dma_start3A_122 = tpu.memref_squeeze %dma_start3A_121 : memref<1x3200xf32, #tpu.memory_space<hbm>> -> memref<3200xf32, #tpu.memory_space<hbm>>
      tpu.enqueue_dma source(%dma_start3A_122 : memref<3200xf32, #tpu.memory_space<hbm>>) target(%arg18 : memref<3200xf32, #tpu.memory_space<vmem>>) target_semaphore(%run_scoped3A_119 : memref<!tpu.dma_semaphore, #tpu.memory_space<semaphore_mem>>)
      %dma_wait3A = tpu.memref_slice %arg6[%run_scoped3A_57, %mul3A_0] : memref<8x51200xf32, #tpu.memory_space<hbm>> -> memref<1x3200xf32, #tpu.memory_space<hbm>>
      %dma_wait3A_123 = tpu.memref_squeeze %dma_wait3A : memref<1x3200xf32, #tpu.memory_space<hbm>> -> memref<3200xf32, #tpu.memory_space<hbm>>
      %dma_wait3A_124 = tpu.memref_slice %arg6[%run_scoped3A_57, %mul3A_0] : memref<8x51200xf32, #tpu.memory_space<hbm>> -> memref<1x3200xf32, #tpu.memory_space<hbm>>
      %dma_wait3A_125 = tpu.memref_squeeze %dma_wait3A_124 : memref<1x3200xf32, #tpu.memory_space<hbm>> -> memref<3200xf32, #tpu.memory_space<hbm>>
      tpu.wait_dma2 semaphore(%run_scoped3A_119 : memref<!tpu.dma_semaphore, #tpu.memory_space<semaphore_mem>>) src(%dma_wait3A_125 : memref<3200xf32, #tpu.memory_space<hbm>>) dst(%arg18 : memref<3200xf32, #tpu.memory_space<vmem>>)
      tpu.yield
    }) : () -> ()
    %scan3A_58 = arith.constant 0 : i32
    %scan3A_59 = arith.constant 0 : i32
    %scan3A_60 = arith.constant 200 : i32
    %scan3A_61 = arith.addi %scan3A_59, %scan3A_60 : i32
    %scan3A_62 = arith.constant 1 : i32
    %scan3A_63 = scf.for %scan3A_119 = %scan3A_59 to %scan3A_61 step %scan3A_62 iter_args(%scan3A_120 = %scan3A_58) -> (i32)  : i32 {
      %mul3A_121 = arith.constant 16 : i32
      %mul3A_122 = arith.muli %scan3A_119, %mul3A_121 : i32
      %get3A = arith.index_cast %mul3A_122 : i32 to index
      %get3A_123 = tpu.vector_load %arg19[%get3A] {strides = array<i32>} : memref<3200xf32, #tpu.memory_space<vmem>>, vector<16xf32>,
      %get3A_124 = vector.shape_cast %get3A_123 : vector<16xf32> to vector<16xf32>
      %mul3A_125 = arith.constant 16 : i32
      %mul3A_126 = arith.muli %scan3A_119, %mul3A_125 : i32
      %get3A_127 = arith.index_cast %mul3A_126 : i32 to index
      %get3A_128 = tpu.vector_load %arg18[%get3A_127] {strides = array<i32>} : memref<3200xf32, #tpu.memory_space<vmem>>, vector<16xf32>,
      %get3A_129 = vector.shape_cast %get3A_128 : vector<16xf32> to vector<16xf32>
      %add3A_130 = arith.addf %get3A_124, %get3A_129 : vector<16xf32>
      %mul3A_131 = arith.constant 16 : i32
      %mul3A_132 = arith.muli %scan3A_119, %mul3A_131 : i32
      %swap3A = arith.index_cast %mul3A_132 : i32 to index
      %swap3A_133 = tpu.vector_load %arg19[%swap3A] {strides = array<i32>} : memref<3200xf32, #tpu.memory_space<vmem>>, vector<16xf32>,
      %swap3A_134 = vector.shape_cast %swap3A_133 : vector<16xf32> to vector<16xf32>
      %swap3A_135 = vector.shape_cast %add3A_130 : vector<16xf32> to vector<16xf32>
      tpu.vector_store %arg19[%swap3A], %swap3A_135 {strides = array<i32>} : memref<3200xf32, #tpu.memory_space<vmem>>, vector<16xf32>,
      %scan3A_136 = arith.constant 0 : i32
      scf.yield %scan3A_136 : i32
    }
    %scan3A_64 = arith.constant 200 : i32
    %run_scoped3A_65 = arith.constant 6 : i32
    "tpu.region"() ({
      %run_scoped3A_119 = tpu.sem_alloc : memref<!tpu.dma_semaphore, #tpu.memory_space<semaphore_mem>>
      %dma_start3A = tpu.memref_slice %arg6[%run_scoped3A_65, %mul3A_0] : memref<8x51200xf32, #tpu.memory_space<hbm>> -> memref<1x3200xf32, #tpu.memory_space<hbm>>
      %dma_start3A_120 = tpu.memref_squeeze %dma_start3A : memref<1x3200xf32, #tpu.memory_space<hbm>> -> memref<3200xf32, #tpu.memory_space<hbm>>
      %dma_start3A_121 = tpu.memref_slice %arg6[%run_scoped3A_65, %mul3A_0] : memref<8x51200xf32, #tpu.memory_space<hbm>> -> memref<1x3200xf32, #tpu.memory_space<hbm>>
      %dma_start3A_122 = tpu.memref_squeeze %dma_start3A_121 : memref<1x3200xf32, #tpu.memory_space<hbm>> -> memref<3200xf32, #tpu.memory_space<hbm>>
      tpu.enqueue_dma source(%dma_start3A_122 : memref<3200xf32, #tpu.memory_space<hbm>>) target(%arg18 : memref<3200xf32, #tpu.memory_space<vmem>>) target_semaphore(%run_scoped3A_119 : memref<!tpu.dma_semaphore, #tpu.memory_space<semaphore_mem>>)
      %dma_wait3A = tpu.memref_slice %arg6[%run_scoped3A_65, %mul3A_0] : memref<8x51200xf32, #tpu.memory_space<hbm>> -> memref<1x3200xf32, #tpu.memory_space<hbm>>
      %dma_wait3A_123 = tpu.memref_squeeze %dma_wait3A : memref<1x3200xf32, #tpu.memory_space<hbm>> -> memref<3200xf32, #tpu.memory_space<hbm>>
      %dma_wait3A_124 = tpu.memref_slice %arg6[%run_scoped3A_65, %mul3A_0] : memref<8x51200xf32, #tpu.memory_space<hbm>> -> memref<1x3200xf32, #tpu.memory_space<hbm>>
      %dma_wait3A_125 = tpu.memref_squeeze %dma_wait3A_124 : memref<1x3200xf32, #tpu.memory_space<hbm>> -> memref<3200xf32, #tpu.memory_space<hbm>>
      tpu.wait_dma2 semaphore(%run_scoped3A_119 : memref<!tpu.dma_semaphore, #tpu.memory_space<semaphore_mem>>) src(%dma_wait3A_125 : memref<3200xf32, #tpu.memory_space<hbm>>) dst(%arg18 : memref<3200xf32, #tpu.memory_space<vmem>>)
      tpu.yield
    }) : () -> ()
    %scan3A_66 = arith.constant 0 : i32
    %scan3A_67 = arith.constant 0 : i32
    %scan3A_68 = arith.constant 200 : i32
    %scan3A_69 = arith.addi %scan3A_67, %scan3A_68 : i32
    %scan3A_70 = arith.constant 1 : i32
    %scan3A_71 = scf.for %scan3A_119 = %scan3A_67 to %scan3A_69 step %scan3A_70 iter_args(%scan3A_120 = %scan3A_66) -> (i32)  : i32 {
      %mul3A_121 = arith.constant 16 : i32
      %mul3A_122 = arith.muli %scan3A_119, %mul3A_121 : i32
      %get3A = arith.index_cast %mul3A_122 : i32 to index
      %get3A_123 = tpu.vector_load %arg19[%get3A] {strides = array<i32>} : memref<3200xf32, #tpu.memory_space<vmem>>, vector<16xf32>,
      %get3A_124 = vector.shape_cast %get3A_123 : vector<16xf32> to vector<16xf32>
      %mul3A_125 = arith.constant 16 : i32
      %mul3A_126 = arith.muli %scan3A_119, %mul3A_125 : i32
      %get3A_127 = arith.index_cast %mul3A_126 : i32 to index
      %get3A_128 = tpu.vector_load %arg18[%get3A_127] {strides = array<i32>} : memref<3200xf32, #tpu.memory_space<vmem>>, vector<16xf32>,
      %get3A_129 = vector.shape_cast %get3A_128 : vector<16xf32> to vector<16xf32>
      %add3A_130 = arith.addf %get3A_124, %get3A_129 : vector<16xf32>
      %mul3A_131 = arith.constant 16 : i32
      %mul3A_132 = arith.muli %scan3A_119, %mul3A_131 : i32
      %swap3A = arith.index_cast %mul3A_132 : i32 to index
      %swap3A_133 = tpu.vector_load %arg19[%swap3A] {strides = array<i32>} : memref<3200xf32, #tpu.memory_space<vmem>>, vector<16xf32>,
      %swap3A_134 = vector.shape_cast %swap3A_133 : vector<16xf32> to vector<16xf32>
      %swap3A_135 = vector.shape_cast %add3A_130 : vector<16xf32> to vector<16xf32>
      tpu.vector_store %arg19[%swap3A], %swap3A_135 {strides = array<i32>} : memref<3200xf32, #tpu.memory_space<vmem>>, vector<16xf32>,
      %scan3A_136 = arith.constant 0 : i32
      scf.yield %scan3A_136 : i32
    }
    %scan3A_72 = arith.constant 200 : i32
    %run_scoped3A_73 = arith.constant 7 : i32
    "tpu.region"() ({
      %run_scoped3A_119 = tpu.sem_alloc : memref<!tpu.dma_semaphore, #tpu.memory_space<semaphore_mem>>
      %dma_start3A = tpu.memref_slice %arg6[%run_scoped3A_73, %mul3A_0] : memref<8x51200xf32, #tpu.memory_space<hbm>> -> memref<1x3200xf32, #tpu.memory_space<hbm>>
      %dma_start3A_120 = tpu.memref_squeeze %dma_start3A : memref<1x3200xf32, #tpu.memory_space<hbm>> -> memref<3200xf32, #tpu.memory_space<hbm>>
      %dma_start3A_121 = tpu.memref_slice %arg6[%run_scoped3A_73, %mul3A_0] : memref<8x51200xf32, #tpu.memory_space<hbm>> -> memref<1x3200xf32, #tpu.memory_space<hbm>>
      %dma_start3A_122 = tpu.memref_squeeze %dma_start3A_121 : memref<1x3200xf32, #tpu.memory_space<hbm>> -> memref<3200xf32, #tpu.memory_space<hbm>>
      tpu.enqueue_dma source(%dma_start3A_122 : memref<3200xf32, #tpu.memory_space<hbm>>) target(%arg18 : memref<3200xf32, #tpu.memory_space<vmem>>) target_semaphore(%run_scoped3A_119 : memref<!tpu.dma_semaphore, #tpu.memory_space<semaphore_mem>>)
      %dma_wait3A = tpu.memref_slice %arg6[%run_scoped3A_73, %mul3A_0] : memref<8x51200xf32, #tpu.memory_space<hbm>> -> memref<1x3200xf32, #tpu.memory_space<hbm>>
      %dma_wait3A_123 = tpu.memref_squeeze %dma_wait3A : memref<1x3200xf32, #tpu.memory_space<hbm>> -> memref<3200xf32, #tpu.memory_space<hbm>>
      %dma_wait3A_124 = tpu.memref_slice %arg6[%run_scoped3A_73, %mul3A_0] : memref<8x51200xf32, #tpu.memory_space<hbm>> -> memref<1x3200xf32, #tpu.memory_space<hbm>>
      %dma_wait3A_125 = tpu.memref_squeeze %dma_wait3A_124 : memref<1x3200xf32, #tpu.memory_space<hbm>> -> memref<3200xf32, #tpu.memory_space<hbm>>
      tpu.wait_dma2 semaphore(%run_scoped3A_119 : memref<!tpu.dma_semaphore, #tpu.memory_space<semaphore_mem>>) src(%dma_wait3A_125 : memref<3200xf32, #tpu.memory_space<hbm>>) dst(%arg18 : memref<3200xf32, #tpu.memory_space<vmem>>)
      tpu.yield
    }) : () -> ()
    %scan3A_74 = arith.constant 0 : i32
    %scan3A_75 = arith.constant 0 : i32
    %scan3A_76 = arith.constant 200 : i32
    %scan3A_77 = arith.addi %scan3A_75, %scan3A_76 : i32
    %scan3A_78 = arith.constant 1 : i32
    %scan3A_79 = scf.for %scan3A_119 = %scan3A_75 to %scan3A_77 step %scan3A_78 iter_args(%scan3A_120 = %scan3A_74) -> (i32)  : i32 {
      %mul3A_121 = arith.constant 16 : i32
      %mul3A_122 = arith.muli %scan3A_119, %mul3A_121 : i32
      %get3A = arith.index_cast %mul3A_122 : i32 to index
      %get3A_123 = tpu.vector_load %arg19[%get3A] {strides = array<i32>} : memref<3200xf32, #tpu.memory_space<vmem>>, vector<16xf32>,
      %get3A_124 = vector.shape_cast %get3A_123 : vector<16xf32> to vector<16xf32>
      %mul3A_125 = arith.constant 16 : i32
      %mul3A_126 = arith.muli %scan3A_119, %mul3A_125 : i32
      %get3A_127 = arith.index_cast %mul3A_126 : i32 to index
      %get3A_128 = tpu.vector_load %arg18[%get3A_127] {strides = array<i32>} : memref<3200xf32, #tpu.memory_space<vmem>>, vector<16xf32>,
      %get3A_129 = vector.shape_cast %get3A_128 : vector<16xf32> to vector<16xf32>
      %add3A_130 = arith.addf %get3A_124, %get3A_129 : vector<16xf32>
      %mul3A_131 = arith.constant 16 : i32
      %mul3A_132 = arith.muli %scan3A_119, %mul3A_131 : i32
      %swap3A = arith.index_cast %mul3A_132 : i32 to index
      %swap3A_133 = tpu.vector_load %arg19[%swap3A] {strides = array<i32>} : memref<3200xf32, #tpu.memory_space<vmem>>, vector<16xf32>,
      %swap3A_134 = vector.shape_cast %swap3A_133 : vector<16xf32> to vector<16xf32>
      %swap3A_135 = vector.shape_cast %add3A_130 : vector<16xf32> to vector<16xf32>
      tpu.vector_store %arg19[%swap3A], %swap3A_135 {strides = array<i32>} : memref<3200xf32, #tpu.memory_space<vmem>>, vector<16xf32>,
      %scan3A_136 = arith.constant 0 : i32
      scf.yield %scan3A_136 : i32
    }
    %scan3A_80 = arith.constant 200 : i32
    %scan3A_81 = arith.constant 0 : i32
    %scan3A_82 = arith.constant 0 : i32
    %scan3A_83 = arith.constant 200 : i32
    %scan3A_84 = arith.addi %scan3A_82, %scan3A_83 : i32
    %scan3A_85 = arith.constant 1 : i32
    %scan3A_86 = scf.for %scan3A_119 = %scan3A_82 to %scan3A_84 step %scan3A_85 iter_args(%scan3A_120 = %scan3A_81) -> (i32)  : i32 {
      %mul3A_121 = arith.constant 16 : i32
      %mul3A_122 = arith.muli %scan3A_119, %mul3A_121 : i32
      %get3A = arith.index_cast %mul3A_122 : i32 to index
      %get3A_123 = tpu.vector_load %arg19[%get3A] {strides = array<i32>} : memref<3200xf32, #tpu.memory_space<vmem>>, vector<16xf32>,
      %get3A_124 = vector.shape_cast %get3A_123 : vector<16xf32> to vector<16xf32>
      %mul3A_125 = arith.constant 1.250000e-01 : f32
      %mul3A_126 = vector.broadcast %mul3A_125 : f32 to vector<16xf32>
      %mul3A_127 = arith.mulf %get3A_124, %mul3A_126 : vector<16xf32>
      %mul3A_128 = arith.constant 16 : i32
      %mul3A_129 = arith.muli %scan3A_119, %mul3A_128 : i32
      %swap3A = arith.index_cast %mul3A_129 : i32 to index
      %swap3A_130 = tpu.vector_load %arg19[%swap3A] {strides = array<i32>} : memref<3200xf32, #tpu.memory_space<vmem>>, vector<16xf32>,
      %swap3A_131 = vector.shape_cast %swap3A_130 : vector<16xf32> to vector<16xf32>
      %swap3A_132 = vector.shape_cast %mul3A_127 : vector<16xf32> to vector<16xf32>
      tpu.vector_store %arg19[%swap3A], %swap3A_132 {strides = array<i32>} : memref<3200xf32, #tpu.memory_space<vmem>>, vector<16xf32>,
      %scan3A_133 = arith.constant 0 : i32
      scf.yield %scan3A_133 : i32
    }
    %scan3A_87 = arith.constant 200 : i32
    "tpu.region"() ({
      %run_scoped3A_119 = tpu.sem_alloc : memref<!tpu.dma_semaphore, #tpu.memory_space<semaphore_mem>>
      %dma_start3A = tpu.memref_slice %arg21[%mul3A_0] : memref<51200xf32, #tpu.memory_space<vmem_shared>> -> memref<3200xf32, #tpu.memory_space<vmem_shared>>
      %dma_start3A_120 = tpu.memref_slice %arg21[%mul3A_0] : memref<51200xf32, #tpu.memory_space<vmem_shared>> -> memref<3200xf32, #tpu.memory_space<vmem_shared>>
      tpu.enqueue_dma source(%arg19 : memref<3200xf32, #tpu.memory_space<vmem>>) target(%dma_start3A_120 : memref<3200xf32, #tpu.memory_space<vmem_shared>>) target_semaphore(%run_scoped3A_119 : memref<!tpu.dma_semaphore, #tpu.memory_space<semaphore_mem>>)
      %dma_wait3A = tpu.memref_slice %arg21[%mul3A_0] : memref<51200xf32, #tpu.memory_space<vmem_shared>> -> memref<3200xf32, #tpu.memory_space<vmem_shared>>
      %dma_wait3A_121 = tpu.memref_slice %arg21[%mul3A_0] : memref<51200xf32, #tpu.memory_space<vmem_shared>> -> memref<3200xf32, #tpu.memory_space<vmem_shared>>
      tpu.wait_dma2 semaphore(%run_scoped3A_119 : memref<!tpu.dma_semaphore, #tpu.memory_space<semaphore_mem>>) src(%arg19 : memref<3200xf32, #tpu.memory_space<vmem>>) dst(%dma_wait3A_121 : memref<3200xf32, #tpu.memory_space<vmem_shared>>)
      tpu.yield
    }) : () -> ()
    %barrier3A = arith.constant 0 : index
    tpu.barrier barrier_id(%barrier3A)
    %scan3A_88 = arith.constant 0 : i32
    %scan3A_89 = arith.constant 0 : i32
    %scan3A_90 = arith.constant 5 : i32
    %scan3A_91 = arith.addi %scan3A_89, %scan3A_90 : i32
    %scan3A_92 = arith.constant 1 : i32
    %scan3A_93 = scf.for %scan3A_119 = %scan3A_89 to %scan3A_91 step %scan3A_92 iter_args(%scan3A_120 = %scan3A_88) -> (i32)  : i32 {
      %mul3A_121 = arith.constant 50000 : i32
      %mul3A_122 = arith.muli %arg1, %mul3A_121 : i32
      %mul3A_123 = arith.constant 10000 : i32
      %mul3A_124 = arith.muli %scan3A_119, %mul3A_123 : i32
      %add3A_125 = arith.addi %mul3A_122, %mul3A_124 : i32
      %mul3A_126 = arith.constant 10000 : i32
      %mul3A_127 = arith.muli %scan3A_119, %mul3A_126 : i32
      %add3A_128 = arith.addi %add3A, %mul3A_127 : i32
      "tpu.region"() ({
        %run_scoped3A_137 = tpu.sem_alloc : memref<!tpu.dma_semaphore, #tpu.memory_space<semaphore_mem>>
        %dma_start3A = tpu.memref_slice %arg2[%add3A_125] : memref<800000xi32, #tpu.memory_space<hbm>> -> memref<10000xi32, #tpu.memory_space<hbm>>
        %dma_start3A_138 = tpu.memref_slice %arg2[%add3A_125] : memref<800000xi32, #tpu.memory_space<hbm>> -> memref<10000xi32, #tpu.memory_space<hbm>>
        tpu.enqueue_dma source(%dma_start3A_138 : memref<10000xi32, #tpu.memory_space<hbm>>) target(%arg8 : memref<10000xi32, #tpu.memory_space<vmem>>) target_semaphore(%run_scoped3A_137 : memref<!tpu.dma_semaphore, #tpu.memory_space<semaphore_mem>>)
        %dma_wait3A = tpu.memref_slice %arg2[%add3A_125] : memref<800000xi32, #tpu.memory_space<hbm>> -> memref<10000xi32, #tpu.memory_space<hbm>>
        %dma_wait3A_139 = tpu.memref_slice %arg2[%add3A_125] : memref<800000xi32, #tpu.memory_space<hbm>> -> memref<10000xi32, #tpu.memory_space<hbm>>
        tpu.wait_dma2 semaphore(%run_scoped3A_137 : memref<!tpu.dma_semaphore, #tpu.memory_space<semaphore_mem>>) src(%dma_wait3A_139 : memref<10000xi32, #tpu.memory_space<hbm>>) dst(%arg8 : memref<10000xi32, #tpu.memory_space<vmem>>)
        tpu.yield
      }) : () -> ()
      "tpu.region"() ({
        %run_scoped3A_137 = tpu.sem_alloc : memref<!tpu.dma_semaphore, #tpu.memory_space<semaphore_mem>>
        %dma_start3A = tpu.memref_slice %arg3[%add3A_125] : memref<800000xi32, #tpu.memory_space<hbm>> -> memref<10000xi32, #tpu.memory_space<hbm>>
        %dma_start3A_138 = tpu.memref_slice %arg3[%add3A_125] : memref<800000xi32, #tpu.memory_space<hbm>> -> memref<10000xi32, #tpu.memory_space<hbm>>
        tpu.enqueue_dma source(%dma_start3A_138 : memref<10000xi32, #tpu.memory_space<hbm>>) target(%arg9 : memref<10000xi32, #tpu.memory_space<vmem>>) target_semaphore(%run_scoped3A_137 : memref<!tpu.dma_semaphore, #tpu.memory_space<semaphore_mem>>)
        %dma_wait3A = tpu.memref_slice %arg3[%add3A_125] : memref<800000xi32, #tpu.memory_space<hbm>> -> memref<10000xi32, #tpu.memory_space<hbm>>
        %dma_wait3A_139 = tpu.memref_slice %arg3[%add3A_125] : memref<800000xi32, #tpu.memory_space<hbm>> -> memref<10000xi32, #tpu.memory_space<hbm>>
        tpu.wait_dma2 semaphore(%run_scoped3A_137 : memref<!tpu.dma_semaphore, #tpu.memory_space<semaphore_mem>>) src(%dma_wait3A_139 : memref<10000xi32, #tpu.memory_space<hbm>>) dst(%arg9 : memref<10000xi32, #tpu.memory_space<vmem>>)
        tpu.yield
      }) : () -> ()
      "tpu.region"() ({
        %run_scoped3A_137 = tpu.sem_alloc : memref<!tpu.dma_semaphore, #tpu.memory_space<semaphore_mem>>
        %dma_start3A = tpu.memref_slice %arg4[%add3A_125] : memref<800000xf32, #tpu.memory_space<hbm>> -> memref<10000xf32, #tpu.memory_space<hbm>>
        %dma_start3A_138 = tpu.memref_slice %arg4[%add3A_125] : memref<800000xf32, #tpu.memory_space<hbm>> -> memref<10000xf32, #tpu.memory_space<hbm>>
        tpu.enqueue_dma source(%dma_start3A_138 : memref<10000xf32, #tpu.memory_space<hbm>>) target(%arg15 : memref<10000xf32, #tpu.memory_space<vmem>>) target_semaphore(%run_scoped3A_137 : memref<!tpu.dma_semaphore, #tpu.memory_space<semaphore_mem>>)
        %dma_wait3A = tpu.memref_slice %arg4[%add3A_125] : memref<800000xf32, #tpu.memory_space<hbm>> -> memref<10000xf32, #tpu.memory_space<hbm>>
        %dma_wait3A_139 = tpu.memref_slice %arg4[%add3A_125] : memref<800000xf32, #tpu.memory_space<hbm>> -> memref<10000xf32, #tpu.memory_space<hbm>>
        tpu.wait_dma2 semaphore(%run_scoped3A_137 : memref<!tpu.dma_semaphore, #tpu.memory_space<semaphore_mem>>) src(%dma_wait3A_139 : memref<10000xf32, #tpu.memory_space<hbm>>) dst(%arg15 : memref<10000xf32, #tpu.memory_space<vmem>>)
        tpu.yield
      }) : () -> ()
      "tpu.region"() ({
        %run_scoped3A_137 = tpu.sem_alloc : memref<!tpu.dma_semaphore, #tpu.memory_space<semaphore_mem>>
        %dma_start3A = arith.constant 0 : i32
        %dma_start3A_138 = tpu.memref_slice %arg20[%dma_start3A] : memref<51200xi32, #tpu.memory_space<vmem_shared>> -> memref<51200xi32, #tpu.memory_space<vmem_shared>>
        tpu.enqueue_indirect_dma source(%dma_start3A_138 : memref<51200xi32, #tpu.memory_space<vmem_shared>>) target(%arg11 : memref<10000xi32, #tpu.memory_space<vmem>>) offsets(%arg9 : memref<10000xi32, #tpu.memory_space<vmem>>) semaphore(%run_scoped3A_137 : memref<!tpu.dma_semaphore, #tpu.memory_space<semaphore_mem>>)
        %dma_wait3A = arith.constant 0 : i32
        %dma_wait3A_139 = tpu.memref_slice %arg20[%dma_wait3A] : memref<51200xi32, #tpu.memory_space<vmem_shared>> -> memref<51200xi32, #tpu.memory_space<vmem_shared>>
        tpu.wait_indirect_dma semaphore(%run_scoped3A_137 : memref<!tpu.dma_semaphore, #tpu.memory_space<semaphore_mem>>) src(%dma_wait3A_139 : memref<51200xi32, #tpu.memory_space<vmem_shared>>) dst(%arg11 : memref<10000xi32, #tpu.memory_space<vmem>>)
        tpu.yield
      }) : () -> ()
      "tpu.region"() ({
        %run_scoped3A_137 = tpu.sem_alloc : memref<!tpu.dma_semaphore, #tpu.memory_space<semaphore_mem>>
        %dma_start3A = arith.constant 0 : i32
        %dma_start3A_138 = tpu.memref_slice %arg20[%dma_start3A] : memref<51200xi32, #tpu.memory_space<vmem_shared>> -> memref<51200xi32, #tpu.memory_space<vmem_shared>>
        tpu.enqueue_indirect_dma source(%dma_start3A_138 : memref<51200xi32, #tpu.memory_space<vmem_shared>>) target(%arg12 : memref<10000xi32, #tpu.memory_space<vmem>>) offsets(%arg8 : memref<10000xi32, #tpu.memory_space<vmem>>) semaphore(%run_scoped3A_137 : memref<!tpu.dma_semaphore, #tpu.memory_space<semaphore_mem>>)
        %dma_wait3A = arith.constant 0 : i32
        %dma_wait3A_139 = tpu.memref_slice %arg20[%dma_wait3A] : memref<51200xi32, #tpu.memory_space<vmem_shared>> -> memref<51200xi32, #tpu.memory_space<vmem_shared>>
        tpu.wait_indirect_dma semaphore(%run_scoped3A_137 : memref<!tpu.dma_semaphore, #tpu.memory_space<semaphore_mem>>) src(%dma_wait3A_139 : memref<51200xi32, #tpu.memory_space<vmem_shared>>) dst(%arg12 : memref<10000xi32, #tpu.memory_space<vmem>>)
        tpu.yield
      }) : () -> ()
      "tpu.region"() ({
        %run_scoped3A_137 = tpu.sem_alloc : memref<!tpu.dma_semaphore, #tpu.memory_space<semaphore_mem>>
        %dma_start3A = arith.constant 0 : i32
        %dma_start3A_138 = tpu.memref_slice %arg21[%dma_start3A] : memref<51200xf32, #tpu.memory_space<vmem_shared>> -> memref<51200xf32, #tpu.memory_space<vmem_shared>>
        tpu.enqueue_indirect_dma source(%dma_start3A_138 : memref<51200xf32, #tpu.memory_space<vmem_shared>>) target(%arg16 : memref<10000xf32, #tpu.memory_space<vmem>>) offsets(%arg8 : memref<10000xi32, #tpu.memory_space<vmem>>) semaphore(%run_scoped3A_137 : memref<!tpu.dma_semaphore, #tpu.memory_space<semaphore_mem>>)
        %dma_wait3A = arith.constant 0 : i32
        %dma_wait3A_139 = tpu.memref_slice %arg21[%dma_wait3A] : memref<51200xf32, #tpu.memory_space<vmem_shared>> -> memref<51200xf32, #tpu.memory_space<vmem_shared>>
        tpu.wait_indirect_dma semaphore(%run_scoped3A_137 : memref<!tpu.dma_semaphore, #tpu.memory_space<semaphore_mem>>) src(%dma_wait3A_139 : memref<51200xf32, #tpu.memory_space<vmem_shared>>) dst(%arg16 : memref<10000xf32, #tpu.memory_space<vmem>>)
        tpu.yield
      }) : () -> ()
      %scan3A_129 = arith.constant 0 : i32
      %scan3A_130 = arith.constant 0 : i32
      %scan3A_131 = arith.constant 625 : i32
      %scan3A_132 = arith.addi %scan3A_130, %scan3A_131 : i32
      %scan3A_133 = arith.constant 1 : i32
      %scan3A_134 = scf.for %scan3A_137 = %scan3A_130 to %scan3A_132 step %scan3A_133 iter_args(%scan3A_138 = %scan3A_129) -> (i32)  : i32 {
        %mul3A_139 = arith.constant 16 : i32
        %mul3A_140 = arith.muli %scan3A_137, %mul3A_139 : i32
        %get3A = arith.index_cast %mul3A_140 : i32 to index
        %get3A_141 = tpu.vector_load %arg11[%get3A] {strides = array<i32>} : memref<10000xi32, #tpu.memory_space<vmem>>, vector<16xi32>,
        %get3A_142 = vector.shape_cast %get3A_141 : vector<16xi32> to vector<16xi32>
        %mul3A_143 = arith.constant 16 : i32
        %mul3A_144 = arith.muli %scan3A_137, %mul3A_143 : i32
        %get3A_145 = arith.index_cast %mul3A_144 : i32 to index
        %get3A_146 = tpu.vector_load %arg12[%get3A_145] {strides = array<i32>} : memref<10000xi32, #tpu.memory_space<vmem>>, vector<16xi32>,
        %get3A_147 = vector.shape_cast %get3A_146 : vector<16xi32> to vector<16xi32>
        %mul3A_148 = arith.constant 16 : i32
        %mul3A_149 = arith.muli %scan3A_137, %mul3A_148 : i32
        %get3A_150 = arith.index_cast %mul3A_149 : i32 to index
        %get3A_151 = tpu.vector_load %arg9[%get3A_150] {strides = array<i32>} : memref<10000xi32, #tpu.memory_space<vmem>>, vector<16xi32>,
        %get3A_152 = vector.shape_cast %get3A_151 : vector<16xi32> to vector<16xi32>
        %mul3A_153 = arith.constant 16 : i32
        %mul3A_154 = arith.muli %scan3A_137, %mul3A_153 : i32
        %get3A_155 = arith.index_cast %mul3A_154 : i32 to index
        %get3A_156 = tpu.vector_load %arg15[%get3A_155] {strides = array<i32>} : memref<10000xf32, #tpu.memory_space<vmem>>, vector<16xf32>,
        %get3A_157 = vector.shape_cast %get3A_156 : vector<16xf32> to vector<16xf32>
        %mul3A_158 = arith.constant 16 : i32
        %mul3A_159 = arith.muli %scan3A_137, %mul3A_158 : i32
        %get3A_160 = arith.index_cast %mul3A_159 : i32 to index
        %get3A_161 = tpu.vector_load %arg16[%get3A_160] {strides = array<i32>} : memref<10000xf32, #tpu.memory_space<vmem>>, vector<16xf32>,
        %get3A_162 = vector.shape_cast %get3A_161 : vector<16xf32> to vector<16xf32>
        %mul3A_163 = arith.mulf %get3A_157, %get3A_162 : vector<16xf32>
        %add3A_164 = arith.constant 1 : i32
        %add3A_165 = vector.broadcast %add3A_164 : i32 to vector<16xi32>
        %add3A_166 = arith.addi %get3A_142, %add3A_165 : vector<16xi32>
        %eq3A = arith.cmpi eq, %get3A_147, %add3A_166 : vector<16xi32>
        %ne3A = arith.constant 1073741824 : i32
        %ne3A_167 = vector.broadcast %ne3A : i32 to vector<16xi32>
        %ne3A_168 = arith.cmpi ne, %get3A_142, %ne3A_167 : vector<16xi32>
        %and3A = arith.andi %eq3A, %ne3A_168 : vector<16xi1>
        %mul3A_169 = arith.constant 16 : i32
        %mul3A_170 = arith.muli %scan3A_137, %mul3A_169 : i32
        %and3A_171 = arith.constant 1023 : i32
        %and3A_172 = arith.andi %mul3A_170, %and3A_171 : i32
        %add3A_173 = arith.constant 50048 : i32
        %add3A_174 = arith.addi %add3A_173, %and3A_172 : i32
        %add3A_175 = vector.broadcast %add3A_174 : i32 to vector<16xi32>
        %add3A_176 = arith.addi %add3A_175, %iota3A : vector<16xi32>
        %jit3A = arith.constant -1.000000e+30 : f32
        %broadcast_in_dim3A = vector.broadcast %jit3A : f32 to vector<16xf32>
        %select_n3A = arith.select %and3A, %mul3A_163, %broadcast_in_dim3A : vector<16xi1>, vector<16xf32>
        %mul3A_177 = arith.constant 16 : i32
        %mul3A_178 = arith.muli %scan3A_137, %mul3A_177 : i32
        %swap3A = arith.index_cast %mul3A_178 : i32 to index
        %swap3A_179 = tpu.vector_load %arg13[%swap3A] {strides = array<i32>} : memref<10000xf32, #tpu.memory_space<vmem>>, vector<16xf32>,
        %swap3A_180 = vector.shape_cast %swap3A_179 : vector<16xf32> to vector<16xf32>
        %swap3A_181 = vector.shape_cast %select_n3A : vector<16xf32> to vector<16xf32>
        tpu.vector_store %arg13[%swap3A], %swap3A_181 {strides = array<i32>} : memref<10000xf32, #tpu.memory_space<vmem>>, vector<16xf32>,
        %select_n3A_182 = arith.select %and3A, %get3A_152, %add3A_176 : vector<16xi1>, vector<16xi32>
        %mul3A_183 = arith.constant 16 : i32
        %mul3A_184 = arith.muli %scan3A_137, %mul3A_183 : i32
        %swap3A_185 = arith.index_cast %mul3A_184 : i32 to index
        %swap3A_186 = tpu.vector_load %arg10[%swap3A_185] {strides = array<i32>} : memref<10000xi32, #tpu.memory_space<vmem>>, vector<16xi32>,
        %swap3A_187 = vector.shape_cast %swap3A_186 : vector<16xi32> to vector<16xi32>
        %swap3A_188 = vector.shape_cast %select_n3A_182 : vector<16xi32> to vector<16xi32>
        tpu.vector_store %arg10[%swap3A_185], %swap3A_188 {strides = array<i32>} : memref<10000xi32, #tpu.memory_space<vmem>>, vector<16xi32>,
        %scan3A_189 = arith.constant 0 : i32
        scf.yield %scan3A_189 : i32
      }
      %scan3A_135 = arith.constant 625 : i32
      "tpu.region"() ({
        %run_scoped3A_137 = tpu.sem_alloc : memref<!tpu.dma_semaphore, #tpu.memory_space<semaphore_mem>>
        %dma_start3A = tpu.memref_slice %arg7[%add3A_128] : memref<1600000xf32, #tpu.memory_space<hbm>> -> memref<10000xf32, #tpu.memory_space<hbm>>
        %dma_start3A_138 = tpu.memref_slice %arg7[%add3A_128] : memref<1600000xf32, #tpu.memory_space<hbm>> -> memref<10000xf32, #tpu.memory_space<hbm>>
        tpu.enqueue_dma source(%arg13 : memref<10000xf32, #tpu.memory_space<vmem>>) target(%dma_start3A_138 : memref<10000xf32, #tpu.memory_space<hbm>>) target_semaphore(%run_scoped3A_137 : memref<!tpu.dma_semaphore, #tpu.memory_space<semaphore_mem>>)
        %dma_wait3A = tpu.memref_slice %arg7[%add3A_128] : memref<1600000xf32, #tpu.memory_space<hbm>> -> memref<10000xf32, #tpu.memory_space<hbm>>
        %dma_wait3A_139 = tpu.memref_slice %arg7[%add3A_128] : memref<1600000xf32, #tpu.memory_space<hbm>> -> memref<10000xf32, #tpu.memory_space<hbm>>
        tpu.wait_dma2 semaphore(%run_scoped3A_137 : memref<!tpu.dma_semaphore, #tpu.memory_space<semaphore_mem>>) src(%arg13 : memref<10000xf32, #tpu.memory_space<vmem>>) dst(%dma_wait3A_139 : memref<10000xf32, #tpu.memory_space<hbm>>)
        tpu.yield
      }) : () -> ()
      "tpu.region"() ({
        %run_scoped3A_137 = tpu.sem_alloc : memref<!tpu.dma_semaphore, #tpu.memory_space<semaphore_mem>>
        %dma_start3A = arith.constant 0 : i32
        %dma_start3A_138 = tpu.memref_slice %arg22[%dma_start3A] : memref<51200xf32, #tpu.memory_space<vmem_shared>> -> memref<51200xf32, #tpu.memory_space<vmem_shared>>
        tpu.enqueue_indirect_dma source(%arg13 : memref<10000xf32, #tpu.memory_space<vmem>>) target(%dma_start3A_138 : memref<51200xf32, #tpu.memory_space<vmem_shared>>) offsets(%arg10 : memref<10000xi32, #tpu.memory_space<vmem>>) semaphore(%run_scoped3A_137 : memref<!tpu.dma_semaphore, #tpu.memory_space<semaphore_mem>>)
        %dma_wait3A = arith.constant 0 : i32
        %dma_wait3A_139 = tpu.memref_slice %arg22[%dma_wait3A] : memref<51200xf32, #tpu.memory_space<vmem_shared>> -> memref<51200xf32, #tpu.memory_space<vmem_shared>>
        tpu.wait_indirect_dma semaphore(%run_scoped3A_137 : memref<!tpu.dma_semaphore, #tpu.memory_space<semaphore_mem>>) src(%arg13 : memref<10000xf32, #tpu.memory_space<vmem>>) dst(%dma_wait3A_139 : memref<51200xf32, #tpu.memory_space<vmem_shared>>)
        tpu.yield
      }) : () -> ()
      %scan3A_136 = arith.constant 0 : i32
      scf.yield %scan3A_136 : i32
    }
    %scan3A_94 = arith.constant 5 : i32
    %barrier3A_95 = arith.constant 0 : index
    tpu.barrier barrier_id(%barrier3A_95)
    %scan3A_96 = arith.constant 0 : i32
    %scan3A_97 = arith.constant 0 : i32
    %scan3A_98 = arith.constant 5 : i32
    %scan3A_99 = arith.addi %scan3A_97, %scan3A_98 : i32
    %scan3A_100 = arith.constant 1 : i32
    %scan3A_101 = scf.for %scan3A_119 = %scan3A_97 to %scan3A_99 step %scan3A_100 iter_args(%scan3A_120 = %scan3A_96) -> (i32)  : i32 {
      %mul3A_121 = arith.constant 50000 : i32
      %mul3A_122 = arith.muli %arg1, %mul3A_121 : i32
      %mul3A_123 = arith.constant 10000 : i32
      %mul3A_124 = arith.muli %scan3A_119, %mul3A_123 : i32
      %add3A_125 = arith.addi %mul3A_122, %mul3A_124 : i32
      %mul3A_126 = arith.constant 10000 : i32
      %mul3A_127 = arith.muli %scan3A_119, %mul3A_126 : i32
      %add3A_128 = arith.addi %add3A, %mul3A_127 : i32
      "tpu.region"() ({
        %run_scoped3A_137 = tpu.sem_alloc : memref<!tpu.dma_semaphore, #tpu.memory_space<semaphore_mem>>
        %dma_start3A = tpu.memref_slice %arg3[%add3A_125] : memref<800000xi32, #tpu.memory_space<hbm>> -> memref<10000xi32, #tpu.memory_space<hbm>>
        %dma_start3A_138 = tpu.memref_slice %arg3[%add3A_125] : memref<800000xi32, #tpu.memory_space<hbm>> -> memref<10000xi32, #tpu.memory_space<hbm>>
        tpu.enqueue_dma source(%dma_start3A_138 : memref<10000xi32, #tpu.memory_space<hbm>>) target(%arg9 : memref<10000xi32, #tpu.memory_space<vmem>>) target_semaphore(%run_scoped3A_137 : memref<!tpu.dma_semaphore, #tpu.memory_space<semaphore_mem>>)
        %dma_wait3A = tpu.memref_slice %arg3[%add3A_125] : memref<800000xi32, #tpu.memory_space<hbm>> -> memref<10000xi32, #tpu.memory_space<hbm>>
        %dma_wait3A_139 = tpu.memref_slice %arg3[%add3A_125] : memref<800000xi32, #tpu.memory_space<hbm>> -> memref<10000xi32, #tpu.memory_space<hbm>>
        tpu.wait_dma2 semaphore(%run_scoped3A_137 : memref<!tpu.dma_semaphore, #tpu.memory_space<semaphore_mem>>) src(%dma_wait3A_139 : memref<10000xi32, #tpu.memory_space<hbm>>) dst(%arg9 : memref<10000xi32, #tpu.memory_space<vmem>>)
        tpu.yield
      }) : () -> ()
      "tpu.region"() ({
        %run_scoped3A_137 = tpu.sem_alloc : memref<!tpu.dma_semaphore, #tpu.memory_space<semaphore_mem>>
        %dma_start3A = tpu.memref_slice %arg7[%add3A_128] : memref<1600000xf32, #tpu.memory_space<hbm>> -> memref<10000xf32, #tpu.memory_space<hbm>>
        %dma_start3A_138 = tpu.memref_slice %arg7[%add3A_128] : memref<1600000xf32, #tpu.memory_space<hbm>> -> memref<10000xf32, #tpu.memory_space<hbm>>
        tpu.enqueue_dma source(%dma_start3A_138 : memref<10000xf32, #tpu.memory_space<hbm>>) target(%arg13 : memref<10000xf32, #tpu.memory_space<vmem>>) target_semaphore(%run_scoped3A_137 : memref<!tpu.dma_semaphore, #tpu.memory_space<semaphore_mem>>)
        %dma_wait3A = tpu.memref_slice %arg7[%add3A_128] : memref<1600000xf32, #tpu.memory_space<hbm>> -> memref<10000xf32, #tpu.memory_space<hbm>>
        %dma_wait3A_139 = tpu.memref_slice %arg7[%add3A_128] : memref<1600000xf32, #tpu.memory_space<hbm>> -> memref<10000xf32, #tpu.memory_space<hbm>>
        tpu.wait_dma2 semaphore(%run_scoped3A_137 : memref<!tpu.dma_semaphore, #tpu.memory_space<semaphore_mem>>) src(%dma_wait3A_139 : memref<10000xf32, #tpu.memory_space<hbm>>) dst(%arg13 : memref<10000xf32, #tpu.memory_space<vmem>>)
        tpu.yield
      }) : () -> ()
      "tpu.region"() ({
        %run_scoped3A_137 = tpu.sem_alloc : memref<!tpu.dma_semaphore, #tpu.memory_space<semaphore_mem>>
        %dma_start3A = arith.constant 0 : i32
        %dma_start3A_138 = tpu.memref_slice %arg22[%dma_start3A] : memref<51200xf32, #tpu.memory_space<vmem_shared>> -> memref<51200xf32, #tpu.memory_space<vmem_shared>>
        tpu.enqueue_indirect_dma source(%dma_start3A_138 : memref<51200xf32, #tpu.memory_space<vmem_shared>>) target(%arg14 : memref<10000xf32, #tpu.memory_space<vmem>>) offsets(%arg9 : memref<10000xi32, #tpu.memory_space<vmem>>) semaphore(%run_scoped3A_137 : memref<!tpu.dma_semaphore, #tpu.memory_space<semaphore_mem>>)
        %dma_wait3A = arith.constant 0 : i32
        %dma_wait3A_139 = tpu.memref_slice %arg22[%dma_wait3A] : memref<51200xf32, #tpu.memory_space<vmem_shared>> -> memref<51200xf32, #tpu.memory_space<vmem_shared>>
        tpu.wait_indirect_dma semaphore(%run_scoped3A_137 : memref<!tpu.dma_semaphore, #tpu.memory_space<semaphore_mem>>) src(%dma_wait3A_139 : memref<51200xf32, #tpu.memory_space<vmem_shared>>) dst(%arg14 : memref<10000xf32, #tpu.memory_space<vmem>>)
        tpu.yield
      }) : () -> ()
      %scan3A_129 = arith.constant 0 : i32
      %scan3A_130 = arith.constant 0 : i32
      %scan3A_131 = arith.constant 625 : i32
      %scan3A_132 = arith.addi %scan3A_130, %scan3A_131 : i32
      %scan3A_133 = arith.constant 1 : i32
      %scan3A_134 = scf.for %scan3A_137 = %scan3A_130 to %scan3A_132 step %scan3A_133 iter_args(%scan3A_138 = %scan3A_129) -> (i32)  : i32 {
        %mul3A_139 = arith.constant 16 : i32
        %mul3A_140 = arith.muli %scan3A_137, %mul3A_139 : i32
        %get3A = arith.index_cast %mul3A_140 : i32 to index
        %get3A_141 = tpu.vector_load %arg13[%get3A] {strides = array<i32>} : memref<10000xf32, #tpu.memory_space<vmem>>, vector<16xf32>,
        %get3A_142 = vector.shape_cast %get3A_141 : vector<16xf32> to vector<16xf32>
        %mul3A_143 = arith.constant 16 : i32
        %mul3A_144 = arith.muli %scan3A_137, %mul3A_143 : i32
        %get3A_145 = arith.index_cast %mul3A_144 : i32 to index
        %get3A_146 = tpu.vector_load %arg14[%get3A_145] {strides = array<i32>} : memref<10000xf32, #tpu.memory_space<vmem>>, vector<16xf32>,
        %get3A_147 = vector.shape_cast %get3A_146 : vector<16xf32> to vector<16xf32>
        %mul3A_148 = arith.constant 16 : i32
        %mul3A_149 = arith.muli %scan3A_137, %mul3A_148 : i32
        %get3A_150 = arith.index_cast %mul3A_149 : i32 to index
        %get3A_151 = tpu.vector_load %arg9[%get3A_150] {strides = array<i32>} : memref<10000xi32, #tpu.memory_space<vmem>>, vector<16xi32>,
        %get3A_152 = vector.shape_cast %get3A_151 : vector<16xi32> to vector<16xi32>
        %mul3A_153 = arith.constant 16 : i32
        %mul3A_154 = arith.muli %scan3A_137, %mul3A_153 : i32
        %and3A = arith.constant 1023 : i32
        %and3A_155 = arith.andi %mul3A_154, %and3A : i32
        %add3A_156 = arith.constant 50048 : i32
        %add3A_157 = arith.addi %add3A_156, %and3A_155 : i32
        %add3A_158 = vector.broadcast %add3A_157 : i32 to vector<16xi32>
        %add3A_159 = arith.addi %add3A_158, %iota3A : vector<16xi32>
        %gt3A = arith.cmpf ogt, %get3A_142, %get3A_147 : vector<16xf32>
        %select_n3A = arith.select %gt3A, %get3A_152, %add3A_159 : vector<16xi1>, vector<16xi32>
        %mul3A_160 = arith.constant 16 : i32
        %mul3A_161 = arith.muli %scan3A_137, %mul3A_160 : i32
        %swap3A = arith.index_cast %mul3A_161 : i32 to index
        %swap3A_162 = tpu.vector_load %arg10[%swap3A] {strides = array<i32>} : memref<10000xi32, #tpu.memory_space<vmem>>, vector<16xi32>,
        %swap3A_163 = vector.shape_cast %swap3A_162 : vector<16xi32> to vector<16xi32>
        %swap3A_164 = vector.shape_cast %select_n3A : vector<16xi32> to vector<16xi32>
        tpu.vector_store %arg10[%swap3A], %swap3A_164 {strides = array<i32>} : memref<10000xi32, #tpu.memory_space<vmem>>, vector<16xi32>,
        %scan3A_165 = arith.constant 0 : i32
        scf.yield %scan3A_165 : i32
      }
      %scan3A_135 = arith.constant 625 : i32
      "tpu.region"() ({
        %run_scoped3A_137 = tpu.sem_alloc : memref<!tpu.dma_semaphore, #tpu.memory_space<semaphore_mem>>
        %dma_start3A = arith.constant 0 : i32
        %dma_start3A_138 = tpu.memref_slice %arg22[%dma_start3A] : memref<51200xf32, #tpu.memory_space<vmem_shared>> -> memref<51200xf32, #tpu.memory_space<vmem_shared>>
        tpu.enqueue_indirect_dma source(%arg13 : memref<10000xf32, #tpu.memory_space<vmem>>) target(%dma_start3A_138 : memref<51200xf32, #tpu.memory_space<vmem_shared>>) offsets(%arg10 : memref<10000xi32, #tpu.memory_space<vmem>>) semaphore(%run_scoped3A_137 : memref<!tpu.dma_semaphore, #tpu.memory_space<semaphore_mem>>)
        %dma_wait3A = arith.constant 0 : i32
        %dma_wait3A_139 = tpu.memref_slice %arg22[%dma_wait3A] : memref<51200xf32, #tpu.memory_space<vmem_shared>> -> memref<51200xf32, #tpu.memory_space<vmem_shared>>
        tpu.wait_indirect_dma semaphore(%run_scoped3A_137 : memref<!tpu.dma_semaphore, #tpu.memory_space<semaphore_mem>>) src(%arg13 : memref<10000xf32, #tpu.memory_space<vmem>>) dst(%dma_wait3A_139 : memref<51200xf32, #tpu.memory_space<vmem_shared>>)
        tpu.yield
      }) : () -> ()
      %scan3A_136 = arith.constant 0 : i32
      scf.yield %scan3A_136 : i32
    }
    %scan3A_102 = arith.constant 5 : i32
    %barrier3A_103 = arith.constant 0 : index
    tpu.barrier barrier_id(%barrier3A_103)
    %scan3A_104 = arith.constant 0 : i32
    %scan3A_105 = arith.constant 0 : i32
    %scan3A_106 = arith.constant 5 : i32
    %scan3A_107 = arith.addi %scan3A_105, %scan3A_106 : i32
    %scan3A_108 = arith.constant 1 : i32
    %scan3A_109 = scf.for %scan3A_119 = %scan3A_105 to %scan3A_107 step %scan3A_108 iter_args(%scan3A_120 = %scan3A_104) -> (i32)  : i32 {
      %mul3A_121 = arith.constant 50000 : i32
      %mul3A_122 = arith.muli %arg1, %mul3A_121 : i32
      %mul3A_123 = arith.constant 10000 : i32
      %mul3A_124 = arith.muli %scan3A_119, %mul3A_123 : i32
      %add3A_125 = arith.addi %mul3A_122, %mul3A_124 : i32
      %mul3A_126 = arith.constant 10000 : i32
      %mul3A_127 = arith.muli %scan3A_119, %mul3A_126 : i32
      %add3A_128 = arith.addi %add3A, %mul3A_127 : i32
      "tpu.region"() ({
        %run_scoped3A_137 = tpu.sem_alloc : memref<!tpu.dma_semaphore, #tpu.memory_space<semaphore_mem>>
        %dma_start3A = tpu.memref_slice %arg3[%add3A_125] : memref<800000xi32, #tpu.memory_space<hbm>> -> memref<10000xi32, #tpu.memory_space<hbm>>
        %dma_start3A_138 = tpu.memref_slice %arg3[%add3A_125] : memref<800000xi32, #tpu.memory_space<hbm>> -> memref<10000xi32, #tpu.memory_space<hbm>>
        tpu.enqueue_dma source(%dma_start3A_138 : memref<10000xi32, #tpu.memory_space<hbm>>) target(%arg9 : memref<10000xi32, #tpu.memory_space<vmem>>) target_semaphore(%run_scoped3A_137 : memref<!tpu.dma_semaphore, #tpu.memory_space<semaphore_mem>>)
        %dma_wait3A = tpu.memref_slice %arg3[%add3A_125] : memref<800000xi32, #tpu.memory_space<hbm>> -> memref<10000xi32, #tpu.memory_space<hbm>>
        %dma_wait3A_139 = tpu.memref_slice %arg3[%add3A_125] : memref<800000xi32, #tpu.memory_space<hbm>> -> memref<10000xi32, #tpu.memory_space<hbm>>
        tpu.wait_dma2 semaphore(%run_scoped3A_137 : memref<!tpu.dma_semaphore, #tpu.memory_space<semaphore_mem>>) src(%dma_wait3A_139 : memref<10000xi32, #tpu.memory_space<hbm>>) dst(%arg9 : memref<10000xi32, #tpu.memory_space<vmem>>)
        tpu.yield
      }) : () -> ()
      "tpu.region"() ({
        %run_scoped3A_137 = tpu.sem_alloc : memref<!tpu.dma_semaphore, #tpu.memory_space<semaphore_mem>>
        %dma_start3A = tpu.memref_slice %arg7[%add3A_128] : memref<1600000xf32, #tpu.memory_space<hbm>> -> memref<10000xf32, #tpu.memory_space<hbm>>
        %dma_start3A_138 = tpu.memref_slice %arg7[%add3A_128] : memref<1600000xf32, #tpu.memory_space<hbm>> -> memref<10000xf32, #tpu.memory_space<hbm>>
        tpu.enqueue_dma source(%dma_start3A_138 : memref<10000xf32, #tpu.memory_space<hbm>>) target(%arg13 : memref<10000xf32, #tpu.memory_space<vmem>>) target_semaphore(%run_scoped3A_137 : memref<!tpu.dma_semaphore, #tpu.memory_space<semaphore_mem>>)
        %dma_wait3A = tpu.memref_slice %arg7[%add3A_128] : memref<1600000xf32, #tpu.memory_space<hbm>> -> memref<10000xf32, #tpu.memory_space<hbm>>
        %dma_wait3A_139 = tpu.memref_slice %arg7[%add3A_128] : memref<1600000xf32, #tpu.memory_space<hbm>> -> memref<10000xf32, #tpu.memory_space<hbm>>
        tpu.wait_dma2 semaphore(%run_scoped3A_137 : memref<!tpu.dma_semaphore, #tpu.memory_space<semaphore_mem>>) src(%dma_wait3A_139 : memref<10000xf32, #tpu.memory_space<hbm>>) dst(%arg13 : memref<10000xf32, #tpu.memory_space<vmem>>)
        tpu.yield
      }) : () -> ()
      "tpu.region"() ({
        %run_scoped3A_137 = tpu.sem_alloc : memref<!tpu.dma_semaphore, #tpu.memory_space<semaphore_mem>>
        %dma_start3A = arith.constant 0 : i32
        %dma_start3A_138 = tpu.memref_slice %arg22[%dma_start3A] : memref<51200xf32, #tpu.memory_space<vmem_shared>> -> memref<51200xf32, #tpu.memory_space<vmem_shared>>
        tpu.enqueue_indirect_dma source(%dma_start3A_138 : memref<51200xf32, #tpu.memory_space<vmem_shared>>) target(%arg14 : memref<10000xf32, #tpu.memory_space<vmem>>) offsets(%arg9 : memref<10000xi32, #tpu.memory_space<vmem>>) semaphore(%run_scoped3A_137 : memref<!tpu.dma_semaphore, #tpu.memory_space<semaphore_mem>>)
        %dma_wait3A = arith.constant 0 : i32
        %dma_wait3A_139 = tpu.memref_slice %arg22[%dma_wait3A] : memref<51200xf32, #tpu.memory_space<vmem_shared>> -> memref<51200xf32, #tpu.memory_space<vmem_shared>>
        tpu.wait_indirect_dma semaphore(%run_scoped3A_137 : memref<!tpu.dma_semaphore, #tpu.memory_space<semaphore_mem>>) src(%dma_wait3A_139 : memref<51200xf32, #tpu.memory_space<vmem_shared>>) dst(%arg14 : memref<10000xf32, #tpu.memory_space<vmem>>)
        tpu.yield
      }) : () -> ()
      %scan3A_129 = arith.constant 0 : i32
      %scan3A_130 = arith.constant 0 : i32
      %scan3A_131 = arith.constant 625 : i32
      %scan3A_132 = arith.addi %scan3A_130, %scan3A_131 : i32
      %scan3A_133 = arith.constant 1 : i32
      %scan3A_134 = scf.for %scan3A_137 = %scan3A_130 to %scan3A_132 step %scan3A_133 iter_args(%scan3A_138 = %scan3A_129) -> (i32)  : i32 {
        %mul3A_139 = arith.constant 16 : i32
        %mul3A_140 = arith.muli %scan3A_137, %mul3A_139 : i32
        %get3A = arith.index_cast %mul3A_140 : i32 to index
        %get3A_141 = tpu.vector_load %arg13[%get3A] {strides = array<i32>} : memref<10000xf32, #tpu.memory_space<vmem>>, vector<16xf32>,
        %get3A_142 = vector.shape_cast %get3A_141 : vector<16xf32> to vector<16xf32>
        %mul3A_143 = arith.constant 16 : i32
        %mul3A_144 = arith.muli %scan3A_137, %mul3A_143 : i32
        %get3A_145 = arith.index_cast %mul3A_144 : i32 to index
        %get3A_146 = tpu.vector_load %arg14[%get3A_145] {strides = array<i32>} : memref<10000xf32, #tpu.memory_space<vmem>>, vector<16xf32>,
        %get3A_147 = vector.shape_cast %get3A_146 : vector<16xf32> to vector<16xf32>
        %sub3A = arith.subf %get3A_142, %get3A_147 : vector<16xf32>
        %exp3A = math.exp %sub3A : vector<16xf32>
        %mul3A_148 = arith.constant 16 : i32
        %mul3A_149 = arith.muli %scan3A_137, %mul3A_148 : i32
        %swap3A = arith.index_cast %mul3A_149 : i32 to index
        %swap3A_150 = tpu.vector_load %arg15[%swap3A] {strides = array<i32>} : memref<10000xf32, #tpu.memory_space<vmem>>, vector<16xf32>,
        %swap3A_151 = vector.shape_cast %swap3A_150 : vector<16xf32> to vector<16xf32>
        %swap3A_152 = vector.shape_cast %exp3A : vector<16xf32> to vector<16xf32>
        tpu.vector_store %arg15[%swap3A], %swap3A_152 {strides = array<i32>} : memref<10000xf32, #tpu.memory_space<vmem>>, vector<16xf32>,
        %scan3A_153 = arith.constant 0 : i32
        scf.yield %scan3A_153 : i32
      }
      %scan3A_135 = arith.constant 625 : i32
      "tpu.region"() ({
        %run_scoped3A_137 = tpu.sem_alloc : memref<!tpu.dma_semaphore, #tpu.memory_space<semaphore_mem>>
        %dma_start3A = tpu.memref_slice %arg7[%add3A_128] : memref<1600000xf32, #tpu.memory_space<hbm>> -> memref<10000xf32, #tpu.memory_space<hbm>>
        %dma_start3A_138 = tpu.memref_slice %arg7[%add3A_128] : memref<1600000xf32, #tpu.memory_space<hbm>> -> memref<10000xf32, #tpu.memory_space<hbm>>
        tpu.enqueue_dma source(%arg15 : memref<10000xf32, #tpu.memory_space<vmem>>) target(%dma_start3A_138 : memref<10000xf32, #tpu.memory_space<hbm>>) target_semaphore(%run_scoped3A_137 : memref<!tpu.dma_semaphore, #tpu.memory_space<semaphore_mem>>)
        %dma_wait3A = tpu.memref_slice %arg7[%add3A_128] : memref<1600000xf32, #tpu.memory_space<hbm>> -> memref<10000xf32, #tpu.memory_space<hbm>>
        %dma_wait3A_139 = tpu.memref_slice %arg7[%add3A_128] : memref<1600000xf32, #tpu.memory_space<hbm>> -> memref<10000xf32, #tpu.memory_space<hbm>>
        tpu.wait_dma2 semaphore(%run_scoped3A_137 : memref<!tpu.dma_semaphore, #tpu.memory_space<semaphore_mem>>) src(%arg15 : memref<10000xf32, #tpu.memory_space<vmem>>) dst(%dma_wait3A_139 : memref<10000xf32, #tpu.memory_space<hbm>>)
        tpu.yield
      }) : () -> ()
      "tpu.region"() ({
        %run_scoped3A_137 = tpu.sem_alloc : memref<!tpu.dma_semaphore, #tpu.memory_space<semaphore_mem>>
        %dma_start3A = arith.constant 0 : i32
        %dma_start3A_138 = tpu.memref_slice %arg23[%dma_start3A] : memref<51200xf32, #tpu.memory_space<vmem_shared>> -> memref<51200xf32, #tpu.memory_space<vmem_shared>>
        tpu.enqueue_indirect_dma source(%arg15 : memref<10000xf32, #tpu.memory_space<vmem>>) target(%dma_start3A_138 : memref<51200xf32, #tpu.memory_space<vmem_shared>>) offsets(%arg9 : memref<10000xi32, #tpu.memory_space<vmem>>) semaphore(%run_scoped3A_137 : memref<!tpu.dma_semaphore, #tpu.memory_space<semaphore_mem>>) {add = true}
        %dma_wait3A = arith.constant 0 : i32
        %dma_wait3A_139 = tpu.memref_slice %arg23[%dma_wait3A] : memref<51200xf32, #tpu.memory_space<vmem_shared>> -> memref<51200xf32, #tpu.memory_space<vmem_shared>>
        tpu.wait_indirect_dma semaphore(%run_scoped3A_137 : memref<!tpu.dma_semaphore, #tpu.memory_space<semaphore_mem>>) src(%arg15 : memref<10000xf32, #tpu.memory_space<vmem>>) dst(%dma_wait3A_139 : memref<51200xf32, #tpu.memory_space<vmem_shared>>)
        tpu.yield
      }) : () -> ()
      %scan3A_136 = arith.constant 0 : i32
      scf.yield %scan3A_136 : i32
    }
    %scan3A_110 = arith.constant 5 : i32
    %barrier3A_111 = arith.constant 0 : index
    tpu.barrier barrier_id(%barrier3A_111)
    %scan3A_112 = arith.constant 0 : i32
    %scan3A_113 = arith.constant 0 : i32
    %scan3A_114 = arith.constant 5 : i32
    %scan3A_115 = arith.addi %scan3A_113, %scan3A_114 : i32
    %scan3A_116 = arith.constant 1 : i32
    %scan3A_117 = scf.for %scan3A_119 = %scan3A_113 to %scan3A_115 step %scan3A_116 iter_args(%scan3A_120 = %scan3A_112) -> (i32)  : i32 {
      %mul3A_121 = arith.constant 50000 : i32
      %mul3A_122 = arith.muli %arg1, %mul3A_121 : i32
      %mul3A_123 = arith.constant 10000 : i32
      %mul3A_124 = arith.muli %scan3A_119, %mul3A_123 : i32
      %add3A_125 = arith.addi %mul3A_122, %mul3A_124 : i32
      %mul3A_126 = arith.constant 10000 : i32
      %mul3A_127 = arith.muli %scan3A_119, %mul3A_126 : i32
      %add3A_128 = arith.addi %add3A, %mul3A_127 : i32
      "tpu.region"() ({
        %run_scoped3A_137 = tpu.sem_alloc : memref<!tpu.dma_semaphore, #tpu.memory_space<semaphore_mem>>
        %dma_start3A = tpu.memref_slice %arg3[%add3A_125] : memref<800000xi32, #tpu.memory_space<hbm>> -> memref<10000xi32, #tpu.memory_space<hbm>>
        %dma_start3A_138 = tpu.memref_slice %arg3[%add3A_125] : memref<800000xi32, #tpu.memory_space<hbm>> -> memref<10000xi32, #tpu.memory_space<hbm>>
        tpu.enqueue_dma source(%dma_start3A_138 : memref<10000xi32, #tpu.memory_space<hbm>>) target(%arg9 : memref<10000xi32, #tpu.memory_space<vmem>>) target_semaphore(%run_scoped3A_137 : memref<!tpu.dma_semaphore, #tpu.memory_space<semaphore_mem>>)
        %dma_wait3A = tpu.memref_slice %arg3[%add3A_125] : memref<800000xi32, #tpu.memory_space<hbm>> -> memref<10000xi32, #tpu.memory_space<hbm>>
        %dma_wait3A_139 = tpu.memref_slice %arg3[%add3A_125] : memref<800000xi32, #tpu.memory_space<hbm>> -> memref<10000xi32, #tpu.memory_space<hbm>>
        tpu.wait_dma2 semaphore(%run_scoped3A_137 : memref<!tpu.dma_semaphore, #tpu.memory_space<semaphore_mem>>) src(%dma_wait3A_139 : memref<10000xi32, #tpu.memory_space<hbm>>) dst(%arg9 : memref<10000xi32, #tpu.memory_space<vmem>>)
        tpu.yield
      }) : () -> ()
      "tpu.region"() ({
        %run_scoped3A_137 = tpu.sem_alloc : memref<!tpu.dma_semaphore, #tpu.memory_space<semaphore_mem>>
        %dma_start3A = tpu.memref_slice %arg7[%add3A_128] : memref<1600000xf32, #tpu.memory_space<hbm>> -> memref<10000xf32, #tpu.memory_space<hbm>>
        %dma_start3A_138 = tpu.memref_slice %arg7[%add3A_128] : memref<1600000xf32, #tpu.memory_space<hbm>> -> memref<10000xf32, #tpu.memory_space<hbm>>
        tpu.enqueue_dma source(%dma_start3A_138 : memref<10000xf32, #tpu.memory_space<hbm>>) target(%arg15 : memref<10000xf32, #tpu.memory_space<vmem>>) target_semaphore(%run_scoped3A_137 : memref<!tpu.dma_semaphore, #tpu.memory_space<semaphore_mem>>)
        %dma_wait3A = tpu.memref_slice %arg7[%add3A_128] : memref<1600000xf32, #tpu.memory_space<hbm>> -> memref<10000xf32, #tpu.memory_space<hbm>>
        %dma_wait3A_139 = tpu.memref_slice %arg7[%add3A_128] : memref<1600000xf32, #tpu.memory_space<hbm>> -> memref<10000xf32, #tpu.memory_space<hbm>>
        tpu.wait_dma2 semaphore(%run_scoped3A_137 : memref<!tpu.dma_semaphore, #tpu.memory_space<semaphore_mem>>) src(%dma_wait3A_139 : memref<10000xf32, #tpu.memory_space<hbm>>) dst(%arg15 : memref<10000xf32, #tpu.memory_space<vmem>>)
        tpu.yield
      }) : () -> ()
      "tpu.region"() ({
        %run_scoped3A_137 = tpu.sem_alloc : memref<!tpu.dma_semaphore, #tpu.memory_space<semaphore_mem>>
        %dma_start3A = arith.constant 0 : i32
        %dma_start3A_138 = tpu.memref_slice %arg23[%dma_start3A] : memref<51200xf32, #tpu.memory_space<vmem_shared>> -> memref<51200xf32, #tpu.memory_space<vmem_shared>>
        tpu.enqueue_indirect_dma source(%dma_start3A_138 : memref<51200xf32, #tpu.memory_space<vmem_shared>>) target(%arg14 : memref<10000xf32, #tpu.memory_space<vmem>>) offsets(%arg9 : memref<10000xi32, #tpu.memory_space<vmem>>) semaphore(%run_scoped3A_137 : memref<!tpu.dma_semaphore, #tpu.memory_space<semaphore_mem>>)
        %dma_wait3A = arith.constant 0 : i32
        %dma_wait3A_139 = tpu.memref_slice %arg23[%dma_wait3A] : memref<51200xf32, #tpu.memory_space<vmem_shared>> -> memref<51200xf32, #tpu.memory_space<vmem_shared>>
        tpu.wait_indirect_dma semaphore(%run_scoped3A_137 : memref<!tpu.dma_semaphore, #tpu.memory_space<semaphore_mem>>) src(%dma_wait3A_139 : memref<51200xf32, #tpu.memory_space<vmem_shared>>) dst(%arg14 : memref<10000xf32, #tpu.memory_space<vmem>>)
        tpu.yield
      }) : () -> ()
      %scan3A_129 = arith.constant 0 : i32
      %scan3A_130 = arith.constant 0 : i32
      %scan3A_131 = arith.constant 625 : i32
      %scan3A_132 = arith.addi %scan3A_130, %scan3A_131 : i32
      %scan3A_133 = arith.constant 1 : i32
      %scan3A_134 = scf.for %scan3A_137 = %scan3A_130 to %scan3A_132 step %scan3A_133 iter_args(%scan3A_138 = %scan3A_129) -> (i32)  : i32 {
        %mul3A_139 = arith.constant 16 : i32
        %mul3A_140 = arith.muli %scan3A_137, %mul3A_139 : i32
        %get3A = arith.index_cast %mul3A_140 : i32 to index
        %get3A_141 = tpu.vector_load %arg15[%get3A] {strides = array<i32>} : memref<10000xf32, #tpu.memory_space<vmem>>, vector<16xf32>,
        %get3A_142 = vector.shape_cast %get3A_141 : vector<16xf32> to vector<16xf32>
        %mul3A_143 = arith.constant 16 : i32
        %mul3A_144 = arith.muli %scan3A_137, %mul3A_143 : i32
        %get3A_145 = arith.index_cast %mul3A_144 : i32 to index
        %get3A_146 = tpu.vector_load %arg14[%get3A_145] {strides = array<i32>} : memref<10000xf32, #tpu.memory_space<vmem>>, vector<16xf32>,
        %get3A_147 = vector.shape_cast %get3A_146 : vector<16xf32> to vector<16xf32>
        %add3A_148 = arith.constant 1.000000e-16 : f32
        %add3A_149 = vector.broadcast %add3A_148 : f32 to vector<16xf32>
        %add3A_150 = arith.addf %get3A_147, %add3A_149 : vector<16xf32>
        %div3A = arith.divf %get3A_142, %add3A_150 : vector<16xf32>
        %mul3A_151 = arith.constant 16 : i32
        %mul3A_152 = arith.muli %scan3A_137, %mul3A_151 : i32
        %swap3A = arith.index_cast %mul3A_152 : i32 to index
        %swap3A_153 = tpu.vector_load %arg13[%swap3A] {strides = array<i32>} : memref<10000xf32, #tpu.memory_space<vmem>>, vector<16xf32>,
        %swap3A_154 = vector.shape_cast %swap3A_153 : vector<16xf32> to vector<16xf32>
        %swap3A_155 = vector.shape_cast %div3A : vector<16xf32> to vector<16xf32>
        tpu.vector_store %arg13[%swap3A], %swap3A_155 {strides = array<i32>} : memref<10000xf32, #tpu.memory_space<vmem>>, vector<16xf32>,
        %scan3A_156 = arith.constant 0 : i32
        scf.yield %scan3A_156 : i32
      }
      %scan3A_135 = arith.constant 625 : i32
      "tpu.region"() ({
        %run_scoped3A_137 = tpu.sem_alloc : memref<!tpu.dma_semaphore, #tpu.memory_space<semaphore_mem>>
        %dma_start3A = tpu.memref_slice %arg7[%add3A_128] : memref<1600000xf32, #tpu.memory_space<hbm>> -> memref<10000xf32, #tpu.memory_space<hbm>>
        %dma_start3A_138 = tpu.memref_slice %arg7[%add3A_128] : memref<1600000xf32, #tpu.memory_space<hbm>> -> memref<10000xf32, #tpu.memory_space<hbm>>
        tpu.enqueue_dma source(%arg13 : memref<10000xf32, #tpu.memory_space<vmem>>) target(%dma_start3A_138 : memref<10000xf32, #tpu.memory_space<hbm>>) target_semaphore(%run_scoped3A_137 : memref<!tpu.dma_semaphore, #tpu.memory_space<semaphore_mem>>)
        %dma_wait3A = tpu.memref_slice %arg7[%add3A_128] : memref<1600000xf32, #tpu.memory_space<hbm>> -> memref<10000xf32, #tpu.memory_space<hbm>>
        %dma_wait3A_139 = tpu.memref_slice %arg7[%add3A_128] : memref<1600000xf32, #tpu.memory_space<hbm>> -> memref<10000xf32, #tpu.memory_space<hbm>>
        tpu.wait_dma2 semaphore(%run_scoped3A_137 : memref<!tpu.dma_semaphore, #tpu.memory_space<semaphore_mem>>) src(%arg13 : memref<10000xf32, #tpu.memory_space<vmem>>) dst(%dma_wait3A_139 : memref<10000xf32, #tpu.memory_space<hbm>>)
        tpu.yield
      }) : () -> ()
      %scan3A_136 = arith.constant 0 : i32
      scf.yield %scan3A_136 : i32
    }
    %scan3A_118 = arith.constant 5 : i32
    return
  }
}

#map = affine_map<(d0, d1) -> (0)>
module attributes {stable_mosaic.version = 14 : i64} {
  func.func @_bfs_body(%arg0: i32, %arg1: i32, %arg2: memref<800000xi32, #tpu.memory_space<hbm>>, %arg3: memref<800000xi32, #tpu.memory_space<hbm>>, %arg4: memref<51200xi32, #tpu.memory_space<hbm>>, %arg5: memref<16xi32, #tpu.memory_space<hbm>>, %arg6: memref<51200xi32, #tpu.memory_space<hbm>>, %arg7: memref<10000xi32, #tpu.memory_space<vmem>>, %arg8: memref<10000xi32, #tpu.memory_space<vmem>>, %arg9: memref<10000xi32, #tpu.memory_space<vmem>>, %arg10: memref<10000xi32, #tpu.memory_space<vmem>>, %arg11: memref<10000xi32, #tpu.memory_space<vmem>>, %arg12: memref<10000xi32, #tpu.memory_space<vmem>>, %arg13: memref<16xi32, #tpu.memory_space<vmem>>, %arg14: memref<51200xi32, #tpu.memory_space<vmem_shared>>) attributes {dimension_semantics = [#tpu.dimension_semantics<core_parallel>, #tpu.dimension_semantics<subcore_parallel>], iteration_bounds = array<i64: 2, 16>, scalar_prefetch = 0 : i64, scratch_operands = 8 : i64, tpu.core_type = #tpu.core_type<sc_vector_subcore>, window_params = [{transform_indices = #map}, {transform_indices = #map}, {transform_indices = #map}, {transform_indices = #map}, {transform_indices = #map}]} {
    %iota3A = tpu.iota {dimensions = array<i32: 0>} : vector<16xi32>
    %mul3A = arith.constant 3200 : i32
    %mul3A_0 = arith.muli %arg1, %mul3A : i32
    "tpu.region"() ({
      %run_scoped3A = tpu.sem_alloc : memref<!tpu.dma_semaphore, #tpu.memory_space<semaphore_mem>>
      %dma_start3A = tpu.memref_slice %arg14[%mul3A_0] : memref<51200xi32, #tpu.memory_space<vmem_shared>> -> memref<3200xi32, #tpu.memory_space<vmem_shared>>
      %dma_start3A_41 = tpu.memref_slice %arg4[%mul3A_0] : memref<51200xi32, #tpu.memory_space<hbm>> -> memref<3200xi32, #tpu.memory_space<hbm>>
      tpu.enqueue_dma source(%dma_start3A_41 : memref<3200xi32, #tpu.memory_space<hbm>>) target(%dma_start3A : memref<3200xi32, #tpu.memory_space<vmem_shared>>) target_semaphore(%run_scoped3A : memref<!tpu.dma_semaphore, #tpu.memory_space<semaphore_mem>>)
      %dma_wait3A = tpu.memref_slice %arg14[%mul3A_0] : memref<51200xi32, #tpu.memory_space<vmem_shared>> -> memref<3200xi32, #tpu.memory_space<vmem_shared>>
      %dma_wait3A_42 = tpu.memref_slice %arg4[%mul3A_0] : memref<51200xi32, #tpu.memory_space<hbm>> -> memref<3200xi32, #tpu.memory_space<hbm>>
      tpu.wait_dma2 semaphore(%run_scoped3A : memref<!tpu.dma_semaphore, #tpu.memory_space<semaphore_mem>>) src(%dma_wait3A_42 : memref<3200xi32, #tpu.memory_space<hbm>>) dst(%dma_wait3A : memref<3200xi32, #tpu.memory_space<vmem_shared>>)
      tpu.yield
    }) : () -> ()
    "tpu.region"() ({
      %run_scoped3A = tpu.sem_alloc : memref<!tpu.dma_semaphore, #tpu.memory_space<semaphore_mem>>
      tpu.enqueue_dma source(%arg5 : memref<16xi32, #tpu.memory_space<hbm>>) target(%arg13 : memref<16xi32, #tpu.memory_space<vmem>>) target_semaphore(%run_scoped3A : memref<!tpu.dma_semaphore, #tpu.memory_space<semaphore_mem>>)
      tpu.wait_dma2 semaphore(%run_scoped3A : memref<!tpu.dma_semaphore, #tpu.memory_space<semaphore_mem>>) src(%arg5 : memref<16xi32, #tpu.memory_space<hbm>>) dst(%arg13 : memref<16xi32, #tpu.memory_space<vmem>>)
      tpu.yield
    }) : () -> ()
    %barrier3A = arith.constant 0 : index
    tpu.barrier barrier_id(%barrier3A)
    %get3A = arith.constant 0 : index
    %get3A_1 = tpu.vector_load %arg13[%get3A] {strides = array<i32>} : memref<16xi32, #tpu.memory_space<vmem>>, vector<16xi32>,
    %get3A_2 = vector.shape_cast %get3A_1 : vector<16xi32> to vector<16xi32>
    %slice3A = vector.extract_strided_slice %get3A_2 {offsets = [0], sizes = [1], strides = [1]} : vector<16xi32> to vector<1xi32>
    %squeeze3A = vector.extract %slice3A[0] : i32 from vector<1xi32>
    %add3A = arith.constant 0 : i32
    %add3A_3 = arith.addi %squeeze3A, %add3A : i32
    %scan3A = arith.constant 0 : i32
    %scan3A_4 = arith.constant 0 : i32
    %scan3A_5 = arith.constant 5 : i32
    %scan3A_6 = arith.addi %scan3A_4, %scan3A_5 : i32
    %scan3A_7 = arith.constant 1 : i32
    %scan3A_8 = scf.for %scan3A_41 = %scan3A_4 to %scan3A_6 step %scan3A_7 iter_args(%scan3A_42 = %scan3A) -> (i32)  : i32 {
      %mul3A_43 = arith.constant 50000 : i32
      %mul3A_44 = arith.muli %arg1, %mul3A_43 : i32
      %mul3A_45 = arith.constant 10000 : i32
      %mul3A_46 = arith.muli %scan3A_41, %mul3A_45 : i32
      %add3A_47 = arith.addi %mul3A_44, %mul3A_46 : i32
      "tpu.region"() ({
        %run_scoped3A = tpu.sem_alloc : memref<!tpu.dma_semaphore, #tpu.memory_space<semaphore_mem>>
        %dma_start3A = tpu.memref_slice %arg2[%add3A_47] : memref<800000xi32, #tpu.memory_space<hbm>> -> memref<10000xi32, #tpu.memory_space<hbm>>
        %dma_start3A_56 = tpu.memref_slice %arg2[%add3A_47] : memref<800000xi32, #tpu.memory_space<hbm>> -> memref<10000xi32, #tpu.memory_space<hbm>>
        tpu.enqueue_dma source(%dma_start3A_56 : memref<10000xi32, #tpu.memory_space<hbm>>) target(%arg7 : memref<10000xi32, #tpu.memory_space<vmem>>) target_semaphore(%run_scoped3A : memref<!tpu.dma_semaphore, #tpu.memory_space<semaphore_mem>>)
        %dma_wait3A = tpu.memref_slice %arg2[%add3A_47] : memref<800000xi32, #tpu.memory_space<hbm>> -> memref<10000xi32, #tpu.memory_space<hbm>>
        %dma_wait3A_57 = tpu.memref_slice %arg2[%add3A_47] : memref<800000xi32, #tpu.memory_space<hbm>> -> memref<10000xi32, #tpu.memory_space<hbm>>
        tpu.wait_dma2 semaphore(%run_scoped3A : memref<!tpu.dma_semaphore, #tpu.memory_space<semaphore_mem>>) src(%dma_wait3A_57 : memref<10000xi32, #tpu.memory_space<hbm>>) dst(%arg7 : memref<10000xi32, #tpu.memory_space<vmem>>)
        tpu.yield
      }) : () -> ()
      "tpu.region"() ({
        %run_scoped3A = tpu.sem_alloc : memref<!tpu.dma_semaphore, #tpu.memory_space<semaphore_mem>>
        %dma_start3A = tpu.memref_slice %arg3[%add3A_47] : memref<800000xi32, #tpu.memory_space<hbm>> -> memref<10000xi32, #tpu.memory_space<hbm>>
        %dma_start3A_56 = tpu.memref_slice %arg3[%add3A_47] : memref<800000xi32, #tpu.memory_space<hbm>> -> memref<10000xi32, #tpu.memory_space<hbm>>
        tpu.enqueue_dma source(%dma_start3A_56 : memref<10000xi32, #tpu.memory_space<hbm>>) target(%arg8 : memref<10000xi32, #tpu.memory_space<vmem>>) target_semaphore(%run_scoped3A : memref<!tpu.dma_semaphore, #tpu.memory_space<semaphore_mem>>)
        %dma_wait3A = tpu.memref_slice %arg3[%add3A_47] : memref<800000xi32, #tpu.memory_space<hbm>> -> memref<10000xi32, #tpu.memory_space<hbm>>
        %dma_wait3A_57 = tpu.memref_slice %arg3[%add3A_47] : memref<800000xi32, #tpu.memory_space<hbm>> -> memref<10000xi32, #tpu.memory_space<hbm>>
        tpu.wait_dma2 semaphore(%run_scoped3A : memref<!tpu.dma_semaphore, #tpu.memory_space<semaphore_mem>>) src(%dma_wait3A_57 : memref<10000xi32, #tpu.memory_space<hbm>>) dst(%arg8 : memref<10000xi32, #tpu.memory_space<vmem>>)
        tpu.yield
      }) : () -> ()
      "tpu.region"() ({
        %run_scoped3A = tpu.sem_alloc : memref<!tpu.dma_semaphore, #tpu.memory_space<semaphore_mem>>
        %dma_start3A = arith.constant 0 : i32
        %dma_start3A_56 = tpu.memref_slice %arg14[%dma_start3A] : memref<51200xi32, #tpu.memory_space<vmem_shared>> -> memref<51200xi32, #tpu.memory_space<vmem_shared>>
        tpu.enqueue_indirect_dma source(%dma_start3A_56 : memref<51200xi32, #tpu.memory_space<vmem_shared>>) target(%arg10 : memref<10000xi32, #tpu.memory_space<vmem>>) offsets(%arg8 : memref<10000xi32, #tpu.memory_space<vmem>>) semaphore(%run_scoped3A : memref<!tpu.dma_semaphore, #tpu.memory_space<semaphore_mem>>)
        %dma_wait3A = arith.constant 0 : i32
        %dma_wait3A_57 = tpu.memref_slice %arg14[%dma_wait3A] : memref<51200xi32, #tpu.memory_space<vmem_shared>> -> memref<51200xi32, #tpu.memory_space<vmem_shared>>
        tpu.wait_indirect_dma semaphore(%run_scoped3A : memref<!tpu.dma_semaphore, #tpu.memory_space<semaphore_mem>>) src(%dma_wait3A_57 : memref<51200xi32, #tpu.memory_space<vmem_shared>>) dst(%arg10 : memref<10000xi32, #tpu.memory_space<vmem>>)
        tpu.yield
      }) : () -> ()
      "tpu.region"() ({
        %run_scoped3A = tpu.sem_alloc : memref<!tpu.dma_semaphore, #tpu.memory_space<semaphore_mem>>
        %dma_start3A = arith.constant 0 : i32
        %dma_start3A_56 = tpu.memref_slice %arg14[%dma_start3A] : memref<51200xi32, #tpu.memory_space<vmem_shared>> -> memref<51200xi32, #tpu.memory_space<vmem_shared>>
        tpu.enqueue_indirect_dma source(%dma_start3A_56 : memref<51200xi32, #tpu.memory_space<vmem_shared>>) target(%arg11 : memref<10000xi32, #tpu.memory_space<vmem>>) offsets(%arg7 : memref<10000xi32, #tpu.memory_space<vmem>>) semaphore(%run_scoped3A : memref<!tpu.dma_semaphore, #tpu.memory_space<semaphore_mem>>)
        %dma_wait3A = arith.constant 0 : i32
        %dma_wait3A_57 = tpu.memref_slice %arg14[%dma_wait3A] : memref<51200xi32, #tpu.memory_space<vmem_shared>> -> memref<51200xi32, #tpu.memory_space<vmem_shared>>
        tpu.wait_indirect_dma semaphore(%run_scoped3A : memref<!tpu.dma_semaphore, #tpu.memory_space<semaphore_mem>>) src(%dma_wait3A_57 : memref<51200xi32, #tpu.memory_space<vmem_shared>>) dst(%arg11 : memref<10000xi32, #tpu.memory_space<vmem>>)
        tpu.yield
      }) : () -> ()
      %scan3A_48 = arith.constant 0 : i32
      %scan3A_49 = arith.constant 0 : i32
      %scan3A_50 = arith.constant 625 : i32
      %scan3A_51 = arith.addi %scan3A_49, %scan3A_50 : i32
      %scan3A_52 = arith.constant 1 : i32
      %scan3A_53 = scf.for %scan3A_56 = %scan3A_49 to %scan3A_51 step %scan3A_52 iter_args(%scan3A_57 = %scan3A_48) -> (i32)  : i32 {
        %mul3A_58 = arith.constant 16 : i32
        %mul3A_59 = arith.muli %scan3A_56, %mul3A_58 : i32
        %get3A_60 = arith.index_cast %mul3A_59 : i32 to index
        %get3A_61 = tpu.vector_load %arg10[%get3A_60] {strides = array<i32>} : memref<10000xi32, #tpu.memory_space<vmem>>, vector<16xi32>,
        %get3A_62 = vector.shape_cast %get3A_61 : vector<16xi32> to vector<16xi32>
        %mul3A_63 = arith.constant 16 : i32
        %mul3A_64 = arith.muli %scan3A_56, %mul3A_63 : i32
        %get3A_65 = arith.index_cast %mul3A_64 : i32 to index
        %get3A_66 = tpu.vector_load %arg11[%get3A_65] {strides = array<i32>} : memref<10000xi32, #tpu.memory_space<vmem>>, vector<16xi32>,
        %get3A_67 = vector.shape_cast %get3A_66 : vector<16xi32> to vector<16xi32>
        %mul3A_68 = arith.constant 16 : i32
        %mul3A_69 = arith.muli %scan3A_56, %mul3A_68 : i32
        %get3A_70 = arith.index_cast %mul3A_69 : i32 to index
        %get3A_71 = tpu.vector_load %arg7[%get3A_70] {strides = array<i32>} : memref<10000xi32, #tpu.memory_space<vmem>>, vector<16xi32>,
        %get3A_72 = vector.shape_cast %get3A_71 : vector<16xi32> to vector<16xi32>
        %sub3A = arith.constant 1 : i32
        %sub3A_73 = arith.subi %add3A_3, %sub3A : i32
        %eq3A = vector.broadcast %sub3A_73 : i32 to vector<16xi32>
        %eq3A_74 = arith.cmpi eq, %get3A_62, %eq3A : vector<16xi32>
        %eq3A_75 = arith.constant 1073741824 : i32
        %eq3A_76 = vector.broadcast %eq3A_75 : i32 to vector<16xi32>
        %eq3A_77 = arith.cmpi eq, %get3A_67, %eq3A_76 : vector<16xi32>
        %and3A = arith.andi %eq3A_74, %eq3A_77 : vector<16xi1>
        %mul3A_78 = arith.constant 16 : i32
        %mul3A_79 = arith.muli %scan3A_56, %mul3A_78 : i32
        %and3A_80 = arith.constant 1023 : i32
        %and3A_81 = arith.andi %mul3A_79, %and3A_80 : i32
        %add3A_82 = arith.constant 50048 : i32
        %add3A_83 = arith.addi %add3A_82, %and3A_81 : i32
        %add3A_84 = vector.broadcast %add3A_83 : i32 to vector<16xi32>
        %add3A_85 = arith.addi %add3A_84, %iota3A : vector<16xi32>
        %select_n3A = arith.select %and3A, %get3A_72, %add3A_85 : vector<16xi1>, vector<16xi32>
        %mul3A_86 = arith.constant 16 : i32
        %mul3A_87 = arith.muli %scan3A_56, %mul3A_86 : i32
        %swap3A = arith.index_cast %mul3A_87 : i32 to index
        %swap3A_88 = tpu.vector_load %arg9[%swap3A] {strides = array<i32>} : memref<10000xi32, #tpu.memory_space<vmem>>, vector<16xi32>,
        %swap3A_89 = vector.shape_cast %swap3A_88 : vector<16xi32> to vector<16xi32>
        %swap3A_90 = vector.shape_cast %select_n3A : vector<16xi32> to vector<16xi32>
        tpu.vector_store %arg9[%swap3A], %swap3A_90 {strides = array<i32>} : memref<10000xi32, #tpu.memory_space<vmem>>, vector<16xi32>,
        %add3A_91 = arith.constant 1 : i32
        %add3A_92 = vector.broadcast %add3A_91 : i32 to vector<16xi32>
        %add3A_93 = arith.addi %get3A_62, %add3A_92 : vector<16xi32>
        %mul3A_94 = arith.constant 16 : i32
        %mul3A_95 = arith.muli %scan3A_56, %mul3A_94 : i32
        %swap3A_96 = arith.index_cast %mul3A_95 : i32 to index
        %swap3A_97 = tpu.vector_load %arg12[%swap3A_96] {strides = array<i32>} : memref<10000xi32, #tpu.memory_space<vmem>>, vector<16xi32>,
        %swap3A_98 = vector.shape_cast %swap3A_97 : vector<16xi32> to vector<16xi32>
        %swap3A_99 = vector.shape_cast %add3A_93 : vector<16xi32> to vector<16xi32>
        tpu.vector_store %arg12[%swap3A_96], %swap3A_99 {strides = array<i32>} : memref<10000xi32, #tpu.memory_space<vmem>>, vector<16xi32>,
        %scan3A_100 = arith.constant 0 : i32
        scf.yield %scan3A_100 : i32
      }
      %scan3A_54 = arith.constant 625 : i32
      "tpu.region"() ({
        %run_scoped3A = tpu.sem_alloc : memref<!tpu.dma_semaphore, #tpu.memory_space<semaphore_mem>>
        %dma_start3A = arith.constant 0 : i32
        %dma_start3A_56 = tpu.memref_slice %arg14[%dma_start3A] : memref<51200xi32, #tpu.memory_space<vmem_shared>> -> memref<51200xi32, #tpu.memory_space<vmem_shared>>
        tpu.enqueue_indirect_dma source(%arg12 : memref<10000xi32, #tpu.memory_space<vmem>>) target(%dma_start3A_56 : memref<51200xi32, #tpu.memory_space<vmem_shared>>) offsets(%arg9 : memref<10000xi32, #tpu.memory_space<vmem>>) semaphore(%run_scoped3A : memref<!tpu.dma_semaphore, #tpu.memory_space<semaphore_mem>>)
        %dma_wait3A = arith.constant 0 : i32
        %dma_wait3A_57 = tpu.memref_slice %arg14[%dma_wait3A] : memref<51200xi32, #tpu.memory_space<vmem_shared>> -> memref<51200xi32, #tpu.memory_space<vmem_shared>>
        tpu.wait_indirect_dma semaphore(%run_scoped3A : memref<!tpu.dma_semaphore, #tpu.memory_space<semaphore_mem>>) src(%arg12 : memref<10000xi32, #tpu.memory_space<vmem>>) dst(%dma_wait3A_57 : memref<51200xi32, #tpu.memory_space<vmem_shared>>)
        tpu.yield
      }) : () -> ()
      %scan3A_55 = arith.constant 0 : i32
      scf.yield %scan3A_55 : i32
    }
    %scan3A_9 = arith.constant 5 : i32
    %barrier3A_10 = arith.constant 0 : index
    tpu.barrier barrier_id(%barrier3A_10)
    %add3A_11 = arith.constant 1 : i32
    %add3A_12 = arith.addi %squeeze3A, %add3A_11 : i32
    %scan3A_13 = arith.constant 0 : i32
    %scan3A_14 = arith.constant 0 : i32
    %scan3A_15 = arith.constant 5 : i32
    %scan3A_16 = arith.addi %scan3A_14, %scan3A_15 : i32
    %scan3A_17 = arith.constant 1 : i32
    %scan3A_18 = scf.for %scan3A_41 = %scan3A_14 to %scan3A_16 step %scan3A_17 iter_args(%scan3A_42 = %scan3A_13) -> (i32)  : i32 {
      %mul3A_43 = arith.constant 50000 : i32
      %mul3A_44 = arith.muli %arg1, %mul3A_43 : i32
      %mul3A_45 = arith.constant 10000 : i32
      %mul3A_46 = arith.muli %scan3A_41, %mul3A_45 : i32
      %add3A_47 = arith.addi %mul3A_44, %mul3A_46 : i32
      "tpu.region"() ({
        %run_scoped3A = tpu.sem_alloc : memref<!tpu.dma_semaphore, #tpu.memory_space<semaphore_mem>>
        %dma_start3A = tpu.memref_slice %arg2[%add3A_47] : memref<800000xi32, #tpu.memory_space<hbm>> -> memref<10000xi32, #tpu.memory_space<hbm>>
        %dma_start3A_56 = tpu.memref_slice %arg2[%add3A_47] : memref<800000xi32, #tpu.memory_space<hbm>> -> memref<10000xi32, #tpu.memory_space<hbm>>
        tpu.enqueue_dma source(%dma_start3A_56 : memref<10000xi32, #tpu.memory_space<hbm>>) target(%arg7 : memref<10000xi32, #tpu.memory_space<vmem>>) target_semaphore(%run_scoped3A : memref<!tpu.dma_semaphore, #tpu.memory_space<semaphore_mem>>)
        %dma_wait3A = tpu.memref_slice %arg2[%add3A_47] : memref<800000xi32, #tpu.memory_space<hbm>> -> memref<10000xi32, #tpu.memory_space<hbm>>
        %dma_wait3A_57 = tpu.memref_slice %arg2[%add3A_47] : memref<800000xi32, #tpu.memory_space<hbm>> -> memref<10000xi32, #tpu.memory_space<hbm>>
        tpu.wait_dma2 semaphore(%run_scoped3A : memref<!tpu.dma_semaphore, #tpu.memory_space<semaphore_mem>>) src(%dma_wait3A_57 : memref<10000xi32, #tpu.memory_space<hbm>>) dst(%arg7 : memref<10000xi32, #tpu.memory_space<vmem>>)
        tpu.yield
      }) : () -> ()
      "tpu.region"() ({
        %run_scoped3A = tpu.sem_alloc : memref<!tpu.dma_semaphore, #tpu.memory_space<semaphore_mem>>
        %dma_start3A = tpu.memref_slice %arg3[%add3A_47] : memref<800000xi32, #tpu.memory_space<hbm>> -> memref<10000xi32, #tpu.memory_space<hbm>>
        %dma_start3A_56 = tpu.memref_slice %arg3[%add3A_47] : memref<800000xi32, #tpu.memory_space<hbm>> -> memref<10000xi32, #tpu.memory_space<hbm>>
        tpu.enqueue_dma source(%dma_start3A_56 : memref<10000xi32, #tpu.memory_space<hbm>>) target(%arg8 : memref<10000xi32, #tpu.memory_space<vmem>>) target_semaphore(%run_scoped3A : memref<!tpu.dma_semaphore, #tpu.memory_space<semaphore_mem>>)
        %dma_wait3A = tpu.memref_slice %arg3[%add3A_47] : memref<800000xi32, #tpu.memory_space<hbm>> -> memref<10000xi32, #tpu.memory_space<hbm>>
        %dma_wait3A_57 = tpu.memref_slice %arg3[%add3A_47] : memref<800000xi32, #tpu.memory_space<hbm>> -> memref<10000xi32, #tpu.memory_space<hbm>>
        tpu.wait_dma2 semaphore(%run_scoped3A : memref<!tpu.dma_semaphore, #tpu.memory_space<semaphore_mem>>) src(%dma_wait3A_57 : memref<10000xi32, #tpu.memory_space<hbm>>) dst(%arg8 : memref<10000xi32, #tpu.memory_space<vmem>>)
        tpu.yield
      }) : () -> ()
      "tpu.region"() ({
        %run_scoped3A = tpu.sem_alloc : memref<!tpu.dma_semaphore, #tpu.memory_space<semaphore_mem>>
        %dma_start3A = arith.constant 0 : i32
        %dma_start3A_56 = tpu.memref_slice %arg14[%dma_start3A] : memref<51200xi32, #tpu.memory_space<vmem_shared>> -> memref<51200xi32, #tpu.memory_space<vmem_shared>>
        tpu.enqueue_indirect_dma source(%dma_start3A_56 : memref<51200xi32, #tpu.memory_space<vmem_shared>>) target(%arg10 : memref<10000xi32, #tpu.memory_space<vmem>>) offsets(%arg8 : memref<10000xi32, #tpu.memory_space<vmem>>) semaphore(%run_scoped3A : memref<!tpu.dma_semaphore, #tpu.memory_space<semaphore_mem>>)
        %dma_wait3A = arith.constant 0 : i32
        %dma_wait3A_57 = tpu.memref_slice %arg14[%dma_wait3A] : memref<51200xi32, #tpu.memory_space<vmem_shared>> -> memref<51200xi32, #tpu.memory_space<vmem_shared>>
        tpu.wait_indirect_dma semaphore(%run_scoped3A : memref<!tpu.dma_semaphore, #tpu.memory_space<semaphore_mem>>) src(%dma_wait3A_57 : memref<51200xi32, #tpu.memory_space<vmem_shared>>) dst(%arg10 : memref<10000xi32, #tpu.memory_space<vmem>>)
        tpu.yield
      }) : () -> ()
      "tpu.region"() ({
        %run_scoped3A = tpu.sem_alloc : memref<!tpu.dma_semaphore, #tpu.memory_space<semaphore_mem>>
        %dma_start3A = arith.constant 0 : i32
        %dma_start3A_56 = tpu.memref_slice %arg14[%dma_start3A] : memref<51200xi32, #tpu.memory_space<vmem_shared>> -> memref<51200xi32, #tpu.memory_space<vmem_shared>>
        tpu.enqueue_indirect_dma source(%dma_start3A_56 : memref<51200xi32, #tpu.memory_space<vmem_shared>>) target(%arg11 : memref<10000xi32, #tpu.memory_space<vmem>>) offsets(%arg7 : memref<10000xi32, #tpu.memory_space<vmem>>) semaphore(%run_scoped3A : memref<!tpu.dma_semaphore, #tpu.memory_space<semaphore_mem>>)
        %dma_wait3A = arith.constant 0 : i32
        %dma_wait3A_57 = tpu.memref_slice %arg14[%dma_wait3A] : memref<51200xi32, #tpu.memory_space<vmem_shared>> -> memref<51200xi32, #tpu.memory_space<vmem_shared>>
        tpu.wait_indirect_dma semaphore(%run_scoped3A : memref<!tpu.dma_semaphore, #tpu.memory_space<semaphore_mem>>) src(%dma_wait3A_57 : memref<51200xi32, #tpu.memory_space<vmem_shared>>) dst(%arg11 : memref<10000xi32, #tpu.memory_space<vmem>>)
        tpu.yield
      }) : () -> ()
      %scan3A_48 = arith.constant 0 : i32
      %scan3A_49 = arith.constant 0 : i32
      %scan3A_50 = arith.constant 625 : i32
      %scan3A_51 = arith.addi %scan3A_49, %scan3A_50 : i32
      %scan3A_52 = arith.constant 1 : i32
      %scan3A_53 = scf.for %scan3A_56 = %scan3A_49 to %scan3A_51 step %scan3A_52 iter_args(%scan3A_57 = %scan3A_48) -> (i32)  : i32 {
        %mul3A_58 = arith.constant 16 : i32
        %mul3A_59 = arith.muli %scan3A_56, %mul3A_58 : i32
        %get3A_60 = arith.index_cast %mul3A_59 : i32 to index
        %get3A_61 = tpu.vector_load %arg10[%get3A_60] {strides = array<i32>} : memref<10000xi32, #tpu.memory_space<vmem>>, vector<16xi32>,
        %get3A_62 = vector.shape_cast %get3A_61 : vector<16xi32> to vector<16xi32>
        %mul3A_63 = arith.constant 16 : i32
        %mul3A_64 = arith.muli %scan3A_56, %mul3A_63 : i32
        %get3A_65 = arith.index_cast %mul3A_64 : i32 to index
        %get3A_66 = tpu.vector_load %arg11[%get3A_65] {strides = array<i32>} : memref<10000xi32, #tpu.memory_space<vmem>>, vector<16xi32>,
        %get3A_67 = vector.shape_cast %get3A_66 : vector<16xi32> to vector<16xi32>
        %mul3A_68 = arith.constant 16 : i32
        %mul3A_69 = arith.muli %scan3A_56, %mul3A_68 : i32
        %get3A_70 = arith.index_cast %mul3A_69 : i32 to index
        %get3A_71 = tpu.vector_load %arg7[%get3A_70] {strides = array<i32>} : memref<10000xi32, #tpu.memory_space<vmem>>, vector<16xi32>,
        %get3A_72 = vector.shape_cast %get3A_71 : vector<16xi32> to vector<16xi32>
        %sub3A = arith.constant 1 : i32
        %sub3A_73 = arith.subi %add3A_12, %sub3A : i32
        %eq3A = vector.broadcast %sub3A_73 : i32 to vector<16xi32>
        %eq3A_74 = arith.cmpi eq, %get3A_62, %eq3A : vector<16xi32>
        %eq3A_75 = arith.constant 1073741824 : i32
        %eq3A_76 = vector.broadcast %eq3A_75 : i32 to vector<16xi32>
        %eq3A_77 = arith.cmpi eq, %get3A_67, %eq3A_76 : vector<16xi32>
        %and3A = arith.andi %eq3A_74, %eq3A_77 : vector<16xi1>
        %mul3A_78 = arith.constant 16 : i32
        %mul3A_79 = arith.muli %scan3A_56, %mul3A_78 : i32
        %and3A_80 = arith.constant 1023 : i32
        %and3A_81 = arith.andi %mul3A_79, %and3A_80 : i32
        %add3A_82 = arith.constant 50048 : i32
        %add3A_83 = arith.addi %add3A_82, %and3A_81 : i32
        %add3A_84 = vector.broadcast %add3A_83 : i32 to vector<16xi32>
        %add3A_85 = arith.addi %add3A_84, %iota3A : vector<16xi32>
        %select_n3A = arith.select %and3A, %get3A_72, %add3A_85 : vector<16xi1>, vector<16xi32>
        %mul3A_86 = arith.constant 16 : i32
        %mul3A_87 = arith.muli %scan3A_56, %mul3A_86 : i32
        %swap3A = arith.index_cast %mul3A_87 : i32 to index
        %swap3A_88 = tpu.vector_load %arg9[%swap3A] {strides = array<i32>} : memref<10000xi32, #tpu.memory_space<vmem>>, vector<16xi32>,
        %swap3A_89 = vector.shape_cast %swap3A_88 : vector<16xi32> to vector<16xi32>
        %swap3A_90 = vector.shape_cast %select_n3A : vector<16xi32> to vector<16xi32>
        tpu.vector_store %arg9[%swap3A], %swap3A_90 {strides = array<i32>} : memref<10000xi32, #tpu.memory_space<vmem>>, vector<16xi32>,
        %add3A_91 = arith.constant 1 : i32
        %add3A_92 = vector.broadcast %add3A_91 : i32 to vector<16xi32>
        %add3A_93 = arith.addi %get3A_62, %add3A_92 : vector<16xi32>
        %mul3A_94 = arith.constant 16 : i32
        %mul3A_95 = arith.muli %scan3A_56, %mul3A_94 : i32
        %swap3A_96 = arith.index_cast %mul3A_95 : i32 to index
        %swap3A_97 = tpu.vector_load %arg12[%swap3A_96] {strides = array<i32>} : memref<10000xi32, #tpu.memory_space<vmem>>, vector<16xi32>,
        %swap3A_98 = vector.shape_cast %swap3A_97 : vector<16xi32> to vector<16xi32>
        %swap3A_99 = vector.shape_cast %add3A_93 : vector<16xi32> to vector<16xi32>
        tpu.vector_store %arg12[%swap3A_96], %swap3A_99 {strides = array<i32>} : memref<10000xi32, #tpu.memory_space<vmem>>, vector<16xi32>,
        %scan3A_100 = arith.constant 0 : i32
        scf.yield %scan3A_100 : i32
      }
      %scan3A_54 = arith.constant 625 : i32
      "tpu.region"() ({
        %run_scoped3A = tpu.sem_alloc : memref<!tpu.dma_semaphore, #tpu.memory_space<semaphore_mem>>
        %dma_start3A = arith.constant 0 : i32
        %dma_start3A_56 = tpu.memref_slice %arg14[%dma_start3A] : memref<51200xi32, #tpu.memory_space<vmem_shared>> -> memref<51200xi32, #tpu.memory_space<vmem_shared>>
        tpu.enqueue_indirect_dma source(%arg12 : memref<10000xi32, #tpu.memory_space<vmem>>) target(%dma_start3A_56 : memref<51200xi32, #tpu.memory_space<vmem_shared>>) offsets(%arg9 : memref<10000xi32, #tpu.memory_space<vmem>>) semaphore(%run_scoped3A : memref<!tpu.dma_semaphore, #tpu.memory_space<semaphore_mem>>)
        %dma_wait3A = arith.constant 0 : i32
        %dma_wait3A_57 = tpu.memref_slice %arg14[%dma_wait3A] : memref<51200xi32, #tpu.memory_space<vmem_shared>> -> memref<51200xi32, #tpu.memory_space<vmem_shared>>
        tpu.wait_indirect_dma semaphore(%run_scoped3A : memref<!tpu.dma_semaphore, #tpu.memory_space<semaphore_mem>>) src(%arg12 : memref<10000xi32, #tpu.memory_space<vmem>>) dst(%dma_wait3A_57 : memref<51200xi32, #tpu.memory_space<vmem_shared>>)
        tpu.yield
      }) : () -> ()
      %scan3A_55 = arith.constant 0 : i32
      scf.yield %scan3A_55 : i32
    }
    %scan3A_19 = arith.constant 5 : i32
    %barrier3A_20 = arith.constant 0 : index
    tpu.barrier barrier_id(%barrier3A_20)
    %add3A_21 = arith.constant 2 : i32
    %add3A_22 = arith.addi %squeeze3A, %add3A_21 : i32
    %scan3A_23 = arith.constant 0 : i32
    %scan3A_24 = arith.constant 0 : i32
    %scan3A_25 = arith.constant 5 : i32
    %scan3A_26 = arith.addi %scan3A_24, %scan3A_25 : i32
    %scan3A_27 = arith.constant 1 : i32
    %scan3A_28 = scf.for %scan3A_41 = %scan3A_24 to %scan3A_26 step %scan3A_27 iter_args(%scan3A_42 = %scan3A_23) -> (i32)  : i32 {
      %mul3A_43 = arith.constant 50000 : i32
      %mul3A_44 = arith.muli %arg1, %mul3A_43 : i32
      %mul3A_45 = arith.constant 10000 : i32
      %mul3A_46 = arith.muli %scan3A_41, %mul3A_45 : i32
      %add3A_47 = arith.addi %mul3A_44, %mul3A_46 : i32
      "tpu.region"() ({
        %run_scoped3A = tpu.sem_alloc : memref<!tpu.dma_semaphore, #tpu.memory_space<semaphore_mem>>
        %dma_start3A = tpu.memref_slice %arg2[%add3A_47] : memref<800000xi32, #tpu.memory_space<hbm>> -> memref<10000xi32, #tpu.memory_space<hbm>>
        %dma_start3A_56 = tpu.memref_slice %arg2[%add3A_47] : memref<800000xi32, #tpu.memory_space<hbm>> -> memref<10000xi32, #tpu.memory_space<hbm>>
        tpu.enqueue_dma source(%dma_start3A_56 : memref<10000xi32, #tpu.memory_space<hbm>>) target(%arg7 : memref<10000xi32, #tpu.memory_space<vmem>>) target_semaphore(%run_scoped3A : memref<!tpu.dma_semaphore, #tpu.memory_space<semaphore_mem>>)
        %dma_wait3A = tpu.memref_slice %arg2[%add3A_47] : memref<800000xi32, #tpu.memory_space<hbm>> -> memref<10000xi32, #tpu.memory_space<hbm>>
        %dma_wait3A_57 = tpu.memref_slice %arg2[%add3A_47] : memref<800000xi32, #tpu.memory_space<hbm>> -> memref<10000xi32, #tpu.memory_space<hbm>>
        tpu.wait_dma2 semaphore(%run_scoped3A : memref<!tpu.dma_semaphore, #tpu.memory_space<semaphore_mem>>) src(%dma_wait3A_57 : memref<10000xi32, #tpu.memory_space<hbm>>) dst(%arg7 : memref<10000xi32, #tpu.memory_space<vmem>>)
        tpu.yield
      }) : () -> ()
      "tpu.region"() ({
        %run_scoped3A = tpu.sem_alloc : memref<!tpu.dma_semaphore, #tpu.memory_space<semaphore_mem>>
        %dma_start3A = tpu.memref_slice %arg3[%add3A_47] : memref<800000xi32, #tpu.memory_space<hbm>> -> memref<10000xi32, #tpu.memory_space<hbm>>
        %dma_start3A_56 = tpu.memref_slice %arg3[%add3A_47] : memref<800000xi32, #tpu.memory_space<hbm>> -> memref<10000xi32, #tpu.memory_space<hbm>>
        tpu.enqueue_dma source(%dma_start3A_56 : memref<10000xi32, #tpu.memory_space<hbm>>) target(%arg8 : memref<10000xi32, #tpu.memory_space<vmem>>) target_semaphore(%run_scoped3A : memref<!tpu.dma_semaphore, #tpu.memory_space<semaphore_mem>>)
        %dma_wait3A = tpu.memref_slice %arg3[%add3A_47] : memref<800000xi32, #tpu.memory_space<hbm>> -> memref<10000xi32, #tpu.memory_space<hbm>>
        %dma_wait3A_57 = tpu.memref_slice %arg3[%add3A_47] : memref<800000xi32, #tpu.memory_space<hbm>> -> memref<10000xi32, #tpu.memory_space<hbm>>
        tpu.wait_dma2 semaphore(%run_scoped3A : memref<!tpu.dma_semaphore, #tpu.memory_space<semaphore_mem>>) src(%dma_wait3A_57 : memref<10000xi32, #tpu.memory_space<hbm>>) dst(%arg8 : memref<10000xi32, #tpu.memory_space<vmem>>)
        tpu.yield
      }) : () -> ()
      "tpu.region"() ({
        %run_scoped3A = tpu.sem_alloc : memref<!tpu.dma_semaphore, #tpu.memory_space<semaphore_mem>>
        %dma_start3A = arith.constant 0 : i32
        %dma_start3A_56 = tpu.memref_slice %arg14[%dma_start3A] : memref<51200xi32, #tpu.memory_space<vmem_shared>> -> memref<51200xi32, #tpu.memory_space<vmem_shared>>
        tpu.enqueue_indirect_dma source(%dma_start3A_56 : memref<51200xi32, #tpu.memory_space<vmem_shared>>) target(%arg10 : memref<10000xi32, #tpu.memory_space<vmem>>) offsets(%arg8 : memref<10000xi32, #tpu.memory_space<vmem>>) semaphore(%run_scoped3A : memref<!tpu.dma_semaphore, #tpu.memory_space<semaphore_mem>>)
        %dma_wait3A = arith.constant 0 : i32
        %dma_wait3A_57 = tpu.memref_slice %arg14[%dma_wait3A] : memref<51200xi32, #tpu.memory_space<vmem_shared>> -> memref<51200xi32, #tpu.memory_space<vmem_shared>>
        tpu.wait_indirect_dma semaphore(%run_scoped3A : memref<!tpu.dma_semaphore, #tpu.memory_space<semaphore_mem>>) src(%dma_wait3A_57 : memref<51200xi32, #tpu.memory_space<vmem_shared>>) dst(%arg10 : memref<10000xi32, #tpu.memory_space<vmem>>)
        tpu.yield
      }) : () -> ()
      "tpu.region"() ({
        %run_scoped3A = tpu.sem_alloc : memref<!tpu.dma_semaphore, #tpu.memory_space<semaphore_mem>>
        %dma_start3A = arith.constant 0 : i32
        %dma_start3A_56 = tpu.memref_slice %arg14[%dma_start3A] : memref<51200xi32, #tpu.memory_space<vmem_shared>> -> memref<51200xi32, #tpu.memory_space<vmem_shared>>
        tpu.enqueue_indirect_dma source(%dma_start3A_56 : memref<51200xi32, #tpu.memory_space<vmem_shared>>) target(%arg11 : memref<10000xi32, #tpu.memory_space<vmem>>) offsets(%arg7 : memref<10000xi32, #tpu.memory_space<vmem>>) semaphore(%run_scoped3A : memref<!tpu.dma_semaphore, #tpu.memory_space<semaphore_mem>>)
        %dma_wait3A = arith.constant 0 : i32
        %dma_wait3A_57 = tpu.memref_slice %arg14[%dma_wait3A] : memref<51200xi32, #tpu.memory_space<vmem_shared>> -> memref<51200xi32, #tpu.memory_space<vmem_shared>>
        tpu.wait_indirect_dma semaphore(%run_scoped3A : memref<!tpu.dma_semaphore, #tpu.memory_space<semaphore_mem>>) src(%dma_wait3A_57 : memref<51200xi32, #tpu.memory_space<vmem_shared>>) dst(%arg11 : memref<10000xi32, #tpu.memory_space<vmem>>)
        tpu.yield
      }) : () -> ()
      %scan3A_48 = arith.constant 0 : i32
      %scan3A_49 = arith.constant 0 : i32
      %scan3A_50 = arith.constant 625 : i32
      %scan3A_51 = arith.addi %scan3A_49, %scan3A_50 : i32
      %scan3A_52 = arith.constant 1 : i32
      %scan3A_53 = scf.for %scan3A_56 = %scan3A_49 to %scan3A_51 step %scan3A_52 iter_args(%scan3A_57 = %scan3A_48) -> (i32)  : i32 {
        %mul3A_58 = arith.constant 16 : i32
        %mul3A_59 = arith.muli %scan3A_56, %mul3A_58 : i32
        %get3A_60 = arith.index_cast %mul3A_59 : i32 to index
        %get3A_61 = tpu.vector_load %arg10[%get3A_60] {strides = array<i32>} : memref<10000xi32, #tpu.memory_space<vmem>>, vector<16xi32>,
        %get3A_62 = vector.shape_cast %get3A_61 : vector<16xi32> to vector<16xi32>
        %mul3A_63 = arith.constant 16 : i32
        %mul3A_64 = arith.muli %scan3A_56, %mul3A_63 : i32
        %get3A_65 = arith.index_cast %mul3A_64 : i32 to index
        %get3A_66 = tpu.vector_load %arg11[%get3A_65] {strides = array<i32>} : memref<10000xi32, #tpu.memory_space<vmem>>, vector<16xi32>,
        %get3A_67 = vector.shape_cast %get3A_66 : vector<16xi32> to vector<16xi32>
        %mul3A_68 = arith.constant 16 : i32
        %mul3A_69 = arith.muli %scan3A_56, %mul3A_68 : i32
        %get3A_70 = arith.index_cast %mul3A_69 : i32 to index
        %get3A_71 = tpu.vector_load %arg7[%get3A_70] {strides = array<i32>} : memref<10000xi32, #tpu.memory_space<vmem>>, vector<16xi32>,
        %get3A_72 = vector.shape_cast %get3A_71 : vector<16xi32> to vector<16xi32>
        %sub3A = arith.constant 1 : i32
        %sub3A_73 = arith.subi %add3A_22, %sub3A : i32
        %eq3A = vector.broadcast %sub3A_73 : i32 to vector<16xi32>
        %eq3A_74 = arith.cmpi eq, %get3A_62, %eq3A : vector<16xi32>
        %eq3A_75 = arith.constant 1073741824 : i32
        %eq3A_76 = vector.broadcast %eq3A_75 : i32 to vector<16xi32>
        %eq3A_77 = arith.cmpi eq, %get3A_67, %eq3A_76 : vector<16xi32>
        %and3A = arith.andi %eq3A_74, %eq3A_77 : vector<16xi1>
        %mul3A_78 = arith.constant 16 : i32
        %mul3A_79 = arith.muli %scan3A_56, %mul3A_78 : i32
        %and3A_80 = arith.constant 1023 : i32
        %and3A_81 = arith.andi %mul3A_79, %and3A_80 : i32
        %add3A_82 = arith.constant 50048 : i32
        %add3A_83 = arith.addi %add3A_82, %and3A_81 : i32
        %add3A_84 = vector.broadcast %add3A_83 : i32 to vector<16xi32>
        %add3A_85 = arith.addi %add3A_84, %iota3A : vector<16xi32>
        %select_n3A = arith.select %and3A, %get3A_72, %add3A_85 : vector<16xi1>, vector<16xi32>
        %mul3A_86 = arith.constant 16 : i32
        %mul3A_87 = arith.muli %scan3A_56, %mul3A_86 : i32
        %swap3A = arith.index_cast %mul3A_87 : i32 to index
        %swap3A_88 = tpu.vector_load %arg9[%swap3A] {strides = array<i32>} : memref<10000xi32, #tpu.memory_space<vmem>>, vector<16xi32>,
        %swap3A_89 = vector.shape_cast %swap3A_88 : vector<16xi32> to vector<16xi32>
        %swap3A_90 = vector.shape_cast %select_n3A : vector<16xi32> to vector<16xi32>
        tpu.vector_store %arg9[%swap3A], %swap3A_90 {strides = array<i32>} : memref<10000xi32, #tpu.memory_space<vmem>>, vector<16xi32>,
        %add3A_91 = arith.constant 1 : i32
        %add3A_92 = vector.broadcast %add3A_91 : i32 to vector<16xi32>
        %add3A_93 = arith.addi %get3A_62, %add3A_92 : vector<16xi32>
        %mul3A_94 = arith.constant 16 : i32
        %mul3A_95 = arith.muli %scan3A_56, %mul3A_94 : i32
        %swap3A_96 = arith.index_cast %mul3A_95 : i32 to index
        %swap3A_97 = tpu.vector_load %arg12[%swap3A_96] {strides = array<i32>} : memref<10000xi32, #tpu.memory_space<vmem>>, vector<16xi32>,
        %swap3A_98 = vector.shape_cast %swap3A_97 : vector<16xi32> to vector<16xi32>
        %swap3A_99 = vector.shape_cast %add3A_93 : vector<16xi32> to vector<16xi32>
        tpu.vector_store %arg12[%swap3A_96], %swap3A_99 {strides = array<i32>} : memref<10000xi32, #tpu.memory_space<vmem>>, vector<16xi32>,
        %scan3A_100 = arith.constant 0 : i32
        scf.yield %scan3A_100 : i32
      }
      %scan3A_54 = arith.constant 625 : i32
      "tpu.region"() ({
        %run_scoped3A = tpu.sem_alloc : memref<!tpu.dma_semaphore, #tpu.memory_space<semaphore_mem>>
        %dma_start3A = arith.constant 0 : i32
        %dma_start3A_56 = tpu.memref_slice %arg14[%dma_start3A] : memref<51200xi32, #tpu.memory_space<vmem_shared>> -> memref<51200xi32, #tpu.memory_space<vmem_shared>>
        tpu.enqueue_indirect_dma source(%arg12 : memref<10000xi32, #tpu.memory_space<vmem>>) target(%dma_start3A_56 : memref<51200xi32, #tpu.memory_space<vmem_shared>>) offsets(%arg9 : memref<10000xi32, #tpu.memory_space<vmem>>) semaphore(%run_scoped3A : memref<!tpu.dma_semaphore, #tpu.memory_space<semaphore_mem>>)
        %dma_wait3A = arith.constant 0 : i32
        %dma_wait3A_57 = tpu.memref_slice %arg14[%dma_wait3A] : memref<51200xi32, #tpu.memory_space<vmem_shared>> -> memref<51200xi32, #tpu.memory_space<vmem_shared>>
        tpu.wait_indirect_dma semaphore(%run_scoped3A : memref<!tpu.dma_semaphore, #tpu.memory_space<semaphore_mem>>) src(%arg12 : memref<10000xi32, #tpu.memory_space<vmem>>) dst(%dma_wait3A_57 : memref<51200xi32, #tpu.memory_space<vmem_shared>>)
        tpu.yield
      }) : () -> ()
      %scan3A_55 = arith.constant 0 : i32
      scf.yield %scan3A_55 : i32
    }
    %scan3A_29 = arith.constant 5 : i32
    %barrier3A_30 = arith.constant 0 : index
    tpu.barrier barrier_id(%barrier3A_30)
    %add3A_31 = arith.constant 3 : i32
    %add3A_32 = arith.addi %squeeze3A, %add3A_31 : i32
    %scan3A_33 = arith.constant 0 : i32
    %scan3A_34 = arith.constant 0 : i32
    %scan3A_35 = arith.constant 5 : i32
    %scan3A_36 = arith.addi %scan3A_34, %scan3A_35 : i32
    %scan3A_37 = arith.constant 1 : i32
    %scan3A_38 = scf.for %scan3A_41 = %scan3A_34 to %scan3A_36 step %scan3A_37 iter_args(%scan3A_42 = %scan3A_33) -> (i32)  : i32 {
      %mul3A_43 = arith.constant 50000 : i32
      %mul3A_44 = arith.muli %arg1, %mul3A_43 : i32
      %mul3A_45 = arith.constant 10000 : i32
      %mul3A_46 = arith.muli %scan3A_41, %mul3A_45 : i32
      %add3A_47 = arith.addi %mul3A_44, %mul3A_46 : i32
      "tpu.region"() ({
        %run_scoped3A = tpu.sem_alloc : memref<!tpu.dma_semaphore, #tpu.memory_space<semaphore_mem>>
        %dma_start3A = tpu.memref_slice %arg2[%add3A_47] : memref<800000xi32, #tpu.memory_space<hbm>> -> memref<10000xi32, #tpu.memory_space<hbm>>
        %dma_start3A_56 = tpu.memref_slice %arg2[%add3A_47] : memref<800000xi32, #tpu.memory_space<hbm>> -> memref<10000xi32, #tpu.memory_space<hbm>>
        tpu.enqueue_dma source(%dma_start3A_56 : memref<10000xi32, #tpu.memory_space<hbm>>) target(%arg7 : memref<10000xi32, #tpu.memory_space<vmem>>) target_semaphore(%run_scoped3A : memref<!tpu.dma_semaphore, #tpu.memory_space<semaphore_mem>>)
        %dma_wait3A = tpu.memref_slice %arg2[%add3A_47] : memref<800000xi32, #tpu.memory_space<hbm>> -> memref<10000xi32, #tpu.memory_space<hbm>>
        %dma_wait3A_57 = tpu.memref_slice %arg2[%add3A_47] : memref<800000xi32, #tpu.memory_space<hbm>> -> memref<10000xi32, #tpu.memory_space<hbm>>
        tpu.wait_dma2 semaphore(%run_scoped3A : memref<!tpu.dma_semaphore, #tpu.memory_space<semaphore_mem>>) src(%dma_wait3A_57 : memref<10000xi32, #tpu.memory_space<hbm>>) dst(%arg7 : memref<10000xi32, #tpu.memory_space<vmem>>)
        tpu.yield
      }) : () -> ()
      "tpu.region"() ({
        %run_scoped3A = tpu.sem_alloc : memref<!tpu.dma_semaphore, #tpu.memory_space<semaphore_mem>>
        %dma_start3A = tpu.memref_slice %arg3[%add3A_47] : memref<800000xi32, #tpu.memory_space<hbm>> -> memref<10000xi32, #tpu.memory_space<hbm>>
        %dma_start3A_56 = tpu.memref_slice %arg3[%add3A_47] : memref<800000xi32, #tpu.memory_space<hbm>> -> memref<10000xi32, #tpu.memory_space<hbm>>
        tpu.enqueue_dma source(%dma_start3A_56 : memref<10000xi32, #tpu.memory_space<hbm>>) target(%arg8 : memref<10000xi32, #tpu.memory_space<vmem>>) target_semaphore(%run_scoped3A : memref<!tpu.dma_semaphore, #tpu.memory_space<semaphore_mem>>)
        %dma_wait3A = tpu.memref_slice %arg3[%add3A_47] : memref<800000xi32, #tpu.memory_space<hbm>> -> memref<10000xi32, #tpu.memory_space<hbm>>
        %dma_wait3A_57 = tpu.memref_slice %arg3[%add3A_47] : memref<800000xi32, #tpu.memory_space<hbm>> -> memref<10000xi32, #tpu.memory_space<hbm>>
        tpu.wait_dma2 semaphore(%run_scoped3A : memref<!tpu.dma_semaphore, #tpu.memory_space<semaphore_mem>>) src(%dma_wait3A_57 : memref<10000xi32, #tpu.memory_space<hbm>>) dst(%arg8 : memref<10000xi32, #tpu.memory_space<vmem>>)
        tpu.yield
      }) : () -> ()
      "tpu.region"() ({
        %run_scoped3A = tpu.sem_alloc : memref<!tpu.dma_semaphore, #tpu.memory_space<semaphore_mem>>
        %dma_start3A = arith.constant 0 : i32
        %dma_start3A_56 = tpu.memref_slice %arg14[%dma_start3A] : memref<51200xi32, #tpu.memory_space<vmem_shared>> -> memref<51200xi32, #tpu.memory_space<vmem_shared>>
        tpu.enqueue_indirect_dma source(%dma_start3A_56 : memref<51200xi32, #tpu.memory_space<vmem_shared>>) target(%arg10 : memref<10000xi32, #tpu.memory_space<vmem>>) offsets(%arg8 : memref<10000xi32, #tpu.memory_space<vmem>>) semaphore(%run_scoped3A : memref<!tpu.dma_semaphore, #tpu.memory_space<semaphore_mem>>)
        %dma_wait3A = arith.constant 0 : i32
        %dma_wait3A_57 = tpu.memref_slice %arg14[%dma_wait3A] : memref<51200xi32, #tpu.memory_space<vmem_shared>> -> memref<51200xi32, #tpu.memory_space<vmem_shared>>
        tpu.wait_indirect_dma semaphore(%run_scoped3A : memref<!tpu.dma_semaphore, #tpu.memory_space<semaphore_mem>>) src(%dma_wait3A_57 : memref<51200xi32, #tpu.memory_space<vmem_shared>>) dst(%arg10 : memref<10000xi32, #tpu.memory_space<vmem>>)
        tpu.yield
      }) : () -> ()
      "tpu.region"() ({
        %run_scoped3A = tpu.sem_alloc : memref<!tpu.dma_semaphore, #tpu.memory_space<semaphore_mem>>
        %dma_start3A = arith.constant 0 : i32
        %dma_start3A_56 = tpu.memref_slice %arg14[%dma_start3A] : memref<51200xi32, #tpu.memory_space<vmem_shared>> -> memref<51200xi32, #tpu.memory_space<vmem_shared>>
        tpu.enqueue_indirect_dma source(%dma_start3A_56 : memref<51200xi32, #tpu.memory_space<vmem_shared>>) target(%arg11 : memref<10000xi32, #tpu.memory_space<vmem>>) offsets(%arg7 : memref<10000xi32, #tpu.memory_space<vmem>>) semaphore(%run_scoped3A : memref<!tpu.dma_semaphore, #tpu.memory_space<semaphore_mem>>)
        %dma_wait3A = arith.constant 0 : i32
        %dma_wait3A_57 = tpu.memref_slice %arg14[%dma_wait3A] : memref<51200xi32, #tpu.memory_space<vmem_shared>> -> memref<51200xi32, #tpu.memory_space<vmem_shared>>
        tpu.wait_indirect_dma semaphore(%run_scoped3A : memref<!tpu.dma_semaphore, #tpu.memory_space<semaphore_mem>>) src(%dma_wait3A_57 : memref<51200xi32, #tpu.memory_space<vmem_shared>>) dst(%arg11 : memref<10000xi32, #tpu.memory_space<vmem>>)
        tpu.yield
      }) : () -> ()
      %scan3A_48 = arith.constant 0 : i32
      %scan3A_49 = arith.constant 0 : i32
      %scan3A_50 = arith.constant 625 : i32
      %scan3A_51 = arith.addi %scan3A_49, %scan3A_50 : i32
      %scan3A_52 = arith.constant 1 : i32
      %scan3A_53 = scf.for %scan3A_56 = %scan3A_49 to %scan3A_51 step %scan3A_52 iter_args(%scan3A_57 = %scan3A_48) -> (i32)  : i32 {
        %mul3A_58 = arith.constant 16 : i32
        %mul3A_59 = arith.muli %scan3A_56, %mul3A_58 : i32
        %get3A_60 = arith.index_cast %mul3A_59 : i32 to index
        %get3A_61 = tpu.vector_load %arg10[%get3A_60] {strides = array<i32>} : memref<10000xi32, #tpu.memory_space<vmem>>, vector<16xi32>,
        %get3A_62 = vector.shape_cast %get3A_61 : vector<16xi32> to vector<16xi32>
        %mul3A_63 = arith.constant 16 : i32
        %mul3A_64 = arith.muli %scan3A_56, %mul3A_63 : i32
        %get3A_65 = arith.index_cast %mul3A_64 : i32 to index
        %get3A_66 = tpu.vector_load %arg11[%get3A_65] {strides = array<i32>} : memref<10000xi32, #tpu.memory_space<vmem>>, vector<16xi32>,
        %get3A_67 = vector.shape_cast %get3A_66 : vector<16xi32> to vector<16xi32>
        %mul3A_68 = arith.constant 16 : i32
        %mul3A_69 = arith.muli %scan3A_56, %mul3A_68 : i32
        %get3A_70 = arith.index_cast %mul3A_69 : i32 to index
        %get3A_71 = tpu.vector_load %arg7[%get3A_70] {strides = array<i32>} : memref<10000xi32, #tpu.memory_space<vmem>>, vector<16xi32>,
        %get3A_72 = vector.shape_cast %get3A_71 : vector<16xi32> to vector<16xi32>
        %sub3A = arith.constant 1 : i32
        %sub3A_73 = arith.subi %add3A_32, %sub3A : i32
        %eq3A = vector.broadcast %sub3A_73 : i32 to vector<16xi32>
        %eq3A_74 = arith.cmpi eq, %get3A_62, %eq3A : vector<16xi32>
        %eq3A_75 = arith.constant 1073741824 : i32
        %eq3A_76 = vector.broadcast %eq3A_75 : i32 to vector<16xi32>
        %eq3A_77 = arith.cmpi eq, %get3A_67, %eq3A_76 : vector<16xi32>
        %and3A = arith.andi %eq3A_74, %eq3A_77 : vector<16xi1>
        %mul3A_78 = arith.constant 16 : i32
        %mul3A_79 = arith.muli %scan3A_56, %mul3A_78 : i32
        %and3A_80 = arith.constant 1023 : i32
        %and3A_81 = arith.andi %mul3A_79, %and3A_80 : i32
        %add3A_82 = arith.constant 50048 : i32
        %add3A_83 = arith.addi %add3A_82, %and3A_81 : i32
        %add3A_84 = vector.broadcast %add3A_83 : i32 to vector<16xi32>
        %add3A_85 = arith.addi %add3A_84, %iota3A : vector<16xi32>
        %select_n3A = arith.select %and3A, %get3A_72, %add3A_85 : vector<16xi1>, vector<16xi32>
        %mul3A_86 = arith.constant 16 : i32
        %mul3A_87 = arith.muli %scan3A_56, %mul3A_86 : i32
        %swap3A = arith.index_cast %mul3A_87 : i32 to index
        %swap3A_88 = tpu.vector_load %arg9[%swap3A] {strides = array<i32>} : memref<10000xi32, #tpu.memory_space<vmem>>, vector<16xi32>,
        %swap3A_89 = vector.shape_cast %swap3A_88 : vector<16xi32> to vector<16xi32>
        %swap3A_90 = vector.shape_cast %select_n3A : vector<16xi32> to vector<16xi32>
        tpu.vector_store %arg9[%swap3A], %swap3A_90 {strides = array<i32>} : memref<10000xi32, #tpu.memory_space<vmem>>, vector<16xi32>,
        %add3A_91 = arith.constant 1 : i32
        %add3A_92 = vector.broadcast %add3A_91 : i32 to vector<16xi32>
        %add3A_93 = arith.addi %get3A_62, %add3A_92 : vector<16xi32>
        %mul3A_94 = arith.constant 16 : i32
        %mul3A_95 = arith.muli %scan3A_56, %mul3A_94 : i32
        %swap3A_96 = arith.index_cast %mul3A_95 : i32 to index
        %swap3A_97 = tpu.vector_load %arg12[%swap3A_96] {strides = array<i32>} : memref<10000xi32, #tpu.memory_space<vmem>>, vector<16xi32>,
        %swap3A_98 = vector.shape_cast %swap3A_97 : vector<16xi32> to vector<16xi32>
        %swap3A_99 = vector.shape_cast %add3A_93 : vector<16xi32> to vector<16xi32>
        tpu.vector_store %arg12[%swap3A_96], %swap3A_99 {strides = array<i32>} : memref<10000xi32, #tpu.memory_space<vmem>>, vector<16xi32>,
        %scan3A_100 = arith.constant 0 : i32
        scf.yield %scan3A_100 : i32
      }
      %scan3A_54 = arith.constant 625 : i32
      "tpu.region"() ({
        %run_scoped3A = tpu.sem_alloc : memref<!tpu.dma_semaphore, #tpu.memory_space<semaphore_mem>>
        %dma_start3A = arith.constant 0 : i32
        %dma_start3A_56 = tpu.memref_slice %arg14[%dma_start3A] : memref<51200xi32, #tpu.memory_space<vmem_shared>> -> memref<51200xi32, #tpu.memory_space<vmem_shared>>
        tpu.enqueue_indirect_dma source(%arg12 : memref<10000xi32, #tpu.memory_space<vmem>>) target(%dma_start3A_56 : memref<51200xi32, #tpu.memory_space<vmem_shared>>) offsets(%arg9 : memref<10000xi32, #tpu.memory_space<vmem>>) semaphore(%run_scoped3A : memref<!tpu.dma_semaphore, #tpu.memory_space<semaphore_mem>>)
        %dma_wait3A = arith.constant 0 : i32
        %dma_wait3A_57 = tpu.memref_slice %arg14[%dma_wait3A] : memref<51200xi32, #tpu.memory_space<vmem_shared>> -> memref<51200xi32, #tpu.memory_space<vmem_shared>>
        tpu.wait_indirect_dma semaphore(%run_scoped3A : memref<!tpu.dma_semaphore, #tpu.memory_space<semaphore_mem>>) src(%arg12 : memref<10000xi32, #tpu.memory_space<vmem>>) dst(%dma_wait3A_57 : memref<51200xi32, #tpu.memory_space<vmem_shared>>)
        tpu.yield
      }) : () -> ()
      %scan3A_55 = arith.constant 0 : i32
      scf.yield %scan3A_55 : i32
    }
    %scan3A_39 = arith.constant 5 : i32
    %barrier3A_40 = arith.constant 0 : index
    tpu.barrier barrier_id(%barrier3A_40)
    "tpu.region"() ({
      %run_scoped3A = tpu.sem_alloc : memref<!tpu.dma_semaphore, #tpu.memory_space<semaphore_mem>>
      %dma_start3A = tpu.memref_slice %arg6[%mul3A_0] : memref<51200xi32, #tpu.memory_space<hbm>> -> memref<3200xi32, #tpu.memory_space<hbm>>
      %dma_start3A_41 = tpu.memref_slice %arg14[%mul3A_0] : memref<51200xi32, #tpu.memory_space<vmem_shared>> -> memref<3200xi32, #tpu.memory_space<vmem_shared>>
      tpu.enqueue_dma source(%dma_start3A_41 : memref<3200xi32, #tpu.memory_space<vmem_shared>>) target(%dma_start3A : memref<3200xi32, #tpu.memory_space<hbm>>) target_semaphore(%run_scoped3A : memref<!tpu.dma_semaphore, #tpu.memory_space<semaphore_mem>>)
      %dma_wait3A = tpu.memref_slice %arg6[%mul3A_0] : memref<51200xi32, #tpu.memory_space<hbm>> -> memref<3200xi32, #tpu.memory_space<hbm>>
      %dma_wait3A_42 = tpu.memref_slice %arg14[%mul3A_0] : memref<51200xi32, #tpu.memory_space<vmem_shared>> -> memref<3200xi32, #tpu.memory_space<vmem_shared>>
      tpu.wait_dma2 semaphore(%run_scoped3A : memref<!tpu.dma_semaphore, #tpu.memory_space<semaphore_mem>>) src(%dma_wait3A_42 : memref<3200xi32, #tpu.memory_space<vmem_shared>>) dst(%dma_wait3A : memref<3200xi32, #tpu.memory_space<hbm>>)
      tpu.yield
    }) : () -> ()
    return
  }
}

module attributes {stable_mosaic.version = 14 : i64} {
  func.func @_logits_body(%arg0: i32, %arg1: memref<8x1000x16xf32, #tpu.memory_space<vmem>>, %arg2: memref<16x16xf32, #tpu.memory_space<vmem>>, %arg3: memref<1x16xf32, #tpu.memory_space<vmem>>, %arg4: memref<16x16xf32, #tpu.memory_space<vmem>>, %arg5: memref<1x16xf32, #tpu.memory_space<vmem>>, %arg6: memref<1x16xf32, #tpu.memory_space<vmem>>, %arg7: memref<1x1xf32, #tpu.memory_space<vmem>>, %arg8: memref<8x1000xf32, #tpu.memory_space<vmem>>) attributes {dimension_semantics = [#tpu.dimension_semantics<arbitrary>], iteration_bounds = array<i64: 100>, scalar_prefetch = 0 : i64, scratch_operands = 0 : i64, tpu.core_type = #tpu.core_type<tc>, window_params = [{transform_indices = @transform_0, window_bounds = array<i64: 8, 1000, 16>}, {pipeline_mode = #tpu.pipeline_mode<synchronous>, transform_indices = @transform_1, window_bounds = array<i64: 16, 16>}, {pipeline_mode = #tpu.pipeline_mode<synchronous>, transform_indices = @transform_2, window_bounds = array<i64: 1, 16>}, {pipeline_mode = #tpu.pipeline_mode<synchronous>, transform_indices = @transform_3, window_bounds = array<i64: 16, 16>}, {pipeline_mode = #tpu.pipeline_mode<synchronous>, transform_indices = @transform_4, window_bounds = array<i64: 1, 16>}, {pipeline_mode = #tpu.pipeline_mode<synchronous>, transform_indices = @transform_5, window_bounds = array<i64: 1, 16>}, {pipeline_mode = #tpu.pipeline_mode<synchronous>, transform_indices = @transform_6, window_bounds = array<i64: 1, 1>}, {transform_indices = @transform_7, window_bounds = array<i64: 8, 1000>}]} {
    %get3A = arith.constant 0 : index
    %get3A_0 = arith.constant 0 : index
    %get3A_1 = arith.constant 0 : index
    %get3A_2 = vector.load %arg1[%get3A, %get3A_0, %get3A_1] : memref<8x1000x16xf32, #tpu.memory_space<vmem>>, vector<8x1000x16xf32>
    %reshape3A = vector.shape_cast %get3A_2 : vector<8x1000x16xf32> to vector<8000x16xf32>
    %get3A_3 = arith.constant 0 : index
    %get3A_4 = arith.constant 0 : index
    %get3A_5 = vector.load %arg2[%get3A_3, %get3A_4] : memref<16x16xf32, #tpu.memory_space<vmem>>, vector<16x16xf32>
    %dot_general3A = arith.constant dense<0.000000e+00> : vector<8000x16xf32>
    %dot_general3A_6 = tpu.matmul %reshape3A, %get3A_5, %dot_general3A {dimension_numbers = #tpu.dot_dimension_numbers<[1], [0], [0], [1], [0, 0, 1, 1], [], []>, precision = #tpu.contract_precision<fp32>, transpose_lhs_hint = false} : vector<8000x16xf32>, vector<16x16xf32>, vector<8000x16xf32> -> vector<8000x16xf32>
    %get3A_7 = arith.constant 0 : index
    %get3A_8 = arith.constant 0 : index
    %get3A_9 = vector.load %arg3[%get3A_7, %get3A_8] : memref<1x16xf32, #tpu.memory_space<vmem>>, vector<1x16xf32>
    %add3A = vector.broadcast %get3A_9 : vector<1x16xf32> to vector<8000x16xf32>
    %add3A_10 = arith.addf %dot_general3A_6, %add3A : vector<8000x16xf32>
    %mul3A = arith.constant 5.000000e-01 : f32
    %mul3A_11 = vector.broadcast %mul3A : f32 to vector<8000x16xf32>
    %mul3A_12 = arith.mulf %add3A_10, %mul3A_11 : vector<8000x16xf32>
    %mul3A_13 = arith.constant 0.707106769 : f32
    %mul3A_14 = vector.broadcast %mul3A_13 : f32 to vector<8000x16xf32>
    %mul3A_15 = arith.mulf %add3A_10, %mul3A_14 : vector<8000x16xf32>
    %erf3A = math.erf %mul3A_15 : vector<8000x16xf32>
    %add3A_16 = arith.constant 1.000000e+00 : f32
    %add3A_17 = vector.broadcast %add3A_16 : f32 to vector<8000x16xf32>
    %add3A_18 = arith.addf %add3A_17, %erf3A : vector<8000x16xf32>
    %mul3A_19 = arith.mulf %mul3A_12, %add3A_18 : vector<8000x16xf32>
    %get3A_20 = arith.constant 0 : index
    %get3A_21 = arith.constant 0 : index
    %get3A_22 = vector.load %arg4[%get3A_20, %get3A_21] : memref<16x16xf32, #tpu.memory_space<vmem>>, vector<16x16xf32>
    %dot_general3A_23 = arith.constant dense<0.000000e+00> : vector<8000x16xf32>
    %dot_general3A_24 = tpu.matmul %mul3A_19, %get3A_22, %dot_general3A_23 {dimension_numbers = #tpu.dot_dimension_numbers<[1], [0], [0], [1], [0, 0, 1, 1], [], []>, precision = #tpu.contract_precision<fp32>, transpose_lhs_hint = false} : vector<8000x16xf32>, vector<16x16xf32>, vector<8000x16xf32> -> vector<8000x16xf32>
    %get3A_25 = arith.constant 0 : index
    %get3A_26 = arith.constant 0 : index
    %get3A_27 = vector.load %arg5[%get3A_25, %get3A_26] : memref<1x16xf32, #tpu.memory_space<vmem>>, vector<1x16xf32>
    %add3A_28 = vector.broadcast %get3A_27 : vector<1x16xf32> to vector<8000x16xf32>
    %add3A_29 = arith.addf %dot_general3A_24, %add3A_28 : vector<8000x16xf32>
    %mul3A_30 = arith.constant 5.000000e-01 : f32
    %mul3A_31 = vector.broadcast %mul3A_30 : f32 to vector<8000x16xf32>
    %mul3A_32 = arith.mulf %add3A_29, %mul3A_31 : vector<8000x16xf32>
    %mul3A_33 = arith.constant 0.707106769 : f32
    %mul3A_34 = vector.broadcast %mul3A_33 : f32 to vector<8000x16xf32>
    %mul3A_35 = arith.mulf %add3A_29, %mul3A_34 : vector<8000x16xf32>
    %erf3A_36 = math.erf %mul3A_35 : vector<8000x16xf32>
    %add3A_37 = arith.constant 1.000000e+00 : f32
    %add3A_38 = vector.broadcast %add3A_37 : f32 to vector<8000x16xf32>
    %add3A_39 = arith.addf %add3A_38, %erf3A_36 : vector<8000x16xf32>
    %mul3A_40 = arith.mulf %mul3A_32, %add3A_39 : vector<8000x16xf32>
    %get3A_41 = arith.constant 0 : index
    %get3A_42 = arith.constant 0 : index
    %get3A_43 = vector.load %arg6[%get3A_41, %get3A_42] : memref<1x16xf32, #tpu.memory_space<vmem>>, vector<1x16xf32>
    %mul3A_44 = vector.broadcast %get3A_43 : vector<1x16xf32> to vector<8000x16xf32>
    %mul3A_45 = arith.mulf %mul3A_40, %mul3A_44 : vector<8000x16xf32>
    %reduce_sum3A = arith.constant dense<0.000000e+00> : vector<8000xf32>
    %reduce_sum3A_46 = vector.multi_reduction <add>, %mul3A_45, %reduce_sum3A [1] : vector<8000x16xf32> to vector<8000xf32>
    %get3A_47 = arith.constant 0 : index
    %get3A_48 = arith.constant 0 : index
    %get3A_49 = vector.load %arg7[%get3A_47, %get3A_48] : memref<1x1xf32, #tpu.memory_space<vmem>>, vector<1x1xf32>
    %get3A_50 = vector.extract %get3A_49[0, 0] : f32 from vector<1x1xf32>
    %add3A_51 = vector.broadcast %get3A_50 : f32 to vector<8000xf32>
    %add3A_52 = arith.addf %reduce_sum3A_46, %add3A_51 : vector<8000xf32>
    %reshape3A_53 = vector.shape_cast %add3A_52 : vector<8000xf32> to vector<8x1000xf32>
    %swap3A = arith.constant 0 : index
    %swap3A_54 = arith.constant 0 : index
    %swap3A_55 = vector.load %arg8[%swap3A, %swap3A_54] : memref<8x1000xf32, #tpu.memory_space<vmem>>, vector<8x1000xf32>
    tpu.vector_store %arg8[%swap3A, %swap3A_54], %reshape3A_53 {strides = array<i32>} : memref<8x1000xf32, #tpu.memory_space<vmem>>, vector<8x1000xf32>,
    return
  }
  func.func @transform_0(%arg0: i32) -> (i32, i32, i32) {
    %c0_i32 = arith.constant 0 : i32
    %c0_i32_0 = arith.constant 0 : i32
    %c0_i32_1 = arith.constant 0 : i32
    return %arg0, %c0_i32, %c0_i32_0 : i32, i32, i32
  }
  func.func @transform_1(%arg0: i32) -> (i32, i32) {
    %c0_i32 = arith.constant 0 : i32
    %c0_i32_0 = arith.constant 0 : i32
    %c0_i32_1 = arith.constant 0 : i32
    return %c0_i32, %c0_i32_0 : i32, i32
  }
  func.func @transform_2(%arg0: i32) -> (i32, i32) {
    %c0_i32 = arith.constant 0 : i32
    %c0_i32_0 = arith.constant 0 : i32
    %c0_i32_1 = arith.constant 0 : i32
    return %c0_i32, %c0_i32_0 : i32, i32
  }
  func.func @transform_3(%arg0: i32) -> (i32, i32) {
    %c0_i32 = arith.constant 0 : i32
    %c0_i32_0 = arith.constant 0 : i32
    %c0_i32_1 = arith.constant 0 : i32
    return %c0_i32, %c0_i32_0 : i32, i32
  }
  func.func @transform_4(%arg0: i32) -> (i32, i32) {
    %c0_i32 = arith.constant 0 : i32
    %c0_i32_0 = arith.constant 0 : i32
    %c0_i32_1 = arith.constant 0 : i32
    return %c0_i32, %c0_i32_0 : i32, i32
  }
  func.func @transform_5(%arg0: i32) -> (i32, i32) {
    %c0_i32 = arith.constant 0 : i32
    %c0_i32_0 = arith.constant 0 : i32
    %c0_i32_1 = arith.constant 0 : i32
    return %c0_i32, %c0_i32_0 : i32, i32
  }
  func.func @transform_6(%arg0: i32) -> (i32, i32) {
    %c0_i32 = arith.constant 0 : i32
    %c0_i32_0 = arith.constant 0 : i32
    %c0_i32_1 = arith.constant 0 : i32
    return %c0_i32, %c0_i32_0 : i32, i32
  }
  func.func @transform_7(%arg0: i32) -> (i32, i32) {
    %c0_i32 = arith.constant 0 : i32
    %c0_i32_0 = arith.constant 0 : i32
    return %arg0, %c0_i32 : i32, i32
  }
}

module attributes {stable_mosaic.version = 14 : i64} {
  func.func @_matvec_body(%arg0: i32, %arg1: memref<400x1xf32, #tpu.memory_space<vmem>>, %arg2: memref<400x32xf32, #tpu.memory_space<vmem>>, %arg3: memref<400x32xf32, #tpu.memory_space<vmem>>, %arg4: memref<1x32xf32, #tpu.memory_space<vmem>>) attributes {dimension_semantics = [#tpu.dimension_semantics<arbitrary>], iteration_bounds = array<i64: 125>, scalar_prefetch = 0 : i64, scratch_operands = 0 : i64, tpu.core_type = #tpu.core_type<tc>, window_params = [{transform_indices = @transform_0, window_bounds = array<i64: 400, 1>}, {transform_indices = @transform_1, window_bounds = array<i64: 400, 32>}, {transform_indices = @transform_2, window_bounds = array<i64: 400, 32>}, {pipeline_mode = #tpu.pipeline_mode<synchronous>, transform_indices = @transform_3, window_bounds = array<i64: 1, 32>}]} {
    %eq3A = arith.constant 0 : i32
    %eq3A_0 = arith.cmpi eq, %arg0, %eq3A : i32
    %convert_element_type3A = arith.extui %eq3A_0 : i1 to i32
    %cond3A = arith.constant 0 : i32
    %cond3A_1 = arith.cmpi ne, %convert_element_type3A, %cond3A : i32
    scf.if %cond3A_1 {
      %broadcast_in_dim3A_18 = arith.constant 0.000000e+00 : f32
      %broadcast_in_dim3A_19 = vector.broadcast %broadcast_in_dim3A_18 : f32 to vector<1x32xf32>
      %swap3A_20 = arith.constant 0 : index
      %swap3A_21 = arith.constant 0 : index
      %swap3A_22 = vector.load %arg4[%swap3A_20, %swap3A_21] : memref<1x32xf32, #tpu.memory_space<vmem>>, vector<1x32xf32>
      tpu.vector_store %arg4[%swap3A_20, %swap3A_21], %broadcast_in_dim3A_19 {strides = array<i32>} : memref<1x32xf32, #tpu.memory_space<vmem>>, vector<1x32xf32>,
    } else {
    }
    %get3A = arith.constant 0 : index
    %get3A_2 = arith.constant 0 : index
    %get3A_3 = vector.load %arg4[%get3A, %get3A_2] : memref<1x32xf32, #tpu.memory_space<vmem>>, vector<1x32xf32>
    %get3A_4 = arith.constant 0 : index
    %get3A_5 = arith.constant 0 : index
    %get3A_6 = vector.load %arg2[%get3A_4, %get3A_5] : memref<400x32xf32, #tpu.memory_space<vmem>>, vector<400x32xf32>
    %get3A_7 = arith.constant 0 : index
    %get3A_8 = arith.constant 0 : index
    %get3A_9 = vector.load %arg3[%get3A_7, %get3A_8] : memref<400x32xf32, #tpu.memory_space<vmem>>, vector<400x32xf32>
    %mul3A = arith.mulf %get3A_6, %get3A_9 : vector<400x32xf32>
    %get3A_10 = arith.constant 0 : index
    %get3A_11 = arith.constant 0 : index
    %get3A_12 = vector.load %arg1[%get3A_10, %get3A_11] : memref<400x1xf32, #tpu.memory_space<vmem>>, vector<400x1xf32>
    %mul3A_13 = vector.broadcast %get3A_12 : vector<400x1xf32> to vector<400x32xf32>
    %mul3A_14 = arith.mulf %mul3A, %mul3A_13 : vector<400x32xf32>
    %reduce_sum3A = arith.constant dense<0.000000e+00> : vector<32xf32>
    %reduce_sum3A_15 = vector.multi_reduction <add>, %mul3A_14, %reduce_sum3A [0] : vector<400x32xf32> to vector<32xf32>
    %broadcast_in_dim3A = vector.shape_cast %reduce_sum3A_15 : vector<32xf32> to vector<1x32xf32>
    %add3A = arith.addf %get3A_3, %broadcast_in_dim3A : vector<1x32xf32>
    %swap3A = arith.constant 0 : index
    %swap3A_16 = arith.constant 0 : index
    %swap3A_17 = vector.load %arg4[%swap3A, %swap3A_16] : memref<1x32xf32, #tpu.memory_space<vmem>>, vector<1x32xf32>
    tpu.vector_store %arg4[%swap3A, %swap3A_16], %add3A {strides = array<i32>} : memref<1x32xf32, #tpu.memory_space<vmem>>, vector<1x32xf32>,
    return
  }
  func.func @transform_0(%arg0: i32) -> (i32, i32) {
    %c0_i32 = arith.constant 0 : i32
    %c0_i32_0 = arith.constant 0 : i32
    return %arg0, %c0_i32 : i32, i32
  }
  func.func @transform_1(%arg0: i32) -> (i32, i32) {
    %c0_i32 = arith.constant 0 : i32
    %c0_i32_0 = arith.constant 0 : i32
    return %arg0, %c0_i32 : i32, i32
  }
  func.func @transform_2(%arg0: i32) -> (i32, i32) {
    %c0_i32 = arith.constant 0 : i32
    %c0_i32_0 = arith.constant 0 : i32
    return %arg0, %c0_i32 : i32, i32
  }
  func.func @transform_3(%arg0: i32) -> (i32, i32) {
    %c0_i32 = arith.constant 0 : i32
    %c0_i32_0 = arith.constant 0 : i32
    %c0_i32_1 = arith.constant 0 : i32
    return %c0_i32, %c0_i32_0 : i32, i32
  }
}

</mosaic_0001>

<sc_bundles>
// kernel: body.14.cloned.1.call-start
scs
__scs_entry_jumppad:
0x0: {  	(pc) =	sbr.rel $0x88, $3  }
0x1: {  	(tag) =	ssettag $0x0;
	lr =	simm.s32 $0x1  }
0x2: {  	[smem:$0x3F97] =	sst lr;
	_ =	strace $0xD0000000  }
0x3: {  	_ = 	snop  }
0x4: {  	_ = 	snop  }
0x5: {  	_ = 	snop  }
0x6: {  	_ = 	snop  }
0x7: {  	_ = 	snop  }
__scs_overlays_trampoline_lowered:
0x8: {  	[smem:$0x3FA6] =	sst s0  }
0x9: {  	[smem:$0x3FA7] =	sst s1  }
0xa: {  	[smem:$0x3FA8] =	sst s2  }
0xb: {  	[smem:$0x3FA9] =	sst s3  }
0xc: {  	[smem:$0x3FAA] =	sst s4  }
0xd: {  	[smem:$0x3FAB] =	sst s5  }
0xe: {  	[smem:$0x3FAC] =	sst s6  }
0xf: {  	[smem:$0x3FAD] =	sst s7  }
0x10: {  	[smem:$0x3FAE] =	sst s8  }
0x11: {  	[smem:$0x3FAF] =	sst s9;
	s0 =	simm.s32 @!p0 $0x0  }
0x12: {  	s1 =	sld [smem:$0x3F95];
	s0 =	simm.s32 @p0 $0x1  }
0x13: {  	[smem:$0x3FB0] =	sst s0;
	s0 =	simm.s32 @!p1 $0x0  }
0x14: {  	s2 =	sld [smem:$0x3F94];
	s0 =	simm.s32 @p1 $0x1  }
0x15: {  	[smem:$0x3FB1] =	sst s0;
	s0 =	simm.s32 @!p2 $0x0  }
0x16: {  	s3 =	sld [smem:$0x3FDB];
	s0 =	simm.s32 @p2 $0x1  }
0x17: {  	s4 =	simm.s32 $0x1BF5;
	[smem:$0x3FB3] =	sst s0  }
0x18: {  	s0 =	sld [smem:$0x3F96];
	_ =	swait.ge [sflag:s4], $0x0  }
0x19: {  	s7 =	sld [smem:$0x3F97]  }
0x1a: {  	s8 =	sadd.s32 $0xFFFFE003, lr  }
0x1b: {  	s9 =	sadd.s32 $0xFFFFFEF7, lr;
	s5 =	simm.s32 $0xFFFFFFFF;
	p2 =	slt.u32 s8, $0xFFFFF086  }
0x1c: {  	p1 =	slt.u32 s9, $0xF7A;
	s5 =	simm.s32 @!p2 $0x0  }
0x1d: {  	s5 =	simm.s32 @p1 $0x1;
	p0 =	seq.s32 s7, s2  }
0x1e: {  	s7 =	smul.u32 @!p0 $0xF7A, s2;
	p2 =	seq.s32 @!p0 s5, $0x0  }
0x1f: {  	s9 =	smul.u32 $0xF7A, s1;
	s8 =	simm.s32 @!p0 $0x1BF5;
	p2 =	por !p2, p0  }
0x20: {  	[sflag:s8] =	ssyncset.s32 @!p0 $0xFFFFF086;
	s6 =	sadd.s32 @!p0 s3, s7;
	s7 =	simm.s32 @!p0 $0x108  }
0x21: {  	s3 =	sadd.s32 s3, s9;
	s6 =	sadd.s32 @!p0 $0x88, s6;
	s7 =	simm.s32 @p2 $0x1082  }
0x22: {  	[simem:s7], [sflag:s8] =	dma.local @!p0 [hbm:s6], $0xF7A  }
0x23: {  	s9 =	sor.u32 $0xD0000000, s2;
	s6 =	simm.s32 $0x108;
	_ =	swait.ge @!p0 [sflag:s8], $0x0  }
0x24: {  	s3 =	sadd.s32 $0x88, s3;
	s6 =	simm.s32 @!p1 $0x1082;
	[sflag:s4] =	ssyncset.s32 $0xFFFFF086  }
0x25: {  	[simem:s6], [sflag:s4] =	dma.local [hbm:s3], $0xF7A  }
0x26: {  	[smem:$0x3F97] =	sst s1;
	(tag) =	ssettag s2;
	_ =	strace s9  }
0x27: {  	s1 =	sld [smem:$0x3FA7]  }
0x28: {  	s2 =	sld [smem:$0x3FA8]  }
0x29: {  	s4 =	sld [smem:$0x3FAA]  }
0x2a: {  	p0 =	seq.s32 s5, $0x0;
	s5 =	sld [smem:$0x3FAB]  }
0x2b: {  	s6 =	sld [smem:$0x3FAC]  }
0x2c: {  	s7 =	sld [smem:$0x3FAD]  }
0x2d: {  	s3 =	simm.s32 $0x108;
	s8 =	sld [smem:$0x3FAE]  }
0x2e: {  	s3 =	simm.s32 @!p0 $0x1082;
	s9 =	sld [smem:$0x3FAF]  }
0x2f: {  	lr =	sadd.s32 s0, s3;
	s0 =	sld [smem:$0x3FA6]  }
0x30: {  	s3 =	sld [smem:$0x3FA9]  }
0x31: {  	[smem:$0x3FB2] =	sst s10  }
0x32: {  	s10 =	sld [smem:$0x3FB0];
	_ =	sdelay $0x3  }
0x33: {  	p0 =	seq.s32 s10, $0x1;
	s10 =	sld [smem:$0x3FB2];
	_ =	sdelay $0x3  }
0x34: {  	[smem:$0x3FB2] =	sst s10  }
0x35: {  	s10 =	sld [smem:$0x3FB1];
	_ =	sdelay $0x3  }
0x36: {  	p1 =	seq.s32 s10, $0x1;
	s10 =	sld [smem:$0x3FB2];
	_ =	sdelay $0x3  }
0x37: {  	[smem:$0x3FB2] =	sst s10  }
0x38: {  	s10 =	sld [smem:$0x3FB3]  }
0x39: {  	_ = 	snop;
	(pc) =	sbr.ind lr, $3  }
0x3a: {  	_ = 	snop  }
0x3b: {  	_ = 	snop  }
0x3c: {  	p2 =	seq.s32 s10, $0x1;
	s10 =	sld [smem:$0x3FB2]  }
0x3d: {  	_ =	shalt  }
0x3e: {  	_ =	shalt  }
0x3f: {  	_ =	shalt  }
0x40: {  	_ =	shalt  }
0x41: {  	_ =	shalt  }
0x42: {  	_ =	shalt  }
0x43: {  	_ =	shalt  }
0x44: {  	_ =	shalt  }
0x45: {  	_ =	shalt  }
0x46: {  	_ =	shalt  }
0x47: {  	_ =	shalt  }
0x48: {  	_ =	shalt  }
0x49: {  	_ =	shalt  }
0x4a: {  	_ =	shalt  }
0x4b: {  	_ =	shalt  }
0x4c: {  	_ =	shalt  }
0x4d: {  	_ =	shalt  }
0x4e: {  	_ =	shalt  }
0x4f: {  	_ =	shalt  }
0x50: {  	_ =	shalt  }
0x51: {  	_ =	shalt  }
0x52: {  	_ =	shalt  }
0x53: {  	_ =	shalt  }
0x54: {  	_ =	shalt  }
0x55: {  	_ =	shalt  }
0x56: {  	_ =	shalt  }
0x57: {  	_ =	shalt  }
0x58: {  	_ =	shalt  }
0x59: {  	_ =	shalt  }
0x5a: {  	_ =	shalt  }
0x5b: {  	_ =	shalt  }
0x5c: {  	_ =	shalt  }
0x5d: {  	_ =	shalt  }
0x5e: {  	_ =	shalt  }
0x5f: {  	_ =	shalt  }
0x60: {  	_ =	shalt  }
0x61: {  	_ =	shalt  }
0x62: {  	_ =	shalt  }
0x63: {  	_ =	shalt  }
0x64: {  	_ =	shalt  }
0x65: {  	_ =	shalt  }
0x66: {  	_ =	shalt  }
0x67: {  	_ =	shalt  }
0x68: {  	_ =	shalt  }
0x69: {  	_ =	shalt  }
0x6a: {  	_ =	shalt  }
0x6b: {  	_ =	shalt  }
0x6c: {  	_ =	shalt  }
0x6d: {  	_ =	shalt  }
0x6e: {  	_ =	shalt  }
0x6f: {  	_ =	shalt  }
0x70: {  	_ =	shalt  }
0x71: {  	_ =	shalt  }
0x72: {  	_ =	shalt  }
0x73: {  	_ =	shalt  }
0x74: {  	_ =	shalt  }
0x75: {  	_ =	shalt  }
0x76: {  	_ =	shalt  }
0x77: {  	_ =	shalt  }
0x78: {  	_ =	shalt  }
0x79: {  	_ =	shalt  }
0x7a: {  	_ =	shalt  }
0x7b: {  	_ =	shalt  }
0x7c: {  	_ =	shalt  }
0x7d: {  	_ =	shalt  }
0x7e: {  	_ =	shalt  }
0x7f: {  	_ =	shalt  }
0x80: {  	_ =	shalt  }
0x81: {  	_ =	shalt  }
0x82: {  	_ =	shalt  }
0x83: {  	_ =	shalt  }
0x84: {  	_ =	shalt  }
0x85: {  	_ =	shalt  }
0x86: {  	_ =	shalt  }
0x87: {  	_ =	shalt  }
.Lfunc_end0:
.L_simem_size_0:
called_computation_lowered:
.L_overlay_start_0:
0x88: {  	s2 =	sld [smem:$0x3FD9]  }
0x89: {  	s3 =	sld [smem:$0x3FFE];
	_ =	sdelay $0x1  }
0x8a: {  	s1 =	srdreg.scid  }
0x8b: {  	s0 =	sand.u32 $0x1, s1  }
0x8c: {  	s16 =	sshll.u32 s0, $0xA;
	s2 =	sadd.s32 s3, s2  }
0x8d: {  	s2 =	sadd.s32 s2, s16  }
0x8e: {  	[smem:$0x3FBE] =	sst s2  }
0x8f: {  	_ = 	snop  }
0x90: {  	(tm) =	ssettm $0x1  }
0x91: {  	s17 =	sld [smem:$0x3FFB];
	_ =	sdelay $0x3  }
0x92: {  	_ =	strace s17  }
0x93: {  	s2 =	sld [smem:$0x3FFC];
	_ =	sdelay $0x3  }
0x94: {  	_ =	strace s2  }
0x95: {  	s2 =	sld [smem:$0x3FFD];
	_ =	sdelay $0x3  }
0x96: {  	_ =	strace s2  }
0x97: {  	_ =	strace $0x8FFFFFFF  }
0x98: {  	s18 =	sld [smem:$0x3FDB];
	_ =	sdelay $0x1  }
0x99: {  	s19 =	simm.s32 $_scs_section_size  }
0x9a: {  	s4 =	simm.s32 $_size__tile_overlayer_lowered;
	s5 =	simm.s32 $_tile_overlayer_lowered  }
0x9b: {  	s22 =	simm.s32 $0x1BFF;
	s21 =	sshll.u32 s5, $0x1;
	s2 =	sadd.s32 s19, s18  }
0x9c: {  	s6 =	simm.s32 $0x0;
	s20 =	sshll.u32 s4, $0x1;
	s4 =	sadd.s32 s21, s2  }
0x9d: {  	[timem:s6], [sflag:s22] =	dma.local [hbm:s4], s20  }
0x9e: {  	_ =	swait.ge [sflag:s22], s20  }
0x9f: {  	s3 =	ssub.s32 $0x0, s20;
	[sflag:s22] =	ssyncset.done $0x0  }
0xa0: {  	[sflag:s22] =	ssyncadd.s32 s3;
	_ =	sdelay $0x1  }
0xa1: {  	s23 =	simm.s32 $0x1B8B  }
0xa2: {  	_ =	swait.ge [sflag:s23], $0x1  }
0xa3: {  	[sflag:s23] =	ssyncset.done $0x0  }
0xa4: {  	s25 =	simm.s32 $0x1B8E;
	s24 =	sld [smem:$0x3FFE];
	[sflag:s23] =	ssyncadd.s32 $0xFFFFFFFF  }
0xa5: {  	s26 =	simm.s32 $execute0_lowered;
	[smem:$0x3FD2] =	sst s25  }
0xa6: {  	s4 =	sshll.u32 s26, $0x1;
	_ =	strace $0x80000049;
	[dreg:$0x1] =	wrdreg $0xFFFFFFFF  }
0xa7: {  	s28 =	simm.s32 $_size_execute0_lowered;
	s2 =	sadd.s32 s2, s4;
	[dreg:$0x0] =	wrdreg $0x0  }
0xa8: {  	s4 =	sshll.u32 s28, $0x1;
	[dreg:$0x2] =	wrdreg s2  }
0xa9: {  	[dreg:$0x3] =	wrdreg s4  }
0xaa: {  	[dreg:$0x4] =	wrdreg $0xC0  }
0xab: {  	_ =	task [dreg:s6], $0x5FFFF  }
0xac: {  	[dreg:$0x1] =	wrdreg $0xFFFFFFFF  }
0xad: {  	[dreg:$0x0] =	wrdreg $0x60  }
0xae: {  	[dreg:$0x2] =	wrdreg s24  }
0xaf: {  	[dreg:$0x3] =	wrdreg $0xD3000  }
0xb0: {  	[dreg:$0x4] =	wrdreg $0xDF800  }
0xb1: {  	[dreg:$0x5] =	wrdreg $0x9  }
0xb2: {  	_ =	task.clear_ibuf [dreg:s6], $0x6FFFF;
	_ =	strace $0x90000049  }
0xb3: {  	s29 =	simm.s32 $0x9;
	_ =	strace $0x8000004B  }
0xb4: {  	_ =	swait.ge [sflag:s29], $0x1  }
0xb5: {  	[sflag:s29] =	ssyncadd.s32 $0xFFFFFFFF  }
0xb6: {  	_ =	strace $0x9000004B  }
0xb7: {  	_ =	sfence  }
0xb8: {  	s30 =	sld [smem:$0x0];
	_ =	sdelay $0x2  }
0xb9: {  	s31 =	sshll.u32 s1, $0xD;
	s1 =	sshrl.u32 s1, $0x2  }
0xba: {  	s3 =	sand.u32 $0x4000, s31;
	s1 =	sadd.s32 s1, s30  }
0xbb: {  	s0 =	sor.u32 s3, s0;
	s1 =	sshll.u32 s1, $0x11  }
0xbc: {  	s0 =	sor.u32 s1, s0  }
0xbd: {  	s0 =	sadd.s32 $0x8F2B, s0  }
0xbe: {  	[sflag:s0] =	ssyncadd.remote.s32 $0x1  }
0xbf: {  	_ =	sfence.sel $0xFFFF  }
0xc0: {  	[dreg:$0x0] =	wrdreg $0xFFFFFFFF;
	(pc) =	sbr.abs _section_cstart, $3  }
0xc1: {  	[dreg:$0x1] =	wrdreg $0xFFFFFFFF  }
0xc2: {  	_ =	task.clear_ibuf [dreg:s6], $0x2FFFF;
	_ =	strace $0x9FFFFFFF  }
0xc3: {  	(tm) =	ssettm $0x7FFFFFFF  }
tec
execute0_lowered:
.L_overlay_start_1:
0x0: {  	(tag) =	ssettag $0x1  }
0x1: {  	s8 =	rddreg [dreg:$0x0]  }
0x2: {  	s1 =	rddreg [dreg:$0x1]  }
0x3: {  	s3 =	rddreg [dreg:$0x2];
	s4 =	simm.s32 $0x0;
	s2 =	stileid.u32  }
0x4: {  	s6 =	srdreg.scid;
	s16 =	simm.s32 $0x1;
	s17 =	simm.s32 $0xC580  }
0x5: {  	s18 =	simm.s32 $0x2780;
	s19 =	simm.s32 $0x4F00;
	s20 =	simm.s32 $0x2710  }
0x6: {  	s21 =	simm.s32 $0x7680;
	s22 =	simm.s32 $0x9E00;
	s23 =	simm.s32 $0x10  }
0x7: {  	s24 =	simm.s32 $0xD280;
	s25 =	simm.s32 $0xD200;
	s26 =	simm.s32 $0x0  }
0x8: {  	[smem:$0x7FF] =	sst s4;
	s11 =	smul.u32 $0xC80, s2;
	s5 =	sadd.s32 $0x1A200, s8  }
0x9: {  	s7 =	sand.u32 $0x1, s6;
	s6 =	sadd.s32 $0x1A00, s8;
	s31 =	sshll.u32 s2, $0x6  }
0xa: {  	s12 =	smul.u32 $0xC350, s2;
	_ =	strace $0x8000004A;
	s10 =	ssub.s32 $0x2, s7  }
0xb: {  	s7 =	sadd.s32 $0x32A00, s8;
	s9 =	sshrl.u32 s11, $0x3;
	s30 =	sshrl.u32 s10, $0x1  }
0xc: {  	s13 =	sadd.s32 s9, s8;
	s14 =	ssub.s32 s10, s30;
	s8 =	sadd.s32 s11, s1  }
0xd: {  	v0 =	vimm.f32 $0.0e+00;
	vm0 =	vcmask $0x300;
	v2 =	vimm.s32 $0xC358;
	s10 =	sor.u32 $0x1C01, s31;
	s11 =	sadd.s32 s11, s3;
	s9 =	sadd.s32 $0x4B200, s13  }
0xe: {  	v1 =	vsel vm0, $0x3F800000, v0;
	v2 =	vsel vm0, $0x0, v2;
	s13 =	sadd.s32 $0x8A200, s13;
	s14 =	smax.u32 s14, $0x1;
	s15 =	sshrl.u32 s8, $0x3  }
.LBB2_1:
0xf: {  	[spmem:s15], [sflag:s10] =	dma.local [hbm:s9], $0x190  }
0x10: {  	_ =	swait.ge [sflag:s16], $0x190  }
0x11: {  	[sflag:s16] =	ssyncset.done $0x0  }
0x12: {  	s28 =	simm.s32 $0x40;
	s29 =	simm.s32 $0x0;
	[sflag:s16] =	ssyncadd.s32 $0xFFFFFE70  }
.LBB2_2:
0x13: {  	p0 =	sne.s32 s28, $0x31C0;
	[tilespmem:s29+$0xC580] =	vst v0;
	s29 =	smov.u32 s28;
	s28 =	sadd.s32 $0x40, s28  }
.Ltmp0:
0x14: {  	(pc) =	sbr.rel @p0 .LBB2_2-.Ltmp0, $2  }
0x15: {  	_ =	sdelay $0x2  }
0x16: {  	s29 =	sshra.s32 s29, $0x2  }
0x17: {  	[tilespmem:s29+$0xC580] =	vst v0  }
0x18: {  	[tilespmem:$0xD200] =	vst v1  }
0x19: {  	[tilespmem:$0xD280] =	vst v2  }
0x1a: {  	[spmem:s11] =	stream.linear.scatter [tilespmem:s17], [sflag:$0x1], $0xC80, $0x38;
	[tilespmem:$0xEC00] =	vst v63  }
0x1b: {  	_ =	swait.ge [sflag:s16], $0xC80  }
0x1c: {  	[sflag:s16] =	ssyncset.done $0x0  }
0x1d: {  	[sflag:s16] =	ssyncadd.s32 $0xFFFFF380  }
0x1e: {  	s28 =	simm.s32 $0x0;
	s29 =	simm.s32 $0x0;
	[bflag:$0x0] =	sbarrier.arrive $0xFFFF  }
.LBB2_4:
0x1f: {  	s30 =	smul.u32 $0x2710, s29;
	_ =	sdelay $0x1  }
0x20: {  	s30 =	sadd.s32 s12, s30  }
0x21: {  	s30 =	sshrl.u32 s30, $0x3  }
0x22: {  	s31 =	sadd.s32 s5, s30  }
0x23: {  	[tilespmem:s28], [sflag:$0x1] =	stream.linear.gather [hbm4b:s31+s28], $0x2710, $0x38;
	[tilespmem:$0xEC00] =	vst v63  }
0x24: {  	_ =	swait.ge [sflag:s16], $0x2710  }
0x25: {  	[sflag:s16] =	ssyncset.done $0x0  }
0x26: {  	s31 =	sadd.s32 s6, s30;
	[sflag:s16] =	ssyncadd.s32 $0xFFFFD8F0  }
0x27: {  	[tilespmem:s18], [sflag:$0x1] =	stream.linear.gather [hbm4b:s31+s28], $0x2710, $0x38;
	[tilespmem:$0xEC00] =	vst v63  }
0x28: {  	_ =	swait.ge [sflag:s16], $0x2710  }
0x29: {  	[sflag:s16] =	ssyncset.done $0x0  }
0x2a: {  	s30 =	sadd.s32 s7, s30;
	[sflag:s16] =	ssyncadd.s32 $0xFFFFD8F0  }
0x2b: {  	[tilespmem:s19], [sflag:$0x1] =	stream.linear.gather [hbm4b:s30+s28], $0x2710, $0x38;
	[tilespmem:$0xEC00] =	vst v63  }
0x2c: {  	_ =	swait.ge [sflag:s16], $0x2710  }
0x2d: {  	[sflag:s16] =	ssyncset.done $0x0  }
0x2e: {  	[sflag:s16] =	ssyncadd.s32 $0xFFFFD8F0  }
0x2f: {  	[tilespmem:s21], [sflag:$0x1] =	stream.indirect.gather [spmem:s1], $0x1, s18, s20, $0xb8;
	[tilespmem:$0xEC00] =	vst v63  }
0x30: {  	_ =	swait.ge [sflag:s16], $0x2710  }
0x31: {  	[sflag:s16] =	ssyncset.done $0x0  }
0x32: {  	s30 =	simm.s32 $0x0;
	[sflag:s16] =	ssyncadd.s32 $0xFFFFD8F0  }
0x33: {  	v3 =	vld [tilespmem:s30+$0x4F00]  }
0x34: {  	s31 =	simm.s32 $0x40;
	v4 =	vld [tilespmem:s30+$0x7680]  }
.LBB2_5:
0x35: {  	_ = 	snop  }
0x36: {  	p0 =	sne.s32 s31, $0x9C00  }
.Ltmp1:
0x37: {  	_ = 	snop;
	(pc) =	sbr.rel @p0 .LBB2_5-.Ltmp1, $4  }
0x38: {  	_ = 	snop  }
0x39: {  	s0 =	sshra.s32 s31, $0x2;
	v5 =	vmul.f32 v4, v3  }
0x3a: {  	v3 =	vld [tilespmem:s0+$0x4F00]  }
0x3b: {  	s31 =	sadd.s32 $0x40, s31;
	v4 =	vld [tilespmem:s0+$0x7680];
	[tilespmem:s30+$0x9E00] =	vst v5;
	s30 =	smov.u32 s0  }
0x3c: {  	_ =	sdelay $0x3  }
0x3d: {  	s29 =	sadd.s32 $0x1, s29;
	v3 =	vmul.f32 v4, v3  }
0x3e: {  	p0 =	sne.s32 s29, $0x5  }
.Ltmp2:
0x3f: {  	[tilespmem:s30+$0x9E00] =	vst v3;
	(pc) =	sbr.rel @p0 .LBB2_4-.Ltmp2, $4  }
0x40: {  	[spmem:s3] =	stream.indirect.scatter.add.f32 [tilespmem:s22], [sflag:$0x1], $0x1, s4, s20, $0xb8;
	[tilespmem:$0xEC00] =	vst v63  }
0x41: {  	_ =	swait.ge [sflag:s16], $0x2710  }
0x42: {  	[sflag:s16] =	ssyncset.done $0x0  }
0x43: {  	[sflag:s16] =	ssyncadd.s32 $0xFFFFD8F0  }
0x44: {  	[bflag:$0x0] =	sbarrier.arrive $0xFFFF  }
0x45: {  	[spmem:s3] =	stream.indirect.scatter [tilespmem:s25], [sflag:$0x1], $0x1, s24, s23, $0xb8;
	[tilespmem:$0xEC00] =	vst v63  }
0x46: {  	_ =	swait.ge [sflag:s16], $0x10  }
0x47: {  	[sflag:s16] =	ssyncset.done $0x0  }
0x48: {  	[sflag:s16] =	ssyncadd.s32 $0xFFFFFFF0  }
0x49: {  	[spmem:s8] =	stream.linear.scatter [tilespmem:s17], [sflag:$0x1], $0xC80, $0x38;
	[tilespmem:$0xEC00] =	vst v63  }
0x4a: {  	_ =	swait.ge [sflag:s16], $0xC80  }
0x4b: {  	[sflag:s16] =	ssyncset.done $0x0  }
0x4c: {  	[sflag:s16] =	ssyncadd.s32 $0xFFFFF380  }
0x4d: {  	s28 =	simm.s32 $0x0;
	s29 =	simm.s32 $0x0;
	[bflag:$0x0] =	sbarrier.arrive $0xFFFF  }
.LBB2_8:
0x4e: {  	s0 =	smul.u32 $0x2710, s29;
	_ =	sdelay $0x1  }
0x4f: {  	s0 =	sadd.s32 s12, s0  }
0x50: {  	s0 =	sshrl.u32 s0, $0x3  }
0x51: {  	s30 =	sadd.s32 s5, s0  }
0x52: {  	[tilespmem:s28], [sflag:$0x1] =	stream.linear.gather [hbm4b:s30+s28], $0x2710, $0x38;
	[tilespmem:$0xEC00] =	vst v63  }
0x53: {  	_ =	swait.ge [sflag:s16], $0x2710  }
0x54: {  	[sflag:s16] =	ssyncset.done $0x0  }
0x55: {  	s30 =	sadd.s32 s6, s0;
	[sflag:s16] =	ssyncadd.s32 $0xFFFFD8F0  }
0x56: {  	[tilespmem:s18], [sflag:$0x1] =	stream.linear.gather [hbm4b:s30+s28], $0x2710, $0x38;
	[tilespmem:$0xEC00] =	vst v63  }
0x57: {  	_ =	swait.ge [sflag:s16], $0x2710  }
0x58: {  	[sflag:s16] =	ssyncset.done $0x0  }
0x59: {  	s0 =	sadd.s32 s7, s0;
	[sflag:s16] =	ssyncadd.s32 $0xFFFFD8F0  }
0x5a: {  	[tilespmem:s19], [sflag:$0x1] =	stream.linear.gather [hbm4b:s0+s28], $0x2710, $0x38;
	[tilespmem:$0xEC00] =	vst v63  }
0x5b: {  	_ =	swait.ge [sflag:s16], $0x2710  }
0x5c: {  	[sflag:s16] =	ssyncset.done $0x0  }
0x5d: {  	[sflag:s16] =	ssyncadd.s32 $0xFFFFD8F0  }
0x5e: {  	[tilespmem:s21], [sflag:$0x1] =	stream.indirect.gather [spmem:s3], $0x1, s18, s20, $0xb8;
	[tilespmem:$0xEC00] =	vst v63  }
0x5f: {  	_ =	swait.ge [sflag:s16], $0x2710  }
0x60: {  	[sflag:s16] =	ssyncset.done $0x0  }
0x61: {  	s30 =	simm.s32 $0x0;
	[sflag:s16] =	ssyncadd.s32 $0xFFFFD8F0  }
0x62: {  	v3 =	vld [tilespmem:s30+$0x4F00]  }
0x63: {  	s31 =	simm.s32 $0x40;
	v4 =	vld [tilespmem:s30+$0x7680]  }
.LBB2_9:
0x64: {  	_ = 	snop  }
0x65: {  	p0 =	sne.s32 s31, $0x9C00  }
.Ltmp3:
0x66: {  	_ = 	snop;
	(pc) =	sbr.rel @p0 .LBB2_9-.Ltmp3, $4  }
0x67: {  	_ = 	snop  }
0x68: {  	s0 =	sshra.s32 s31, $0x2;
	v5 =	vmul.f32 v4, v3  }
0x69: {  	v3 =	vld [tilespmem:s0+$0x4F00]  }
0x6a: {  	s31 =	sadd.s32 $0x40, s31;
	v4 =	vld [tilespmem:s0+$0x7680];
	[tilespmem:s30+$0x9E00] =	vst v5;
	s30 =	smov.u32 s0  }
0x6b: {  	_ =	sdelay $0x3  }
0x6c: {  	s29 =	sadd.s32 $0x1, s29;
	v3 =	vmul.f32 v4, v3  }
0x6d: {  	p0 =	sne.s32 s29, $0x5  }
.Ltmp4:
0x6e: {  	[tilespmem:s30+$0x9E00] =	vst v3;
	(pc) =	sbr.rel @p0 .LBB2_8-.Ltmp4, $4  }
0x6f: {  	[spmem:s1] =	stream.indirect.scatter.add.f32 [tilespmem:s22], [sflag:$0x1], $0x1, s4, s20, $0xb8;
	[tilespmem:$0xEC00] =	vst v63  }
0x70: {  	_ =	swait.ge [sflag:s16], $0x2710  }
0x71: {  	[sflag:s16] =	ssyncset.done $0x0  }
0x72: {  	[sflag:s16] =	ssyncadd.s32 $0xFFFFD8F0  }
0x73: {  	[bflag:$0x0] =	sbarrier.arrive $0xFFFF  }
0x74: {  	[spmem:s1] =	stream.indirect.scatter [tilespmem:s25], [sflag:$0x1], $0x1, s24, s23, $0xb8;
	[tilespmem:$0xEC00] =	vst v63  }
0x75: {  	_ =	swait.ge [sflag:s16], $0x10  }
0x76: {  	[sflag:s16] =	ssyncset.done $0x0  }
0x77: {  	[sflag:s16] =	ssyncadd.s32 $0xFFFFFFF0  }
0x78: {  	[spmem:s11] =	stream.linear.scatter [tilespmem:s17], [sflag:$0x1], $0xC80, $0x38;
	[tilespmem:$0xEC00] =	vst v63  }
0x79: {  	_ =	swait.ge [sflag:s16], $0xC80  }
0x7a: {  	[sflag:s16] =	ssyncset.done $0x0  }
0x7b: {  	[sflag:s16] =	ssyncadd.s32 $0xFFFFF380  }
0x7c: {  	s28 =	simm.s32 $0x0;
	s29 =	simm.s32 $0x0;
	[bflag:$0x0] =	sbarrier.arrive $0xFFFF  }
.LBB2_12:
0x7d: {  	s0 =	smul.u32 $0x2710, s29;
	_ =	sdelay $0x1  }
0x7e: {  	s0 =	sadd.s32 s12, s0  }
0x7f: {  	s0 =	sshrl.u32 s0, $0x3  }
0x80: {  	s30 =	sadd.s32 s5, s0  }
0x81: {  	[tilespmem:s28], [sflag:$0x1] =	stream.linear.gather [hbm4b:s30+s28], $0x2710, $0x38;
	[tilespmem:$0xEC00] =	vst v63  }
0x82: {  	_ =	swait.ge [sflag:s16], $0x2710  }
0x83: {  	[sflag:s16] =	ssyncset.done $0x0  }
0x84: {  	s30 =	sadd.s32 s6, s0;
	[sflag:s16] =	ssyncadd.s32 $0xFFFFD8F0  }
0x85: {  	[tilespmem:s18], [sflag:$0x1] =	stream.linear.gather [hbm4b:s30+s28], $0x2710, $0x38;
	[tilespmem:$0xEC00] =	vst v63  }
0x86: {  	_ =	swait.ge [sflag:s16], $0x2710  }
0x87: {  	[sflag:s16] =	ssyncset.done $0x0  }
0x88: {  	s0 =	sadd.s32 s7, s0;
	[sflag:s16] =	ssyncadd.s32 $0xFFFFD8F0  }
0x89: {  	[tilespmem:s19], [sflag:$0x1] =	stream.linear.gather [hbm4b:s0+s28], $0x2710, $0x38;
	[tilespmem:$0xEC00] =	vst v63  }
0x8a: {  	_ =	swait.ge [sflag:s16], $0x2710  }
0x8b: {  	[sflag:s16] =	ssyncset.done $0x0  }
0x8c: {  	[sflag:s16] =	ssyncadd.s32 $0xFFFFD8F0  }
0x8d: {  	[tilespmem:s21], [sflag:$0x1] =	stream.indirect.gather [spmem:s1], $0x1, s18, s20, $0xb8;
	[tilespmem:$0xEC00] =	vst v63  }
0x8e: {  	_ =	swait.ge [sflag:s16], $0x2710  }
0x8f: {  	[sflag:s16] =	ssyncset.done $0x0  }
0x90: {  	s30 =	simm.s32 $0x0;
	[sflag:s16] =	ssyncadd.s32 $0xFFFFD8F0  }
0x91: {  	v3 =	vld [tilespmem:s30+$0x4F00]  }
0x92: {  	s31 =	simm.s32 $0x40;
	v4 =	vld [tilespmem:s30+$0x7680]  }
.LBB2_13:
0x93: {  	_ = 	snop  }
0x94: {  	p0 =	sne.s32 s31, $0x9C00  }
.Ltmp5:
0x95: {  	_ = 	snop;
	(pc) =	sbr.rel @p0 .LBB2_13-.Ltmp5, $4  }
0x96: {  	_ = 	snop  }
0x97: {  	s0 =	sshra.s32 s31, $0x2;
	v5 =	vmul.f32 v4, v3  }
0x98: {  	v3 =	vld [tilespmem:s0+$0x4F00]  }
0x99: {  	s31 =	sadd.s32 $0x40, s31;
	v4 =	vld [tilespmem:s0+$0x7680];
	[tilespmem:s30+$0x9E00] =	vst v5;
	s30 =	smov.u32 s0  }
0x9a: {  	_ =	sdelay $0x3  }
0x9b: {  	s29 =	sadd.s32 $0x1, s29;
	v3 =	vmul.f32 v4, v3  }
0x9c: {  	p0 =	sne.s32 s29, $0x5  }
.Ltmp6:
0x9d: {  	[tilespmem:s30+$0x9E00] =	vst v3;
	(pc) =	sbr.rel @p0 .LBB2_12-.Ltmp6, $4  }
0x9e: {  	[spmem:s3] =	stream.indirect.scatter.add.f32 [tilespmem:s22], [sflag:$0x1], $0x1, s4, s20, $0xb8;
	[tilespmem:$0xEC00] =	vst v63  }
0x9f: {  	_ =	swait.ge [sflag:s16], $0x2710  }
0xa0: {  	[sflag:s16] =	ssyncset.done $0x0  }
0xa1: {  	[sflag:s16] =	ssyncadd.s32 $0xFFFFD8F0  }
0xa2: {  	[bflag:$0x0] =	sbarrier.arrive $0xFFFF  }
0xa3: {  	[spmem:s3] =	stream.indirect.scatter [tilespmem:s25], [sflag:$0x1], $0x1, s24, s23, $0xb8;
	[tilespmem:$0xEC00] =	vst v63  }
0xa4: {  	_ =	swait.ge [sflag:s16], $0x10  }
0xa5: {  	s26 =	sadd.s32 $0x1, s26;
	[sflag:s16] =	ssyncset.done $0x0  }
0xa6: {  	p0 =	sne.s32 s26, s14;
	[sflag:s16] =	ssyncadd.s32 $0xFFFFFFF0  }
.Ltmp7:
0xa7: {  	s0 =	sshrl.u32 s11, $0x3;
	[bflag:$0x0] =	sbarrier.arrive $0xFFFF;
	(pc) =	sbr.rel @p0 .LBB2_1-.Ltmp7, $4  }
0xa8: {  	[hbm:s13], [sflag:s10] =	dma.local [spmem:s0], $0x190  }
0xa9: {  	_ =	swait.ge [sflag:s16], $0x190  }
0xaa: {  	[sflag:s16] =	ssyncset.done $0x0  }
0xab: {  	[sflag:s16] =	ssyncadd.s32 $0xFFFFFE70  }
0xac: {  	_ =	sfence.sel $0x180000  }
0xad: {  	[bflag:$0x0] =	sbarrier.arrive $0xFFFF  }
0xae: {  	_ =	strace $0x9000004A  }
0xaf: {  	[bflag:$0x2] =	sbarrier.arrive $0xFFFF  }
0xb0: {  	p0 =	sne.s32 s2, $0x0;
	s0 =	rddreg [dreg:$0x3]  }
0xb1: {  	s0 =	sadd.s32 @!p0 $0x100000, s0  }
0xb2: {  	[sflag:s0] =	ssyncadd.tile.s32 @!p0 $0x1;
	_ =	shalt  }
.Lfunc_end2:
_tile_overlayer_lowered:
.L_overlay_start_2:
0xb3: {  	(tag) =	ssettag $0x2  }
0xb4: {  	s0 =	rddreg [dreg:$0x0];
	s2 =	stileid.u32  }
0xb5: {  	s1 =	rddreg [dreg:$0x1];
	p0 =	sne.s32 s2, $0x0  }
0xb6: {  	s3 =	rddreg [dreg:$0x2];
	[bflag:$0x3] =	sbarrier.arrive $0xFFFF;
	s2 =	simm.s32 @!p0 $0x1C01  }
0xb7: {  	[timem:s3], [sflag:s2] =	dma.local @!p0 [hbm:s0], s1  }
0xb8: {  	s0 =	simm.s32 @!p0 $0x1  }
0xb9: {  	_ =	swait.ge @!p0 [sflag:s0], s1  }
0xba: {  	s1 =	ssub.s32 @!p0 $0x0, s1;
	[sflag:s0] =	ssyncset.done @!p0 $0x0  }
0xbb: {  	[sflag:s0] =	ssyncadd.s32 @!p0 s1  }
0xbc: {  	[bflag:$0x3] =	sbarrier.arrive $0xFFFF  }
0xbd: {  	_ =	shalt  }

// kernel: body.17.cloned.1.call-start
scs
__scs_entry_jumppad:
0x0: {  	(pc) =	sbr.rel $0x88, $3  }
0x1: {  	(tag) =	ssettag $0x0;
	lr =	simm.s32 $0x1  }
0x2: {  	[smem:$0x3F97] =	sst lr;
	_ =	strace $0xD0000000  }
0x3: {  	_ = 	snop  }
0x4: {  	_ = 	snop  }
0x5: {  	_ = 	snop  }
0x6: {  	_ = 	snop  }
0x7: {  	_ = 	snop  }
__scs_overlays_trampoline_lowered:
0x8: {  	[smem:$0x3FA6] =	sst s0  }
0x9: {  	[smem:$0x3FA7] =	sst s1  }
0xa: {  	[smem:$0x3FA8] =	sst s2  }
0xb: {  	[smem:$0x3FA9] =	sst s3  }
0xc: {  	[smem:$0x3FAA] =	sst s4  }
0xd: {  	[smem:$0x3FAB] =	sst s5  }
0xe: {  	[smem:$0x3FAC] =	sst s6  }
0xf: {  	[smem:$0x3FAD] =	sst s7  }
0x10: {  	[smem:$0x3FAE] =	sst s8  }
0x11: {  	[smem:$0x3FAF] =	sst s9;
	s0 =	simm.s32 @!p0 $0x0  }
0x12: {  	s1 =	sld [smem:$0x3F95];
	s0 =	simm.s32 @p0 $0x1  }
0x13: {  	[smem:$0x3FB0] =	sst s0;
	s0 =	simm.s32 @!p1 $0x0  }
0x14: {  	s2 =	sld [smem:$0x3F94];
	s0 =	simm.s32 @p1 $0x1  }
0x15: {  	[smem:$0x3FB1] =	sst s0;
	s0 =	simm.s32 @!p2 $0x0  }
0x16: {  	s3 =	sld [smem:$0x3FDB];
	s0 =	simm.s32 @p2 $0x1  }
0x17: {  	s4 =	simm.s32 $0x1BF5;
	[smem:$0x3FB3] =	sst s0  }
0x18: {  	s0 =	sld [smem:$0x3F96];
	_ =	swait.ge [sflag:s4], $0x0  }
0x19: {  	s7 =	sld [smem:$0x3F97]  }
0x1a: {  	s8 =	sadd.s32 $0xFFFFE003, lr  }
0x1b: {  	s9 =	sadd.s32 $0xFFFFFEF7, lr;
	s5 =	simm.s32 $0xFFFFFFFF;
	p2 =	slt.u32 s8, $0xFFFFF086  }
0x1c: {  	p1 =	slt.u32 s9, $0xF7A;
	s5 =	simm.s32 @!p2 $0x0  }
0x1d: {  	s5 =	simm.s32 @p1 $0x1;
	p0 =	seq.s32 s7, s2  }
0x1e: {  	s7 =	smul.u32 @!p0 $0xF7A, s2;
	p2 =	seq.s32 @!p0 s5, $0x0  }
0x1f: {  	s9 =	smul.u32 $0xF7A, s1;
	s8 =	simm.s32 @!p0 $0x1BF5;
	p2 =	por !p2, p0  }
0x20: {  	[sflag:s8] =	ssyncset.s32 @!p0 $0xFFFFF086;
	s6 =	sadd.s32 @!p0 s3, s7;
	s7 =	simm.s32 @!p0 $0x108  }
0x21: {  	s3 =	sadd.s32 s3, s9;
	s6 =	sadd.s32 @!p0 $0x88, s6;
	s7 =	simm.s32 @p2 $0x1082  }
0x22: {  	[simem:s7], [sflag:s8] =	dma.local @!p0 [hbm:s6], $0xF7A  }
0x23: {  	s9 =	sor.u32 $0xD0000000, s2;
	s6 =	simm.s32 $0x108;
	_ =	swait.ge @!p0 [sflag:s8], $0x0  }
0x24: {  	s3 =	sadd.s32 $0x88, s3;
	s6 =	simm.s32 @!p1 $0x1082;
	[sflag:s4] =	ssyncset.s32 $0xFFFFF086  }
0x25: {  	[simem:s6], [sflag:s4] =	dma.local [hbm:s3], $0xF7A  }
0x26: {  	[smem:$0x3F97] =	sst s1;
	(tag) =	ssettag s2;
	_ =	strace s9  }
0x27: {  	s1 =	sld [smem:$0x3FA7]  }
0x28: {  	s2 =	sld [smem:$0x3FA8]  }
0x29: {  	s4 =	sld [smem:$0x3FAA]  }
0x2a: {  	p0 =	seq.s32 s5, $0x0;
	s5 =	sld [smem:$0x3FAB]  }
0x2b: {  	s6 =	sld [smem:$0x3FAC]  }
0x2c: {  	s7 =	sld [smem:$0x3FAD]  }
0x2d: {  	s3 =	simm.s32 $0x108;
	s8 =	sld [smem:$0x3FAE]  }
0x2e: {  	s3 =	simm.s32 @!p0 $0x1082;
	s9 =	sld [smem:$0x3FAF]  }
0x2f: {  	lr =	sadd.s32 s0, s3;
	s0 =	sld [smem:$0x3FA6]  }
0x30: {  	s3 =	sld [smem:$0x3FA9]  }
0x31: {  	[smem:$0x3FB2] =	sst s10  }
0x32: {  	s10 =	sld [smem:$0x3FB0];
	_ =	sdelay $0x3  }
0x33: {  	p0 =	seq.s32 s10, $0x1;
	s10 =	sld [smem:$0x3FB2];
	_ =	sdelay $0x3  }
0x34: {  	[smem:$0x3FB2] =	sst s10  }
0x35: {  	s10 =	sld [smem:$0x3FB1];
	_ =	sdelay $0x3  }
0x36: {  	p1 =	seq.s32 s10, $0x1;
	s10 =	sld [smem:$0x3FB2];
	_ =	sdelay $0x3  }
0x37: {  	[smem:$0x3FB2] =	sst s10  }
0x38: {  	s10 =	sld [smem:$0x3FB3]  }
0x39: {  	_ = 	snop;
	(pc) =	sbr.ind lr, $3  }
0x3a: {  	_ = 	snop  }
0x3b: {  	_ = 	snop  }
0x3c: {  	p2 =	seq.s32 s10, $0x1;
	s10 =	sld [smem:$0x3FB2]  }
0x3d: {  	_ =	shalt  }
0x3e: {  	_ =	shalt  }
0x3f: {  	_ =	shalt  }
0x40: {  	_ =	shalt  }
0x41: {  	_ =	shalt  }
0x42: {  	_ =	shalt  }
0x43: {  	_ =	shalt  }
0x44: {  	_ =	shalt  }
0x45: {  	_ =	shalt  }
0x46: {  	_ =	shalt  }
0x47: {  	_ =	shalt  }
0x48: {  	_ =	shalt  }
0x49: {  	_ =	shalt  }
0x4a: {  	_ =	shalt  }
0x4b: {  	_ =	shalt  }
0x4c: {  	_ =	shalt  }
0x4d: {  	_ =	shalt  }
0x4e: {  	_ =	shalt  }
0x4f: {  	_ =	shalt  }
0x50: {  	_ =	shalt  }
0x51: {  	_ =	shalt  }
0x52: {  	_ =	shalt  }
0x53: {  	_ =	shalt  }
0x54: {  	_ =	shalt  }
0x55: {  	_ =	shalt  }
0x56: {  	_ =	shalt  }
0x57: {  	_ =	shalt  }
0x58: {  	_ =	shalt  }
0x59: {  	_ =	shalt  }
0x5a: {  	_ =	shalt  }
0x5b: {  	_ =	shalt  }
0x5c: {  	_ =	shalt  }
0x5d: {  	_ =	shalt  }
0x5e: {  	_ =	shalt  }
0x5f: {  	_ =	shalt  }
0x60: {  	_ =	shalt  }
0x61: {  	_ =	shalt  }
0x62: {  	_ =	shalt  }
0x63: {  	_ =	shalt  }
0x64: {  	_ =	shalt  }
0x65: {  	_ =	shalt  }
0x66: {  	_ =	shalt  }
0x67: {  	_ =	shalt  }
0x68: {  	_ =	shalt  }
0x69: {  	_ =	shalt  }
0x6a: {  	_ =	shalt  }
0x6b: {  	_ =	shalt  }
0x6c: {  	_ =	shalt  }
0x6d: {  	_ =	shalt  }
0x6e: {  	_ =	shalt  }
0x6f: {  	_ =	shalt  }
0x70: {  	_ =	shalt  }
0x71: {  	_ =	shalt  }
0x72: {  	_ =	shalt  }
0x73: {  	_ =	shalt  }
0x74: {  	_ =	shalt  }
0x75: {  	_ =	shalt  }
0x76: {  	_ =	shalt  }
0x77: {  	_ =	shalt  }
0x78: {  	_ =	shalt  }
0x79: {  	_ =	shalt  }
0x7a: {  	_ =	shalt  }
0x7b: {  	_ =	shalt  }
0x7c: {  	_ =	shalt  }
0x7d: {  	_ =	shalt  }
0x7e: {  	_ =	shalt  }
0x7f: {  	_ =	shalt  }
0x80: {  	_ =	shalt  }
0x81: {  	_ =	shalt  }
0x82: {  	_ =	shalt  }
0x83: {  	_ =	shalt  }
0x84: {  	_ =	shalt  }
0x85: {  	_ =	shalt  }
0x86: {  	_ =	shalt  }
0x87: {  	_ =	shalt  }
.Lfunc_end0:
.L_simem_size_0:
called_computation.1_lowered:
.L_overlay_start_0:
0x88: {  	s2 =	sld [smem:$0x3FD9]  }
0x89: {  	s3 =	sld [smem:$0x3FFE];
	_ =	sdelay $0x1  }
0x8a: {  	s1 =	srdreg.scid  }
0x8b: {  	s0 =	sand.u32 $0x1, s1  }
0x8c: {  	s16 =	sshll.u32 s0, $0xA;
	s2 =	sadd.s32 s3, s2  }
0x8d: {  	s2 =	sadd.s32 s2, s16  }
0x8e: {  	[smem:$0x3FBE] =	sst s2  }
0x8f: {  	_ = 	snop  }
0x90: {  	(tm) =	ssettm $0x1  }
0x91: {  	s17 =	sld [smem:$0x3FFB];
	_ =	sdelay $0x3  }
0x92: {  	_ =	strace s17  }
0x93: {  	s2 =	sld [smem:$0x3FFC];
	_ =	sdelay $0x3  }
0x94: {  	_ =	strace s2  }
0x95: {  	s2 =	sld [smem:$0x3FFD];
	_ =	sdelay $0x3  }
0x96: {  	_ =	strace s2  }
0x97: {  	_ =	strace $0x8FFFFFFF  }
0x98: {  	s18 =	sld [smem:$0x3FDB];
	_ =	sdelay $0x1  }
0x99: {  	s19 =	simm.s32 $_scs_section_size  }
0x9a: {  	s4 =	simm.s32 $_size__tile_overlayer_lowered;
	s5 =	simm.s32 $_tile_overlayer_lowered  }
0x9b: {  	s22 =	simm.s32 $0x1BFF;
	s21 =	sshll.u32 s5, $0x1;
	s2 =	sadd.s32 s19, s18  }
0x9c: {  	s6 =	simm.s32 $0x0;
	s20 =	sshll.u32 s4, $0x1;
	s4 =	sadd.s32 s21, s2  }
0x9d: {  	[timem:s6], [sflag:s22] =	dma.local [hbm:s4], s20  }
0x9e: {  	_ =	swait.ge [sflag:s22], s20  }
0x9f: {  	s3 =	ssub.s32 $0x0, s20;
	[sflag:s22] =	ssyncset.done $0x0  }
0xa0: {  	[sflag:s22] =	ssyncadd.s32 s3;
	_ =	sdelay $0x1  }
0xa1: {  	s23 =	simm.s32 $0x1B8B  }
0xa2: {  	_ =	swait.ge [sflag:s23], $0x1  }
0xa3: {  	[sflag:s23] =	ssyncset.done $0x0  }
0xa4: {  	s25 =	simm.s32 $0x1B8E;
	s24 =	sld [smem:$0x3FFE];
	[sflag:s23] =	ssyncadd.s32 $0xFFFFFFFF  }
0xa5: {  	s26 =	simm.s32 $execute0_lowered;
	[smem:$0x3FD2] =	sst s25  }
0xa6: {  	s4 =	sshll.u32 s26, $0x1;
	_ =	strace $0x8000004C;
	[dreg:$0x1] =	wrdreg $0xFFFFFFFF  }
0xa7: {  	s28 =	simm.s32 $_size_execute0_lowered;
	s2 =	sadd.s32 s2, s4;
	[dreg:$0x0] =	wrdreg $0x0  }
0xa8: {  	s4 =	sshll.u32 s28, $0x1;
	[dreg:$0x2] =	wrdreg s2  }
0xa9: {  	[dreg:$0x3] =	wrdreg s4  }
0xaa: {  	[dreg:$0x4] =	wrdreg $0xC0  }
0xab: {  	_ =	task [dreg:s6], $0x5FFFF  }
0xac: {  	[dreg:$0x1] =	wrdreg $0xFFFFFFFF  }
0xad: {  	[dreg:$0x0] =	wrdreg $0x60  }
0xae: {  	[dreg:$0x2] =	wrdreg s24  }
0xaf: {  	[dreg:$0x3] =	wrdreg $0xED800  }
0xb0: {  	[dreg:$0x4] =	wrdreg $0x9  }
0xb1: {  	_ =	task.clear_ibuf [dreg:s6], $0x5FFFF;
	_ =	strace $0x9000004C  }
0xb2: {  	s29 =	simm.s32 $0x9;
	_ =	strace $0x8000004E  }
0xb3: {  	_ =	swait.ge [sflag:s29], $0x1  }
0xb4: {  	[sflag:s29] =	ssyncadd.s32 $0xFFFFFFFF  }
0xb5: {  	_ =	strace $0x9000004E  }
0xb6: {  	_ =	sfence  }
0xb7: {  	s30 =	sld [smem:$0x0];
	_ =	sdelay $0x2  }
0xb8: {  	s31 =	sshll.u32 s1, $0xD;
	s1 =	sshrl.u32 s1, $0x2  }
0xb9: {  	s3 =	sand.u32 $0x4000, s31;
	s1 =	sadd.s32 s1, s30  }
0xba: {  	s0 =	sor.u32 s3, s0;
	s1 =	sshll.u32 s1, $0x11  }
0xbb: {  	s0 =	sor.u32 s1, s0  }
0xbc: {  	s0 =	sadd.s32 $0x8F2B, s0  }
0xbd: {  	[sflag:s0] =	ssyncadd.remote.s32 $0x1  }
0xbe: {  	_ =	sfence.sel $0xFFFF  }
0xbf: {  	[dreg:$0x0] =	wrdreg $0xFFFFFFFF;
	(pc) =	sbr.abs _section_cstart, $3  }
0xc0: {  	[dreg:$0x1] =	wrdreg $0xFFFFFFFF  }
0xc1: {  	_ =	task.clear_ibuf [dreg:s6], $0x2FFFF;
	_ =	strace $0x9FFFFFFF  }
0xc2: {  	(tm) =	ssettm $0x7FFFFFFF  }
0xc3: {  	_ =	shalt  }
tec
execute0_lowered:
.L_overlay_start_1:
0x0: {  	(tag) =	ssettag $0x1  }
0x1: {  	s7 =	rddreg [dreg:$0x0]  }
0x2: {  	s2 =	rddreg [dreg:$0x1]  }
0x3: {  	s0 =	rddreg [dreg:$0x2]  }
0x4: {  	s3 =	simm.s32 $0x0;
	s1 =	stileid.u32;
	s4 =	srdreg.scid  }
0x5: {  	s13 =	simm.s32 $0x1;
	s14 =	simm.s32 $0xED00;
	s15 =	simm.s32 $0x2780  }
0x6: {  	s16 =	simm.s32 $0x2710;
	s17 =	simm.s32 $0x4F00;
	s18 =	simm.s32 $0xC580  }
0x7: {  	s19 =	simm.s32 $0x0;
	[smem:$0x7FF] =	sst s3;
	s8 =	smul.u32 $0xC80, s1  }
0x8: {  	s5 =	sand.u32 $0x1, s4;
	s4 =	sadd.s32 $0x1A200, s7;
	s6 =	sadd.s32 $0x1800, s7  }
0x9: {  	s31 =	sshll.u32 s1, $0x6;
	_ =	strace $0x8000004D;
	s9 =	ssub.s32 $0x2, s5  }
0xa: {  	s5 =	sadd.s32 $0x1A00, s7;
	s10 =	sshrl.u32 s8, $0x3;
	s11 =	sshrl.u32 s9, $0x1  }
0xb: {  	s12 =	sadd.s32 s8, s2;
	s8 =	sor.u32 $0x1C01, s31;
	s10 =	sadd.s32 s10, s7  }
0xc: {  	s11 =	ssub.s32 s9, s11;
	s9 =	smul.u32 $0xC350, s1;
	s12 =	sshrl.u32 s12, $0x3  }
0xd: {  	v0 =	vlaneseq.u32;
	s7 =	sadd.s32 $0x59400, s10;
	s10 =	sadd.s32 $0x32A00, s10;
	s11 =	smax.u32 s11, $0x1  }
.LBB2_1:
0xe: {  	[spmem:s12], [sflag:s8] =	dma.local [hbm:s7], $0x190  }
0xf: {  	_ =	swait.ge [sflag:s13], $0x190  }
0x10: {  	[sflag:s13] =	ssyncset.done $0x0  }
0x11: {  	[sflag:s13] =	ssyncadd.s32 $0xFFFFFE70  }
0x12: {  	[tilespmem:s14], [sflag:$0x1] =	stream.linear.gather [hbm4b:s6+s3], $0x80, $0x38;
	[tilespmem:$0xFA00] =	vst v63  }
0x13: {  	_ =	swait.ge [sflag:s13], $0x80  }
0x14: {  	[sflag:s13] =	ssyncset.done $0x0  }
0x15: {  	[sflag:s13] =	ssyncadd.s32 $0xFFFFFF80  }
0x16: {  	[bflag:$0x0] =	sbarrier.arrive $0xFFFF  }
0x17: {  	v1 =	vld [tilespmem:$0xED00];
	_ =	sdelay $0x4  }
0x18: {  	(v2sf) =	vpush v1, $0x0;
	_ =	sdelay $0xe  }
0x19: {  	s20 =	spop (v2sf)  }
0x1a: {  	s21 =	sadd.s32 $0xFFFFFFFF, s20  }
0x1b: {  	v2 =	vmov s21;
	s21 =	simm.s32 $0x0  }
.LBB2_2:
0x1c: {  	s22 =	smul.u32 $0x2710, s21;
	_ =	sdelay $0x1  }
0x1d: {  	s22 =	sadd.s32 s9, s22  }
0x1e: {  	s22 =	sshrl.u32 s22, $0x3  }
0x1f: {  	s24 =	simm.s32 $0x0;
	s23 =	sadd.s32 s4, s22  }
0x20: {  	[tilespmem:s24], [sflag:$0x1] =	stream.linear.gather [hbm4b:s23+s24], $0x2710, $0x38;
	[tilespmem:$0xFA00] =	vst v63  }
0x21: {  	_ =	swait.ge [sflag:s13], $0x2710  }
0x22: {  	[sflag:s13] =	ssyncset.done $0x0  }
0x23: {  	s22 =	sadd.s32 s5, s22;
	[sflag:s13] =	ssyncadd.s32 $0xFFFFD8F0  }
0x24: {  	[tilespmem:s15], [sflag:$0x1] =	stream.linear.gather [hbm4b:s22+s24], $0x2710, $0x38;
	[tilespmem:$0xFA00] =	vst v63  }
0x25: {  	_ =	swait.ge [sflag:s13], $0x2710  }
0x26: {  	[sflag:s13] =	ssyncset.done $0x0  }
0x27: {  	s26 =	simm.s32 $0x7680;
	[sflag:s13] =	ssyncadd.s32 $0xFFFFD8F0  }
0x28: {  	[tilespmem:s26], [sflag:$0x1] =	stream.indirect.gather [spmem:s2], $0x1, s15, s16, $0xb8;
	[tilespmem:$0xFA00] =	vst v63  }
0x29: {  	_ =	swait.ge [sflag:s13], $0x2710  }
0x2a: {  	[sflag:s13] =	ssyncset.done $0x0  }
0x2b: {  	s30 =	simm.s32 $0x9E00;
	[sflag:s13] =	ssyncadd.s32 $0xFFFFD8F0  }
0x2c: {  	[tilespmem:s30], [sflag:$0x1] =	stream.indirect.gather [spmem:s2], $0x1, s24, s16, $0xb8;
	[tilespmem:$0xFA00] =	vst v63  }
0x2d: {  	_ =	swait.ge [sflag:s13], $0x2710  }
0x2e: {  	[sflag:s13] =	ssyncset.done $0x0  }
0x2f: {  	[sflag:s13] =	ssyncadd.s32 $0xFFFFD8F0  }
0x30: {  	v3 =	vld [tilespmem:s26+$0x0]  }
0x31: {  	v4 =	vld [tilespmem:s30+$0x0];
	_ =	sdelay $0x1  }
0x32: {  	v5 =	vld [tilespmem:s24+$0x0];
	_ =	sdelay $0x1  }
0x33: {  	s31 =	sand.u32 $0x3F0, s24  }
0x34: {  	s22 =	sadd.s32 $0xC380, s31;
	vm0 =	veq.s32 v3, v2;
	vm1 =	veq.s32 v4, $0x40000000  }
0x35: {  	v4 =	vor.u32 s22, v0;
	vm0 =	vmand vm0, vm1  }
0x36: {  	s23 =	simm.s32 $0x4F00;
	v4 =	vsel vm0, v5, v4  }
0x37: {  	s22 =	simm.s32 $0xC580;
	v3 =	vadd.s32 $0x1, v3;
	[tilespmem:s23+$0x0] =	vst v4  }
0x38: {  	s24 =	simm.s32 $0x7690;
	[tilespmem:s22+$0x0] =	vst v3  }
0x39: {  	s26 =	simm.s32 $0x9E10;
	v3 =	vld [tilespmem:s24+$0x0]  }
0x3a: {  	v4 =	vld [tilespmem:s26+$0x0]  }
0x3b: {  	s25 =	simm.s32 $0x10;
	s28 =	simm.s32 $0x20;
	s29 =	simm.s32 $0x10  }
.LBB2_3:
0x3c: {  	p0 =	sne.s32 s28, $0x2700;
	v5 =	vld [tilespmem:s25+$0x0];
	_ =	sdelay $0x1  }
0x3d: {  	s30 =	sand.u32 $0x3F0, s29;
	s29 =	smov.u32 s28;
	v6 =	vadd.s32 $0x1, v3  }
0x3e: {  	s30 =	sadd.s32 $0xC380, s30;
	vm0 =	veq.s32 v3, v2;
	vm1 =	veq.s32 v4, $0x40000000  }
0x3f: {  	v3 =	vor.u32 s30, v0;
	vm0 =	vmand vm0, vm1  }
0x40: {  	s23 =	sadd.s32 $0x10, s23;
	v3 =	vsel vm0, v5, v3  }
.Ltmp0:
0x41: {  	s22 =	sadd.s32 $0x10, s22;
	[tilespmem:s23+$0x0] =	vst v3;
	(pc) =	sbr.rel @p0 .LBB2_3-.Ltmp0, $4  }
0x42: {  	s24 =	sadd.s32 $0x10, s24;
	[tilespmem:s22+$0x0] =	vst v6  }
0x43: {  	s26 =	sadd.s32 $0x10, s26;
	v3 =	vld [tilespmem:s24+$0x0]  }
0x44: {  	v4 =	vld [tilespmem:s26+$0x0]  }
0x45: {  	s28 =	sadd.s32 $0x10, s28;
	s25 =	sadd.s32 $0x10, s25  }
0x46: {  	v5 =	vld [tilespmem:s25+$0x0];
	_ =	sdelay $0x1  }
0x47: {  	s24 =	sand.u32 $0x3F0, s29  }
0x48: {  	s24 =	sadd.s32 $0xC380, s24;
	vm0 =	veq.s32 v3, v2;
	vm1 =	veq.s32 v4, $0x40000000  }
0x49: {  	v63 =	vor.u32 s24, v0;
	vm0 =	vmand vm0, vm1  }
0x4a: {  	s23 =	sadd.s32 $0x10, s23;
	s21 =	sadd.s32 $0x1, s21;
	v4 =	vsel vm0, v5, v63  }
0x4b: {  	s22 =	sadd.s32 $0x10, s22;
	p0 =	sne.s32 s21, $0x5;
	v3 =	vadd.s32 $0x1, v3;
	[tilespmem:s23+$0x0] =	vst v4  }
.Ltmp1:
0x4c: {  	[tilespmem:s22+$0x0] =	vst v3;
	(pc) =	sbr.rel @p0 .LBB2_2-.Ltmp1, $4  }
0x4d: {  	[spmem:s2] =	stream.indirect.scatter [tilespmem:s18], [sflag:$0x1], $0x1, s17, s16, $0xb8;
	[tilespmem:$0xFA00] =	vst v63  }
0x4e: {  	_ =	swait.ge [sflag:s13], $0x2710  }
0x4f: {  	[sflag:s13] =	ssyncset.done $0x0  }
0x50: {  	[sflag:s13] =	ssyncadd.s32 $0xFFFFD8F0  }
0x51: {  	[bflag:$0x0] =	sbarrier.arrive $0xFFFF;
	v1 =	vbroadcast v1, $0x0;
	s21 =	simm.s32 $0x0;
	s22 =	simm.s32 $0x0  }
.LBB2_6:
0x52: {  	s23 =	smul.u32 $0x2710, s22;
	_ =	sdelay $0x1  }
0x53: {  	s23 =	sadd.s32 s9, s23  }
0x54: {  	s23 =	sshrl.u32 s23, $0x3  }
0x55: {  	s24 =	sadd.s32 s4, s23  }
0x56: {  	[tilespmem:s21], [sflag:$0x1] =	stream.linear.gather [hbm4b:s24+s21], $0x2710, $0x38;
	[tilespmem:$0xFA00] =	vst v63  }
0x57: {  	_ =	swait.ge [sflag:s13], $0x2710  }
0x58: {  	[sflag:s13] =	ssyncset.done $0x0  }
0x59: {  	s23 =	sadd.s32 s5, s23;
	[sflag:s13] =	ssyncadd.s32 $0xFFFFD8F0  }
0x5a: {  	[tilespmem:s15], [sflag:$0x1] =	stream.linear.gather [hbm4b:s23+s21], $0x2710, $0x38;
	[tilespmem:$0xFA00] =	vst v63  }
0x5b: {  	_ =	swait.ge [sflag:s13], $0x2710  }
0x5c: {  	[sflag:s13] =	ssyncset.done $0x0  }
0x5d: {  	s25 =	simm.s32 $0x7680;
	[sflag:s13] =	ssyncadd.s32 $0xFFFFD8F0  }
0x5e: {  	[tilespmem:s25], [sflag:$0x1] =	stream.indirect.gather [spmem:s2], $0x1, s15, s16, $0xb8;
	[tilespmem:$0xFA00] =	vst v63  }
0x5f: {  	_ =	swait.ge [sflag:s13], $0x2710  }
0x60: {  	[sflag:s13] =	ssyncset.done $0x0  }
0x61: {  	s26 =	simm.s32 $0x9E00;
	[sflag:s13] =	ssyncadd.s32 $0xFFFFD8F0  }
0x62: {  	[tilespmem:s26], [sflag:$0x1] =	stream.indirect.gather [spmem:s2], $0x1, s21, s16, $0xb8;
	[tilespmem:$0xFA00] =	vst v63  }
0x63: {  	_ =	swait.ge [sflag:s13], $0x2710  }
0x64: {  	[sflag:s13] =	ssyncset.done $0x0  }
0x65: {  	[sflag:s13] =	ssyncadd.s32 $0xFFFFD8F0  }
0x66: {  	v2 =	vld [tilespmem:s25+$0x0]  }
0x67: {  	v3 =	vld [tilespmem:s26+$0x0];
	_ =	sdelay $0x1  }
0x68: {  	v4 =	vld [tilespmem:s21+$0x0];
	_ =	sdelay $0x1  }
0x69: {  	s31 =	sand.u32 $0x3F0, s21  }
0x6a: {  	s23 =	sadd.s32 $0xC380, s31;
	vm0 =	veq.s32 v2, v1;
	vm1 =	veq.s32 v3, $0x40000000  }
0x6b: {  	v3 =	vor.u32 s23, v0;
	vm0 =	vmand vm0, vm1  }
0x6c: {  	s24 =	simm.s32 $0x4F00;
	v3 =	vsel vm0, v4, v3  }
0x6d: {  	s23 =	simm.s32 $0xC580;
	v2 =	vadd.s32 $0x1, v2;
	[tilespmem:s24+$0x0] =	vst v3  }
0x6e: {  	s25 =	simm.s32 $0x7690;
	[tilespmem:s23+$0x0] =	vst v2  }
0x6f: {  	s28 =	simm.s32 $0x9E10;
	v2 =	vld [tilespmem:s25+$0x0]  }
0x70: {  	v3 =	vld [tilespmem:s28+$0x0]  }
0x71: {  	s29 =	simm.s32 $0x20;
	s30 =	simm.s32 $0x10;
	s26 =	simm.s32 $0x10  }
.LBB2_7:
0x72: {  	p0 =	sne.s32 s29, $0x2700;
	v4 =	vld [tilespmem:s26+$0x0];
	_ =	sdelay $0x1  }
0x73: {  	s31 =	sand.u32 $0x3F0, s30;
	s30 =	smov.u32 s29;
	v5 =	vadd.s32 $0x1, v2  }
0x74: {  	s31 =	sadd.s32 $0xC380, s31;
	vm0 =	veq.s32 v2, v1;
	vm1 =	veq.s32 v3, $0x40000000  }
0x75: {  	v2 =	vor.u32 s31, v0;
	vm0 =	vmand vm0, vm1  }
0x76: {  	s24 =	sadd.s32 $0x10, s24;
	v2 =	vsel vm0, v4, v2  }
.Ltmp2:
0x77: {  	s23 =	sadd.s32 $0x10, s23;
	[tilespmem:s24+$0x0] =	vst v2;
	(pc) =	sbr.rel @p0 .LBB2_7-.Ltmp2, $4  }
0x78: {  	s25 =	sadd.s32 $0x10, s25;
	[tilespmem:s23+$0x0] =	vst v5  }
0x79: {  	s28 =	sadd.s32 $0x10, s28;
	v2 =	vld [tilespmem:s25+$0x0]  }
0x7a: {  	v3 =	vld [tilespmem:s28+$0x0]  }
0x7b: {  	s29 =	sadd.s32 $0x10, s29;
	s26 =	sadd.s32 $0x10, s26  }
0x7c: {  	v4 =	vld [tilespmem:s26+$0x0];
	_ =	sdelay $0x1  }
0x7d: {  	s25 =	sand.u32 $0x3F0, s30  }
0x7e: {  	s25 =	sadd.s32 $0xC380, s25;
	vm0 =	veq.s32 v2, v1;
	vm1 =	veq.s32 v3, $0x40000000  }
0x7f: {  	v3 =	vor.u32 s25, v0;
	vm0 =	vmand vm0, vm1  }
0x80: {  	s24 =	sadd.s32 $0x10, s24;
	s22 =	sadd.s32 $0x1, s22;
	v3 =	vsel vm0, v4, v3  }
0x81: {  	s23 =	sadd.s32 $0x10, s23;
	p0 =	sne.s32 s22, $0x5;
	v2 =	vadd.s32 $0x1, v2;
	[tilespmem:s24+$0x0] =	vst v3  }
.Ltmp3:
0x82: {  	[tilespmem:s23+$0x0] =	vst v2;
	(pc) =	sbr.rel @p0 .LBB2_6-.Ltmp3, $4  }
0x83: {  	[spmem:s2] =	stream.indirect.scatter [tilespmem:s18], [sflag:$0x1], $0x1, s17, s16, $0xb8;
	[tilespmem:$0xFA00] =	vst v63  }
0x84: {  	_ =	swait.ge [sflag:s13], $0x2710  }
0x85: {  	[sflag:s13] =	ssyncset.done $0x0  }
0x86: {  	[sflag:s13] =	ssyncadd.s32 $0xFFFFD8F0  }
0x87: {  	s21 =	sadd.s32 $0x1, s20  }
0x88: {  	[bflag:$0x0] =	sbarrier.arrive $0xFFFF;
	s22 =	simm.s32 $0x0;
	v1 =	vmov s21;
	s21 =	simm.s32 $0x0  }
.LBB2_10:
0x89: {  	s23 =	smul.u32 $0x2710, s22;
	_ =	sdelay $0x1  }
0x8a: {  	s23 =	sadd.s32 s9, s23  }
0x8b: {  	s23 =	sshrl.u32 s23, $0x3  }
0x8c: {  	s24 =	sadd.s32 s4, s23  }
0x8d: {  	[tilespmem:s21], [sflag:$0x1] =	stream.linear.gather [hbm4b:s24+s21], $0x2710, $0x38;
	[tilespmem:$0xFA00] =	vst v63  }
0x8e: {  	_ =	swait.ge [sflag:s13], $0x2710  }
0x8f: {  	[sflag:s13] =	ssyncset.done $0x0  }
0x90: {  	s23 =	sadd.s32 s5, s23;
	[sflag:s13] =	ssyncadd.s32 $0xFFFFD8F0  }
0x91: {  	[tilespmem:s15], [sflag:$0x1] =	stream.linear.gather [hbm4b:s23+s21], $0x2710, $0x38;
	[tilespmem:$0xFA00] =	vst v63  }
0x92: {  	_ =	swait.ge [sflag:s13], $0x2710  }
0x93: {  	[sflag:s13] =	ssyncset.done $0x0  }
0x94: {  	s25 =	simm.s32 $0x7680;
	[sflag:s13] =	ssyncadd.s32 $0xFFFFD8F0  }
0x95: {  	[tilespmem:s25], [sflag:$0x1] =	stream.indirect.gather [spmem:s2], $0x1, s15, s16, $0xb8;
	[tilespmem:$0xFA00] =	vst v63  }
0x96: {  	_ =	swait.ge [sflag:s13], $0x2710  }
0x97: {  	[sflag:s13] =	ssyncset.done $0x0  }
0x98: {  	s26 =	simm.s32 $0x9E00;
	[sflag:s13] =	ssyncadd.s32 $0xFFFFD8F0  }
0x99: {  	[tilespmem:s26], [sflag:$0x1] =	stream.indirect.gather [spmem:s2], $0x1, s21, s16, $0xb8;
	[tilespmem:$0xFA00] =	vst v63  }
0x9a: {  	_ =	swait.ge [sflag:s13], $0x2710  }
0x9b: {  	[sflag:s13] =	ssyncset.done $0x0  }
0x9c: {  	[sflag:s13] =	ssyncadd.s32 $0xFFFFD8F0  }
0x9d: {  	v2 =	vld [tilespmem:s25+$0x0]  }
0x9e: {  	v3 =	vld [tilespmem:s26+$0x0];
	_ =	sdelay $0x1  }
0x9f: {  	v4 =	vld [tilespmem:s21+$0x0];
	_ =	sdelay $0x1  }
0xa0: {  	s31 =	sand.u32 $0x3F0, s21  }
0xa1: {  	s23 =	sadd.s32 $0xC380, s31;
	vm0 =	veq.s32 v2, v1;
	vm1 =	veq.s32 v3, $0x40000000  }
0xa2: {  	v3 =	vor.u32 s23, v0;
	vm0 =	vmand vm0, vm1  }
0xa3: {  	s24 =	simm.s32 $0x4F00;
	v3 =	vsel vm0, v4, v3  }
0xa4: {  	s23 =	simm.s32 $0xC580;
	v2 =	vadd.s32 $0x1, v2;
	[tilespmem:s24+$0x0] =	vst v3  }
0xa5: {  	s25 =	simm.s32 $0x7690;
	[tilespmem:s23+$0x0] =	vst v2  }
0xa6: {  	s28 =	simm.s32 $0x9E10;
	v2 =	vld [tilespmem:s25+$0x0]  }
0xa7: {  	v3 =	vld [tilespmem:s28+$0x0]  }
0xa8: {  	s29 =	simm.s32 $0x20;
	s30 =	simm.s32 $0x10;
	s26 =	simm.s32 $0x10  }
.LBB2_11:
0xa9: {  	p0 =	sne.s32 s29, $0x2700;
	v4 =	vld [tilespmem:s26+$0x0];
	_ =	sdelay $0x1  }
0xaa: {  	s31 =	sand.u32 $0x3F0, s30;
	s30 =	smov.u32 s29;
	v5 =	vadd.s32 $0x1, v2  }
0xab: {  	s31 =	sadd.s32 $0xC380, s31;
	vm0 =	veq.s32 v2, v1;
	vm1 =	veq.s32 v3, $0x40000000  }
0xac: {  	v2 =	vor.u32 s31, v0;
	vm0 =	vmand vm0, vm1  }
0xad: {  	s24 =	sadd.s32 $0x10, s24;
	v2 =	vsel vm0, v4, v2  }
.Ltmp4:
0xae: {  	s23 =	sadd.s32 $0x10, s23;
	[tilespmem:s24+$0x0] =	vst v2;
	(pc) =	sbr.rel @p0 .LBB2_11-.Ltmp4, $4  }
0xaf: {  	s25 =	sadd.s32 $0x10, s25;
	[tilespmem:s23+$0x0] =	vst v5  }
0xb0: {  	s28 =	sadd.s32 $0x10, s28;
	v2 =	vld [tilespmem:s25+$0x0]  }
0xb1: {  	v3 =	vld [tilespmem:s28+$0x0]  }
0xb2: {  	s29 =	sadd.s32 $0x10, s29;
	s26 =	sadd.s32 $0x10, s26  }
0xb3: {  	v4 =	vld [tilespmem:s26+$0x0];
	_ =	sdelay $0x1  }
0xb4: {  	s25 =	sand.u32 $0x3F0, s30  }
0xb5: {  	s25 =	sadd.s32 $0xC380, s25;
	vm0 =	veq.s32 v2, v1;
	vm1 =	veq.s32 v3, $0x40000000  }
0xb6: {  	v3 =	vor.u32 s25, v0;
	vm0 =	vmand vm0, vm1  }
0xb7: {  	s24 =	sadd.s32 $0x10, s24;
	s22 =	sadd.s32 $0x1, s22;
	v3 =	vsel vm0, v4, v3  }
0xb8: {  	s23 =	sadd.s32 $0x10, s23;
	p0 =	sne.s32 s22, $0x5;
	v2 =	vadd.s32 $0x1, v2;
	[tilespmem:s24+$0x0] =	vst v3  }
.Ltmp5:
0xb9: {  	[tilespmem:s23+$0x0] =	vst v2;
	(pc) =	sbr.rel @p0 .LBB2_10-.Ltmp5, $4  }
0xba: {  	[spmem:s2] =	stream.indirect.scatter [tilespmem:s18], [sflag:$0x1], $0x1, s17, s16, $0xb8;
	[tilespmem:$0xFA00] =	vst v63  }
0xbb: {  	_ =	swait.ge [sflag:s13], $0x2710  }
0xbc: {  	[sflag:s13] =	ssyncset.done $0x0  }
0xbd: {  	[sflag:s13] =	ssyncadd.s32 $0xFFFFD8F0  }
0xbe: {  	s20 =	sadd.s32 $0x2, s20  }
0xbf: {  	[bflag:$0x0] =	sbarrier.arrive $0xFFFF;
	s21 =	simm.s32 $0x0;
	v1 =	vmov s20;
	s20 =	simm.s32 $0x0  }
.LBB2_14:
0xc0: {  	s22 =	smul.u32 $0x2710, s21;
	_ =	sdelay $0x1  }
0xc1: {  	s22 =	sadd.s32 s9, s22  }
0xc2: {  	s22 =	sshrl.u32 s22, $0x3  }
0xc3: {  	s23 =	sadd.s32 s4, s22  }
0xc4: {  	[tilespmem:s20], [sflag:$0x1] =	stream.linear.gather [hbm4b:s23+s20], $0x2710, $0x38;
	[tilespmem:$0xFA00] =	vst v63  }
0xc5: {  	_ =	swait.ge [sflag:s13], $0x2710  }
0xc6: {  	[sflag:s13] =	ssyncset.done $0x0  }
0xc7: {  	s22 =	sadd.s32 s5, s22;
	[sflag:s13] =	ssyncadd.s32 $0xFFFFD8F0  }
0xc8: {  	[tilespmem:s15], [sflag:$0x1] =	stream.linear.gather [hbm4b:s22+s20], $0x2710, $0x38;
	[tilespmem:$0xFA00] =	vst v63  }
0xc9: {  	_ =	swait.ge [sflag:s13], $0x2710  }
0xca: {  	[sflag:s13] =	ssyncset.done $0x0  }
0xcb: {  	s26 =	simm.s32 $0x7680;
	[sflag:s13] =	ssyncadd.s32 $0xFFFFD8F0  }
0xcc: {  	[tilespmem:s26], [sflag:$0x1] =	stream.indirect.gather [spmem:s2], $0x1, s15, s16, $0xb8;
	[tilespmem:$0xFA00] =	vst v63  }
0xcd: {  	_ =	swait.ge [sflag:s13], $0x2710  }
0xce: {  	[sflag:s13] =	ssyncset.done $0x0  }
0xcf: {  	s30 =	simm.s32 $0x9E00;
	[sflag:s13] =	ssyncadd.s32 $0xFFFFD8F0  }
0xd0: {  	[tilespmem:s30], [sflag:$0x1] =	stream.indirect.gather [spmem:s2], $0x1, s20, s16, $0xb8;
	[tilespmem:$0xFA00] =	vst v63  }
0xd1: {  	_ =	swait.ge [sflag:s13], $0x2710  }
0xd2: {  	[sflag:s13] =	ssyncset.done $0x0  }
0xd3: {  	[sflag:s13] =	ssyncadd.s32 $0xFFFFD8F0  }
0xd4: {  	v2 =	vld [tilespmem:s26+$0x0]  }
0xd5: {  	v3 =	vld [tilespmem:s30+$0x0];
	_ =	sdelay $0x1  }
0xd6: {  	v4 =	vld [tilespmem:s20+$0x0];
	_ =	sdelay $0x1  }
0xd7: {  	s31 =	sand.u32 $0x3F0, s20  }
0xd8: {  	s22 =	sadd.s32 $0xC380, s31;
	vm0 =	veq.s32 v2, v1;
	vm1 =	veq.s32 v3, $0x40000000  }
0xd9: {  	v3 =	vor.u32 s22, v0;
	vm0 =	vmand vm0, vm1  }
0xda: {  	s23 =	simm.s32 $0x4F00;
	v3 =	vsel vm0, v4, v3  }
0xdb: {  	s22 =	simm.s32 $0xC580;
	v2 =	vadd.s32 $0x1, v2;
	[tilespmem:s23+$0x0] =	vst v3  }
0xdc: {  	s24 =	simm.s32 $0x7690;
	[tilespmem:s22+$0x0] =	vst v2  }
0xdd: {  	s26 =	simm.s32 $0x9E10;
	v2 =	vld [tilespmem:s24+$0x0]  }
0xde: {  	v3 =	vld [tilespmem:s26+$0x0]  }
0xdf: {  	s25 =	simm.s32 $0x10;
	s28 =	simm.s32 $0x20;
	s29 =	simm.s32 $0x10  }
.LBB2_15:
0xe0: {  	p0 =	sne.s32 s28, $0x2700;
	v4 =	vld [tilespmem:s25+$0x0];
	_ =	sdelay $0x1  }
0xe1: {  	s30 =	sand.u32 $0x3F0, s29;
	s29 =	smov.u32 s28;
	v5 =	vadd.s32 $0x1, v2  }
0xe2: {  	s30 =	sadd.s32 $0xC380, s30;
	vm0 =	veq.s32 v2, v1;
	vm1 =	veq.s32 v3, $0x40000000  }
0xe3: {  	v2 =	vor.u32 s30, v0;
	vm0 =	vmand vm0, vm1  }
0xe4: {  	s23 =	sadd.s32 $0x10, s23;
	v2 =	vsel vm0, v4, v2  }
.Ltmp6:
0xe5: {  	s22 =	sadd.s32 $0x10, s22;
	[tilespmem:s23+$0x0] =	vst v2;
	(pc) =	sbr.rel @p0 .LBB2_15-.Ltmp6, $4  }
0xe6: {  	s24 =	sadd.s32 $0x10, s24;
	[tilespmem:s22+$0x0] =	vst v5  }
0xe7: {  	s26 =	sadd.s32 $0x10, s26;
	v2 =	vld [tilespmem:s24+$0x0]  }
0xe8: {  	v3 =	vld [tilespmem:s26+$0x0]  }
0xe9: {  	s28 =	sadd.s32 $0x10, s28;
	s25 =	sadd.s32 $0x10, s25  }
0xea: {  	v4 =	vld [tilespmem:s25+$0x0];
	_ =	sdelay $0x1  }
0xeb: {  	s24 =	sand.u32 $0x3F0, s29  }
0xec: {  	s24 =	sadd.s32 $0xC380, s24;
	vm0 =	veq.s32 v2, v1;
	vm1 =	veq.s32 v3, $0x40000000  }
0xed: {  	v3 =	vor.u32 s24, v0;
	vm0 =	vmand vm0, vm1  }
0xee: {  	s23 =	sadd.s32 $0x10, s23;
	s21 =	sadd.s32 $0x1, s21;
	v3 =	vsel vm0, v4, v3  }
0xef: {  	s22 =	sadd.s32 $0x10, s22;
	p0 =	sne.s32 s21, $0x5;
	v2 =	vadd.s32 $0x1, v2;
	[tilespmem:s23+$0x0] =	vst v3  }
.Ltmp7:
0xf0: {  	[tilespmem:s22+$0x0] =	vst v2;
	(pc) =	sbr.rel @p0 .LBB2_14-.Ltmp7, $4  }
0xf1: {  	[spmem:s2] =	stream.indirect.scatter [tilespmem:s18], [sflag:$0x1], $0x1, s17, s16, $0xb8;
	[tilespmem:$0xFA00] =	vst v63  }
0xf2: {  	_ =	swait.ge [sflag:s13], $0x2710  }
0xf3: {  	[sflag:s13] =	ssyncset.done $0x0  }
0xf4: {  	[sflag:s13] =	ssyncadd.s32 $0xFFFFD8F0  }
0xf5: {  	s19 =	sadd.s32 $0x1, s19  }
0xf6: {  	p0 =	sne.s32 s19, s11  }
.Ltmp8:
0xf7: {  	[bflag:$0x0] =	sbarrier.arrive $0xFFFF;
	(pc) =	sbr.rel @p0 .LBB2_1-.Ltmp8, $4  }
0xf8: {  	[hbm:s10], [sflag:s8] =	dma.local [spmem:s12], $0x190  }
0xf9: {  	_ =	swait.ge [sflag:s13], $0x190  }
0xfa: {  	[sflag:s13] =	ssyncset.done $0x0  }
0xfb: {  	[sflag:s13] =	ssyncadd.s32 $0xFFFFFE70  }
0xfc: {  	_ =	sfence.sel $0x180000  }
0xfd: {  	[bflag:$0x0] =	sbarrier.arrive $0xFFFF  }
0xfe: {  	p0 =	sne.s32 s1, $0x0;
	_ =	strace $0x9000004D  }
0xff: {  	s0 =	sadd.s32 @!p0 $0x100000, s0;
	[bflag:$0x2] =	sbarrier.arrive $0xFFFF  }
0x100: {  	[sflag:s0] =	ssyncadd.tile.s32 @!p0 $0x1;
	_ =	shalt  }
.Lfunc_end2:
_tile_overlayer_lowered:
.L_overlay_start_2:
0x101: {  	(tag) =	ssettag $0x2  }
0x102: {  	s0 =	rddreg [dreg:$0x0];
	s2 =	stileid.u32  }
0x103: {  	s1 =	rddreg [dreg:$0x1];
	p0 =	sne.s32 s2, $0x0  }
0x104: {  	s3 =	rddreg [dreg:$0x2];
	[bflag:$0x3] =	sbarrier.arrive $0xFFFF;
	s2 =	simm.s32 @!p0 $0x1C01  }
0x105: {  	[timem:s3], [sflag:s2] =	dma.local @!p0 [hbm:s0], s1  }
0x106: {  	s0 =	simm.s32 @!p0 $0x1  }
0x107: {  	_ =	swait.ge @!p0 [sflag:s0], s1  }
0x108: {  	s1 =	ssub.s32 @!p0 $0x0, s1;
	[sflag:s0] =	ssyncset.done @!p0 $0x0  }
0x109: {  	[sflag:s0] =	ssyncadd.s32 @!p0 s1  }
0x10a: {  	[bflag:$0x3] =	sbarrier.arrive $0xFFFF  }
0x10b: {  	_ =	shalt  }

// kernel: kernel.5.cloned.1.call-start
scs
__scs_entry_jumppad:
0x0: {  	(pc) =	sbr.rel $0x88, $3  }
0x1: {  	(tag) =	ssettag $0x0;
	lr =	simm.s32 $0x1  }
0x2: {  	[smem:$0x3F97] =	sst lr;
	_ =	strace $0xD0000000  }
0x3: {  	_ = 	snop  }
0x4: {  	_ = 	snop  }
0x5: {  	_ = 	snop  }
0x6: {  	_ = 	snop  }
0x7: {  	_ = 	snop  }
__scs_overlays_trampoline_lowered:
0x8: {  	[smem:$0x3FA6] =	sst s0  }
0x9: {  	[smem:$0x3FA7] =	sst s1  }
0xa: {  	[smem:$0x3FA8] =	sst s2  }
0xb: {  	[smem:$0x3FA9] =	sst s3  }
0xc: {  	[smem:$0x3FAA] =	sst s4  }
0xd: {  	[smem:$0x3FAB] =	sst s5  }
0xe: {  	[smem:$0x3FAC] =	sst s6  }
0xf: {  	[smem:$0x3FAD] =	sst s7  }
0x10: {  	[smem:$0x3FAE] =	sst s8  }
0x11: {  	[smem:$0x3FAF] =	sst s9;
	s0 =	simm.s32 @!p0 $0x0  }
0x12: {  	s1 =	sld [smem:$0x3F95];
	s0 =	simm.s32 @p0 $0x1  }
0x13: {  	[smem:$0x3FB0] =	sst s0;
	s0 =	simm.s32 @!p1 $0x0  }
0x14: {  	s2 =	sld [smem:$0x3F94];
	s0 =	simm.s32 @p1 $0x1  }
0x15: {  	[smem:$0x3FB1] =	sst s0;
	s0 =	simm.s32 @!p2 $0x0  }
0x16: {  	s3 =	sld [smem:$0x3FDB];
	s0 =	simm.s32 @p2 $0x1  }
0x17: {  	s4 =	simm.s32 $0x1BF5;
	[smem:$0x3FB3] =	sst s0  }
0x18: {  	s0 =	sld [smem:$0x3F96];
	_ =	swait.ge [sflag:s4], $0x0  }
0x19: {  	s7 =	sld [smem:$0x3F97]  }
0x1a: {  	s8 =	sadd.s32 $0xFFFFE003, lr  }
0x1b: {  	s9 =	sadd.s32 $0xFFFFFEF7, lr;
	s5 =	simm.s32 $0xFFFFFFFF;
	p2 =	slt.u32 s8, $0xFFFFF086  }
0x1c: {  	p1 =	slt.u32 s9, $0xF7A;
	s5 =	simm.s32 @!p2 $0x0  }
0x1d: {  	s5 =	simm.s32 @p1 $0x1;
	p0 =	seq.s32 s7, s2  }
0x1e: {  	s7 =	smul.u32 @!p0 $0xF7A, s2;
	p2 =	seq.s32 @!p0 s5, $0x0  }
0x1f: {  	s9 =	smul.u32 $0xF7A, s1;
	s8 =	simm.s32 @!p0 $0x1BF5;
	p2 =	por !p2, p0  }
0x20: {  	[sflag:s8] =	ssyncset.s32 @!p0 $0xFFFFF086;
	s6 =	sadd.s32 @!p0 s3, s7;
	s7 =	simm.s32 @!p0 $0x108  }
0x21: {  	s3 =	sadd.s32 s3, s9;
	s6 =	sadd.s32 @!p0 $0x88, s6;
	s7 =	simm.s32 @p2 $0x1082  }
0x22: {  	[simem:s7], [sflag:s8] =	dma.local @!p0 [hbm:s6], $0xF7A  }
0x23: {  	s9 =	sor.u32 $0xD0000000, s2;
	s6 =	simm.s32 $0x108;
	_ =	swait.ge @!p0 [sflag:s8], $0x0  }
0x24: {  	s3 =	sadd.s32 $0x88, s3;
	s6 =	simm.s32 @!p1 $0x1082;
	[sflag:s4] =	ssyncset.s32 $0xFFFFF086  }
0x25: {  	[simem:s6], [sflag:s4] =	dma.local [hbm:s3], $0xF7A  }
0x26: {  	[smem:$0x3F97] =	sst s1;
	(tag) =	ssettag s2;
	_ =	strace s9  }
0x27: {  	s1 =	sld [smem:$0x3FA7]  }
0x28: {  	s2 =	sld [smem:$0x3FA8]  }
0x29: {  	s4 =	sld [smem:$0x3FAA]  }
0x2a: {  	p0 =	seq.s32 s5, $0x0;
	s5 =	sld [smem:$0x3FAB]  }
0x2b: {  	s6 =	sld [smem:$0x3FAC]  }
0x2c: {  	s7 =	sld [smem:$0x3FAD]  }
0x2d: {  	s3 =	simm.s32 $0x108;
	s8 =	sld [smem:$0x3FAE]  }
0x2e: {  	s3 =	simm.s32 @!p0 $0x1082;
	s9 =	sld [smem:$0x3FAF]  }
0x2f: {  	lr =	sadd.s32 s0, s3;
	s0 =	sld [smem:$0x3FA6]  }
0x30: {  	s3 =	sld [smem:$0x3FA9]  }
0x31: {  	[smem:$0x3FB2] =	sst s10  }
0x32: {  	s10 =	sld [smem:$0x3FB0];
	_ =	sdelay $0x3  }
0x33: {  	p0 =	seq.s32 s10, $0x1;
	s10 =	sld [smem:$0x3FB2];
	_ =	sdelay $0x3  }
0x34: {  	[smem:$0x3FB2] =	sst s10  }
0x35: {  	s10 =	sld [smem:$0x3FB1];
	_ =	sdelay $0x3  }
0x36: {  	p1 =	seq.s32 s10, $0x1;
	s10 =	sld [smem:$0x3FB2];
	_ =	sdelay $0x3  }
0x37: {  	[smem:$0x3FB2] =	sst s10  }
0x38: {  	s10 =	sld [smem:$0x3FB3]  }
0x39: {  	_ = 	snop;
	(pc) =	sbr.ind lr, $3  }
0x3a: {  	_ = 	snop  }
0x3b: {  	_ = 	snop  }
0x3c: {  	p2 =	seq.s32 s10, $0x1;
	s10 =	sld [smem:$0x3FB2]  }
0x3d: {  	_ =	shalt  }
0x3e: {  	_ =	shalt  }
0x3f: {  	_ =	shalt  }
0x40: {  	_ =	shalt  }
0x41: {  	_ =	shalt  }
0x42: {  	_ =	shalt  }
0x43: {  	_ =	shalt  }
0x44: {  	_ =	shalt  }
0x45: {  	_ =	shalt  }
0x46: {  	_ =	shalt  }
0x47: {  	_ =	shalt  }
0x48: {  	_ =	shalt  }
0x49: {  	_ =	shalt  }
0x4a: {  	_ =	shalt  }
0x4b: {  	_ =	shalt  }
0x4c: {  	_ =	shalt  }
0x4d: {  	_ =	shalt  }
0x4e: {  	_ =	shalt  }
0x4f: {  	_ =	shalt  }
0x50: {  	_ =	shalt  }
0x51: {  	_ =	shalt  }
0x52: {  	_ =	shalt  }
0x53: {  	_ =	shalt  }
0x54: {  	_ =	shalt  }
0x55: {  	_ =	shalt  }
0x56: {  	_ =	shalt  }
0x57: {  	_ =	shalt  }
0x58: {  	_ =	shalt  }
0x59: {  	_ =	shalt  }
0x5a: {  	_ =	shalt  }
0x5b: {  	_ =	shalt  }
0x5c: {  	_ =	shalt  }
0x5d: {  	_ =	shalt  }
0x5e: {  	_ =	shalt  }
0x5f: {  	_ =	shalt  }
0x60: {  	_ =	shalt  }
0x61: {  	_ =	shalt  }
0x62: {  	_ =	shalt  }
0x63: {  	_ =	shalt  }
0x64: {  	_ =	shalt  }
0x65: {  	_ =	shalt  }
0x66: {  	_ =	shalt  }
0x67: {  	_ =	shalt  }
0x68: {  	_ =	shalt  }
0x69: {  	_ =	shalt  }
0x6a: {  	_ =	shalt  }
0x6b: {  	_ =	shalt  }
0x6c: {  	_ =	shalt  }
0x6d: {  	_ =	shalt  }
0x6e: {  	_ =	shalt  }
0x6f: {  	_ =	shalt  }
0x70: {  	_ =	shalt  }
0x71: {  	_ =	shalt  }
0x72: {  	_ =	shalt  }
0x73: {  	_ =	shalt  }
0x74: {  	_ =	shalt  }
0x75: {  	_ =	shalt  }
0x76: {  	_ =	shalt  }
0x77: {  	_ =	shalt  }
0x78: {  	_ =	shalt  }
0x79: {  	_ =	shalt  }
0x7a: {  	_ =	shalt  }
0x7b: {  	_ =	shalt  }
0x7c: {  	_ =	shalt  }
0x7d: {  	_ =	shalt  }
0x7e: {  	_ =	shalt  }
0x7f: {  	_ =	shalt  }
0x80: {  	_ =	shalt  }
0x81: {  	_ =	shalt  }
0x82: {  	_ =	shalt  }
0x83: {  	_ =	shalt  }
0x84: {  	_ =	shalt  }
0x85: {  	_ =	shalt  }
0x86: {  	_ =	shalt  }
0x87: {  	_ =	shalt  }
.Lfunc_end0:
.L_simem_size_0:
called_computation.2_lowered:
.L_overlay_start_0:
0x88: {  	s2 =	sld [smem:$0x3FD9]  }
0x89: {  	s3 =	sld [smem:$0x3FFE];
	_ =	sdelay $0x1  }
0x8a: {  	s1 =	srdreg.scid  }
0x8b: {  	s0 =	sand.u32 $0x1, s1  }
0x8c: {  	s16 =	sshll.u32 s0, $0xA;
	s2 =	sadd.s32 s3, s2  }
0x8d: {  	s2 =	sadd.s32 s2, s16  }
0x8e: {  	[smem:$0x3FBE] =	sst s2  }
0x8f: {  	_ = 	snop  }
0x90: {  	(tm) =	ssettm $0x1  }
0x91: {  	s17 =	sld [smem:$0x3FFB];
	_ =	sdelay $0x3  }
0x92: {  	_ =	strace s17  }
0x93: {  	s2 =	sld [smem:$0x3FFC];
	_ =	sdelay $0x3  }
0x94: {  	_ =	strace s2  }
0x95: {  	s2 =	sld [smem:$0x3FFD];
	_ =	sdelay $0x3  }
0x96: {  	_ =	strace s2  }
0x97: {  	_ =	strace $0x8FFFFFFF  }
0x98: {  	s18 =	sld [smem:$0x3FDB];
	_ =	sdelay $0x1  }
0x99: {  	s19 =	simm.s32 $_scs_section_size  }
0x9a: {  	s4 =	simm.s32 $_size__tile_overlayer_lowered;
	s5 =	simm.s32 $_tile_overlayer_lowered  }
0x9b: {  	s22 =	simm.s32 $0x1BFF;
	s21 =	sshll.u32 s5, $0x1;
	s2 =	sadd.s32 s19, s18  }
0x9c: {  	s6 =	simm.s32 $0x0;
	s20 =	sshll.u32 s4, $0x1;
	s4 =	sadd.s32 s21, s2  }
0x9d: {  	[timem:s6], [sflag:s22] =	dma.local [hbm:s4], s20  }
0x9e: {  	_ =	swait.ge [sflag:s22], s20  }
0x9f: {  	s3 =	ssub.s32 $0x0, s20;
	[sflag:s22] =	ssyncset.done $0x0  }
0xa0: {  	[sflag:s22] =	ssyncadd.s32 s3;
	_ =	sdelay $0x1  }
0xa1: {  	s23 =	simm.s32 $0x1B8B  }
0xa2: {  	_ =	swait.ge [sflag:s23], $0x1  }
0xa3: {  	[sflag:s23] =	ssyncset.done $0x0  }
0xa4: {  	s25 =	simm.s32 $0x1B8E;
	s24 =	sld [smem:$0x3FFE];
	[sflag:s23] =	ssyncadd.s32 $0xFFFFFFFF  }
0xa5: {  	s26 =	simm.s32 $execute0_lowered;
	[smem:$0x3FD2] =	sst s25  }
0xa6: {  	s4 =	sshll.u32 s26, $0x1;
	_ =	strace $0x80000046;
	[dreg:$0x1] =	wrdreg $0xFFFFFFFF  }
0xa7: {  	s28 =	simm.s32 $_size_execute0_lowered;
	s2 =	sadd.s32 s2, s4;
	[dreg:$0x0] =	wrdreg $0x0  }
0xa8: {  	s4 =	sshll.u32 s28, $0x1;
	[dreg:$0x2] =	wrdreg s2  }
0xa9: {  	[dreg:$0x3] =	wrdreg s4  }
0xaa: {  	[dreg:$0x4] =	wrdreg $0xC0  }
0xab: {  	_ =	task [dreg:s6], $0x5FFFF  }
0xac: {  	[dreg:$0x1] =	wrdreg $0xFFFFFFFF  }
0xad: {  	[dreg:$0x0] =	wrdreg $0x60  }
0xae: {  	[dreg:$0x2] =	wrdreg s24  }
0xaf: {  	[dreg:$0x3] =	wrdreg $0x189000  }
0xb0: {  	[dreg:$0x4] =	wrdreg $0x1A2000  }
0xb1: {  	[dreg:$0x5] =	wrdreg $0x1AE800  }
0xb2: {  	[dreg:$0x6] =	wrdreg $0x195800  }
0xb3: {  	[dreg:$0x7] =	wrdreg $0x9  }
0xb4: {  	_ =	task.clear_ibuf [dreg:s6], $0x8FFFF;
	_ =	strace $0x90000046  }
0xb5: {  	s29 =	simm.s32 $0x9;
	_ =	strace $0x80000048  }
0xb6: {  	_ =	swait.ge [sflag:s29], $0x1  }
0xb7: {  	[sflag:s29] =	ssyncadd.s32 $0xFFFFFFFF  }
0xb8: {  	_ =	strace $0x90000048  }
0xb9: {  	_ =	sfence  }
0xba: {  	s30 =	sld [smem:$0x0];
	_ =	sdelay $0x2  }
0xbb: {  	s31 =	sshll.u32 s1, $0xD;
	s1 =	sshrl.u32 s1, $0x2  }
0xbc: {  	s3 =	sand.u32 $0x4000, s31;
	s1 =	sadd.s32 s1, s30  }
0xbd: {  	s0 =	sor.u32 s3, s0;
	s1 =	sshll.u32 s1, $0x11  }
0xbe: {  	s0 =	sor.u32 s1, s0  }
0xbf: {  	s0 =	sadd.s32 $0x8F2B, s0  }
0xc0: {  	[sflag:s0] =	ssyncadd.remote.s32 $0x1  }
0xc1: {  	_ =	sfence.sel $0xFFFF  }
0xc2: {  	[dreg:$0x0] =	wrdreg $0xFFFFFFFF;
	(pc) =	sbr.abs _section_cstart, $3  }
0xc3: {  	[dreg:$0x1] =	wrdreg $0xFFFFFFFF  }
0xc4: {  	_ =	task.clear_ibuf [dreg:s6], $0x2FFFF;
	_ =	strace $0x9FFFFFFF  }
0xc5: {  	(tm) =	ssettm $0x7FFFFFFF  }
tec
execute0_lowered:
.L_overlay_start_1:
0x0: {  	(tag) =	ssettag $0x1  }
0x1: {  	s0 =	rddreg [dreg:$0x0]  }
0x2: {  	s1 =	rddreg [dreg:$0x1]  }
0x3: {  	s2 =	rddreg [dreg:$0x2]  }
0x4: {  	s3 =	rddreg [dreg:$0x3]  }
0x5: {  	s4 =	rddreg [dreg:$0x4]  }
0x6: {  	s6 =	simm.s32 $0x0;
	s17 =	stileid.u32;
	s5 =	srdreg.scid  }
0x7: {  	s29 =	simm.s32 $0x1;
	s30 =	simm.s32 $0x11480;
	[smem:$0x7FF] =	sst s6  }
0x8: {  	s7 =	sadd.s32 $0x1A200, s0;
	s13 =	smul.u32 $0xC80, s17;
	s5 =	sand.u32 $0x1, s5  }
0x9: {  	s8 =	sadd.s32 $0x1A00, s0;
	s9 =	sadd.s32 $0x34400, s0;
	s10 =	smul.u32 $0xC350, s17  }
0xa: {  	s17 =	sshll.u32 s17, $0x6;
	_ =	strace $0x80000047;
	s26 =	sadd.s32 s13, s2  }
0xb: {  	s15 =	sadd.s32 s13, s0;
	s28 =	sadd.s32 s13, s3;
	[dreg:$0x10] =	wrdreg s26  }
0xc: {  	s12 =	smul.u32 $0xC3500, s5;
	s18 =	sadd.s32 $0x4CC00, s15;
	[dreg:$0x11] =	wrdreg s28  }
0xd: {  	s5 =	ssub.s32 $0x2, s5;
	s19 =	sadd.s32 $0x4CC10, s15;
	[dreg:$0x8] =	wrdreg s18  }
0xe: {  	s11 =	sshrl.u32 s13, $0x3;
	s20 =	sadd.s32 $0x4CC20, s15;
	[dreg:$0x9] =	wrdreg s19  }
0xf: {  	s16 =	sshrl.u32 s5, $0x1;
	s21 =	sadd.s32 $0x4CC30, s15;
	[dreg:$0xa] =	wrdreg s20  }
0x10: {  	s14 =	sadd.s32 s11, s0;
	s22 =	sadd.s32 $0x4CC40, s15;
	[dreg:$0xb] =	wrdreg s21  }
0x11: {  	s11 =	sadd.s32 $0x59400, s0;
	s23 =	sadd.s32 $0x4CC50, s15;
	[dreg:$0xc] =	wrdreg s22  }
0x12: {  	s5 =	ssub.s32 s5, s16;
	s24 =	sadd.s32 $0x4CC60, s15;
	[dreg:$0xd] =	wrdreg s23  }
0x13: {  	s12 =	sadd.s32 s10, s12;
	s25 =	sadd.s32 $0x4CC70, s15;
	[dreg:$0xe] =	wrdreg s24  }
0x14: {  	s16 =	sadd.s32 s13, s1;
	s13 =	sadd.s32 s13, s4;
	[dreg:$0xf] =	wrdreg s25  }
0x15: {  	s15 =	simm.s32 $0x4F00;
	s14 =	sadd.s32 $0x32A00, s14;
	[dreg:$0x12] =	wrdreg s13  }
0x16: {  	s0 =	smax.u32 s5, $0x1;
	s31 =	sshrl.u32 s16, $0x3;
	s20 =	simm.s32 $0x80  }
0x17: {  	s21 =	simm.s32 $0x400;
	s22 =	simm.s32 $0x17000;
	[dreg:$0x6] =	wrdreg s14  }
0x18: {  	s13 =	simm.s32 $0x2710;
	s16 =	simm.s32 $0x2780;
	[dreg:$0x13] =	wrdreg s0  }
0x19: {  	s5 =	simm.s32 $0x0;
	s14 =	sor.u32 $0x1C01, s17;
	[dreg:$0x14] =	wrdreg s31  }
0x1a: {  	v0 =	vimm.f32 $0.0e+00;
	v1 =	vlaneseq.u32;
	s17 =	simm.s32 $0xED00;
	[dreg:$0x7] =	wrdreg s14;
	s14 =	simm.s32 $0xC580  }
.LBB2_1:
0x1b: {  	[dreg:$0x15] =	wrdreg s5  }
0x1c: {  	s0 =	rddreg [dreg:$0x6]  }
0x1d: {  	s31 =	rddreg [dreg:$0x7]  }
0x1e: {  	s18 =	rddreg [dreg:$0x14]  }
0x1f: {  	[spmem:s18], [sflag:s31] =	dma.local [hbm:s0], $0x190  }
0x20: {  	_ =	swait.ge [sflag:s29], $0x190  }
0x21: {  	[sflag:s29] =	ssyncset.done $0x0  }
0x22: {  	s5 =	simm.s32 $0x0;
	s0 =	simm.s32 $0x40;
	[sflag:s29] =	ssyncadd.s32 $0xFFFFFE70  }
.LBB2_2:
0x23: {  	p0 =	sne.s32 s0, $0x31C0;
	[tilespmem:s5+$0x16380] =	vst v0;
	s5 =	smov.u32 s0;
	s0 =	sadd.s32 $0x40, s0  }
.Ltmp0:
0x24: {  	(pc) =	sbr.rel @p0 .LBB2_2-.Ltmp0, $2  }
0x25: {  	_ =	sdelay $0x2  }
0x26: {  	s5 =	sshra.s32 s5, $0x2  }
0x27: {  	[tilespmem:s5+$0x16380] =	vst v0;
	s0 =	rddreg [dreg:$0x10];
	s28 =	simm.s32 $0x16380  }
0x28: {  	[spmem:s0] =	stream.linear.scatter [tilespmem:s28], [sflag:$0x1], $0xC80, $0x38;
	[tilespmem:$0x1BB00] =	vst v63  }
0x29: {  	_ =	swait.ge [sflag:s29], $0xC80  }
0x2a: {  	[sflag:s29] =	ssyncset.done $0x0  }
0x2b: {  	s31 =	rddreg [dreg:$0x11];
	[sflag:s29] =	ssyncadd.s32 $0xFFFFF380  }
0x2c: {  	[spmem:s31] =	stream.linear.scatter [tilespmem:s28], [sflag:$0x1], $0xC80, $0x38;
	[tilespmem:$0x1BB00] =	vst v63  }
0x2d: {  	_ =	swait.ge [sflag:s29], $0xC80  }
0x2e: {  	[sflag:s29] =	ssyncset.done $0x0  }
0x2f: {  	s5 =	simm.s32 $0x0;
	s0 =	simm.s32 $0x40;
	[sflag:s29] =	ssyncadd.s32 $0xFFFFF380  }
.LBB2_4:
0x30: {  	p0 =	sne.s32 s0, $0x31C0;
	[tilespmem:s5+$0x17C80] =	vst v0;
	s5 =	smov.u32 s0;
	s0 =	sadd.s32 $0x40, s0  }
.Ltmp1:
0x31: {  	(pc) =	sbr.rel @p0 .LBB2_4-.Ltmp1, $2  }
0x32: {  	_ =	sdelay $0x2  }
0x33: {  	s5 =	sshra.s32 s5, $0x2  }
0x34: {  	[tilespmem:s5+$0x17C80] =	vst v0;
	s0 =	rddreg [dreg:$0x8]  }
0x35: {  	[tilespmem:s22], [sflag:$0x1] =	stream.strided.gather [hbm4b:s0+s20], $0xC80, s21, s20, $0x38;
	[tilespmem:$0x1BB00] =	vst v63  }
0x36: {  	_ =	swait.ge [sflag:s29], $0xC80  }
0x37: {  	[sflag:s29] =	ssyncset.done $0x0  }
0x38: {  	s0 =	simm.s32 $0x0;
	[sflag:s29] =	ssyncadd.s32 $0xFFFFF380  }
0x39: {  	s5 =	simm.s32 $0x40;
	v2 =	vld [tilespmem:s0+$0x17000]  }
.LBB2_6:
0x3a: {  	p0 =	sne.s32 s5, $0x31C0;
	v3 =	vld [tilespmem:s0+$0x17C80];
	_ =	sdelay $0x2  }
.Ltmp2:
0x3b: {  	(pc) =	sbr.rel @p0 .LBB2_6-.Ltmp2, $4  }
0x3c: {  	_ = 	snop  }
0x3d: {  	v3 =	vadd.f32 v2, v3  }
0x3e: {  	s19 =	sshra.s32 s5, $0x2  }
0x3f: {  	s5 =	sadd.s32 $0x40, s5;
	v2 =	vld [tilespmem:s19+$0x17000];
	[tilespmem:s0+$0x17C80] =	vst v3;
	s0 =	smov.u32 s19  }
0x40: {  	v3 =	vld [tilespmem:s0+$0x17C80];
	_ =	sdelay $0x4  }
0x41: {  	v2 =	vadd.f32 v2, v3;
	_ =	sdelay $0x1  }
0x42: {  	s31 =	rddreg [dreg:$0x9];
	[tilespmem:s0+$0x17C80] =	vst v2  }
0x43: {  	[tilespmem:s22], [sflag:$0x1] =	stream.strided.gather [hbm4b:s31+s20], $0xC80, s21, s20, $0x38;
	[tilespmem:$0x1BB00] =	vst v63  }
0x44: {  	_ =	swait.ge [sflag:s29], $0xC80  }
0x45: {  	[sflag:s29] =	ssyncset.done $0x0  }
0x46: {  	s0 =	simm.s32 $0x0;
	[sflag:s29] =	ssyncadd.s32 $0xFFFFF380  }
0x47: {  	s5 =	simm.s32 $0x40;
	v2 =	vld [tilespmem:s0+$0x17000]  }
.LBB2_8:
0x48: {  	p0 =	sne.s32 s5, $0x31C0;
	v3 =	vld [tilespmem:s0+$0x17C80];
	_ =	sdelay $0x2  }
.Ltmp3:
0x49: {  	(pc) =	sbr.rel @p0 .LBB2_8-.Ltmp3, $4  }
0x4a: {  	_ = 	snop  }
0x4b: {  	v3 =	vadd.f32 v2, v3  }
0x4c: {  	s19 =	sshra.s32 s5, $0x2  }
0x4d: {  	s5 =	sadd.s32 $0x40, s5;
	v2 =	vld [tilespmem:s19+$0x17000];
	[tilespmem:s0+$0x17C80] =	vst v3;
	s0 =	smov.u32 s19  }
0x4e: {  	v3 =	vld [tilespmem:s0+$0x17C80];
	_ =	sdelay $0x4  }
0x4f: {  	v2 =	vadd.f32 v2, v3;
	_ =	sdelay $0x1  }
0x50: {  	s31 =	rddreg [dreg:$0xa];
	[tilespmem:s0+$0x17C80] =	vst v2  }
0x51: {  	[tilespmem:s22], [sflag:$0x1] =	stream.strided.gather [hbm4b:s31+s20], $0xC80, s21, s20, $0x38;
	[tilespmem:$0x1BB00] =	vst v63  }
0x52: {  	_ =	swait.ge [sflag:s29], $0xC80  }
0x53: {  	[sflag:s29] =	ssyncset.done $0x0  }
0x54: {  	s0 =	simm.s32 $0x0;
	[sflag:s29] =	ssyncadd.s32 $0xFFFFF380  }
0x55: {  	s5 =	simm.s32 $0x40;
	v2 =	vld [tilespmem:s0+$0x17000]  }
.LBB2_10:
0x56: {  	p0 =	sne.s32 s5, $0x31C0;
	v3 =	vld [tilespmem:s0+$0x17C80];
	_ =	sdelay $0x2  }
.Ltmp4:
0x57: {  	(pc) =	sbr.rel @p0 .LBB2_10-.Ltmp4, $4  }
0x58: {  	_ = 	snop  }
0x59: {  	v3 =	vadd.f32 v2, v3  }
0x5a: {  	s19 =	sshra.s32 s5, $0x2  }
0x5b: {  	s5 =	sadd.s32 $0x40, s5;
	v2 =	vld [tilespmem:s19+$0x17000];
	[tilespmem:s0+$0x17C80] =	vst v3;
	s0 =	smov.u32 s19  }
0x5c: {  	v3 =	vld [tilespmem:s0+$0x17C80];
	_ =	sdelay $0x4  }
0x5d: {  	v2 =	vadd.f32 v2, v3;
	_ =	sdelay $0x1  }
0x5e: {  	s31 =	rddreg [dreg:$0xb];
	[tilespmem:s0+$0x17C80] =	vst v2  }
0x5f: {  	[tilespmem:s22], [sflag:$0x1] =	stream.strided.gather [hbm4b:s31+s20], $0xC80, s21, s20, $0x38;
	[tilespmem:$0x1BB00] =	vst v63  }
0x60: {  	_ =	swait.ge [sflag:s29], $0xC80  }
0x61: {  	[sflag:s29] =	ssyncset.done $0x0  }
0x62: {  	s0 =	simm.s32 $0x0;
	[sflag:s29] =	ssyncadd.s32 $0xFFFFF380  }
0x63: {  	s5 =	simm.s32 $0x40;
	v2 =	vld [tilespmem:s0+$0x17000]  }
.LBB2_12:
0x64: {  	p0 =	sne.s32 s5, $0x31C0;
	v3 =	vld [tilespmem:s0+$0x17C80];
	_ =	sdelay $0x2  }
.Ltmp5:
0x65: {  	(pc) =	sbr.rel @p0 .LBB2_12-.Ltmp5, $4  }
0x66: {  	_ = 	snop  }
0x67: {  	v3 =	vadd.f32 v2, v3  }
0x68: {  	s19 =	sshra.s32 s5, $0x2  }
0x69: {  	s5 =	sadd.s32 $0x40, s5;
	v2 =	vld [tilespmem:s19+$0x17000];
	[tilespmem:s0+$0x17C80] =	vst v3;
	s0 =	smov.u32 s19  }
0x6a: {  	v3 =	vld [tilespmem:s0+$0x17C80];
	_ =	sdelay $0x4  }
0x6b: {  	v2 =	vadd.f32 v2, v3;
	_ =	sdelay $0x1  }
0x6c: {  	s31 =	rddreg [dreg:$0xc];
	[tilespmem:s0+$0x17C80] =	vst v2  }
0x6d: {  	[tilespmem:s22], [sflag:$0x1] =	stream.strided.gather [hbm4b:s31+s20], $0xC80, s21, s20, $0x38;
	[tilespmem:$0x1BB00] =	vst v63  }
0x6e: {  	_ =	swait.ge [sflag:s29], $0xC80  }
0x6f: {  	[sflag:s29] =	ssyncset.done $0x0  }
0x70: {  	s0 =	simm.s32 $0x0;
	[sflag:s29] =	ssyncadd.s32 $0xFFFFF380  }
0x71: {  	s5 =	simm.s32 $0x40;
	v2 =	vld [tilespmem:s0+$0x17000]  }
.LBB2_14:
0x72: {  	p0 =	sne.s32 s5, $0x31C0;
	v3 =	vld [tilespmem:s0+$0x17C80];
	_ =	sdelay $0x2  }
.Ltmp6:
0x73: {  	(pc) =	sbr.rel @p0 .LBB2_14-.Ltmp6, $4  }
0x74: {  	_ = 	snop  }
0x75: {  	v3 =	vadd.f32 v2, v3  }
0x76: {  	s19 =	sshra.s32 s5, $0x2  }
0x77: {  	s5 =	sadd.s32 $0x40, s5;
	v2 =	vld [tilespmem:s19+$0x17000];
	[tilespmem:s0+$0x17C80] =	vst v3;
	s0 =	smov.u32 s19  }
0x78: {  	v3 =	vld [tilespmem:s0+$0x17C80];
	_ =	sdelay $0x4  }
0x79: {  	v2 =	vadd.f32 v2, v3;
	_ =	sdelay $0x1  }
0x7a: {  	s31 =	rddreg [dreg:$0xd];
	[tilespmem:s0+$0x17C80] =	vst v2  }
0x7b: {  	[tilespmem:s22], [sflag:$0x1] =	stream.strided.gather [hbm4b:s31+s20], $0xC80, s21, s20, $0x38;
	[tilespmem:$0x1BB00] =	vst v63  }
0x7c: {  	_ =	swait.ge [sflag:s29], $0xC80  }
0x7d: {  	[sflag:s29] =	ssyncset.done $0x0  }
0x7e: {  	s0 =	simm.s32 $0x0;
	[sflag:s29] =	ssyncadd.s32 $0xFFFFF380  }
0x7f: {  	s5 =	simm.s32 $0x40;
	v2 =	vld [tilespmem:s0+$0x17000]  }
.LBB2_16:
0x80: {  	p0 =	sne.s32 s5, $0x31C0;
	v3 =	vld [tilespmem:s0+$0x17C80];
	_ =	sdelay $0x2  }
.Ltmp7:
0x81: {  	(pc) =	sbr.rel @p0 .LBB2_16-.Ltmp7, $4  }
0x82: {  	_ = 	snop  }
0x83: {  	v3 =	vadd.f32 v2, v3  }
0x84: {  	s19 =	sshra.s32 s5, $0x2  }
0x85: {  	s5 =	sadd.s32 $0x40, s5;
	v2 =	vld [tilespmem:s19+$0x17000];
	[tilespmem:s0+$0x17C80] =	vst v3;
	s0 =	smov.u32 s19  }
0x86: {  	v3 =	vld [tilespmem:s0+$0x17C80];
	_ =	sdelay $0x4  }
0x87: {  	v2 =	vadd.f32 v2, v3;
	_ =	sdelay $0x1  }
0x88: {  	s31 =	rddreg [dreg:$0xe];
	[tilespmem:s0+$0x17C80] =	vst v2  }
0x89: {  	[tilespmem:s22], [sflag:$0x1] =	stream.strided.gather [hbm4b:s31+s20], $0xC80, s21, s20, $0x38;
	[tilespmem:$0x1BB00] =	vst v63  }
0x8a: {  	_ =	swait.ge [sflag:s29], $0xC80  }
0x8b: {  	[sflag:s29] =	ssyncset.done $0x0  }
0x8c: {  	s0 =	simm.s32 $0x0;
	[sflag:s29] =	ssyncadd.s32 $0xFFFFF380  }
0x8d: {  	s5 =	simm.s32 $0x40;
	v2 =	vld [tilespmem:s0+$0x17000]  }
.LBB2_18:
0x8e: {  	p0 =	sne.s32 s5, $0x31C0;
	v3 =	vld [tilespmem:s0+$0x17C80];
	_ =	sdelay $0x2  }
.Ltmp8:
0x8f: {  	(pc) =	sbr.rel @p0 .LBB2_18-.Ltmp8, $4  }
0x90: {  	_ = 	snop  }
0x91: {  	v3 =	vadd.f32 v2, v3  }
0x92: {  	s19 =	sshra.s32 s5, $0x2  }
0x93: {  	s5 =	sadd.s32 $0x40, s5;
	v2 =	vld [tilespmem:s19+$0x17000];
	[tilespmem:s0+$0x17C80] =	vst v3;
	s0 =	smov.u32 s19  }
0x94: {  	v3 =	vld [tilespmem:s0+$0x17C80];
	_ =	sdelay $0x4  }
0x95: {  	v2 =	vadd.f32 v2, v3;
	_ =	sdelay $0x1  }
0x96: {  	s31 =	rddreg [dreg:$0xf];
	[tilespmem:s0+$0x17C80] =	vst v2  }
0x97: {  	[tilespmem:s22], [sflag:$0x1] =	stream.strided.gather [hbm4b:s31+s20], $0xC80, s21, s20, $0x38;
	[tilespmem:$0x1BB00] =	vst v63  }
0x98: {  	_ =	swait.ge [sflag:s29], $0xC80  }
0x99: {  	[sflag:s29] =	ssyncset.done $0x0  }
0x9a: {  	s19 =	simm.s32 $0x0;
	[sflag:s29] =	ssyncadd.s32 $0xFFFFF380  }
0x9b: {  	s5 =	simm.s32 $0x40;
	s0 =	simm.s32 $0x0;
	v2 =	vld [tilespmem:s19+$0x17000]  }
.LBB2_20:
0x9c: {  	p0 =	sne.s32 s5, $0x31C0;
	v3 =	vld [tilespmem:s0+$0x17C80];
	_ =	sdelay $0x2  }
.Ltmp9:
0x9d: {  	(pc) =	sbr.rel @p0 .LBB2_20-.Ltmp9, $4  }
0x9e: {  	_ = 	snop  }
0x9f: {  	v3 =	vadd.f32 v2, v3  }
0xa0: {  	s20 =	sshra.s32 s5, $0x2  }
0xa1: {  	s5 =	sadd.s32 $0x40, s5;
	v2 =	vld [tilespmem:s20+$0x17000];
	[tilespmem:s0+$0x17C80] =	vst v3;
	s0 =	smov.u32 s20  }
0xa2: {  	v3 =	vld [tilespmem:s0+$0x17C80];
	_ =	sdelay $0x4  }
0xa3: {  	v2 =	vadd.f32 v2, v3;
	_ =	sdelay $0x1  }
0xa4: {  	[tilespmem:s0+$0x17C80] =	vst v2;
	s0 =	simm.s32 $0x40  }
.LBB2_22:
0xa5: {  	p0 =	sne.s32 s0, $0x31C0;
	v2 =	vld [tilespmem:s19+$0x17C80];
	_ =	sdelay $0x2  }
.Ltmp10:
0xa6: {  	(pc) =	sbr.rel @p0 .LBB2_22-.Ltmp10, $3  }
0xa7: {  	_ = 	snop  }
0xa8: {  	v2 =	vmul.f32 $1.250000000e-01, v2;
	_ =	sdelay $0x1  }
0xa9: {  	[tilespmem:s19+$0x17C80] =	vst v2;
	s19 =	sshra.s32 s0, $0x2;
	s0 =	sadd.s32 $0x40, s0  }
0xaa: {  	v2 =	vld [tilespmem:s19+$0x17C80];
	_ =	sdelay $0x4  }
0xab: {  	v2 =	vmul.f32 $1.250000000e-01, v2;
	_ =	sdelay $0x1  }
0xac: {  	s0 =	rddreg [dreg:$0x12];
	s5 =	simm.s32 $0x17C80;
	[tilespmem:s19+$0x17C80] =	vst v2  }
0xad: {  	[spmem:s0] =	stream.linear.scatter [tilespmem:s5], [sflag:$0x1], $0xC80, $0x38;
	[tilespmem:$0x1BB00] =	vst v63  }
0xae: {  	_ =	swait.ge [sflag:s29], $0xC80  }
0xaf: {  	[sflag:s29] =	ssyncset.done $0x0  }
0xb0: {  	[sflag:s29] =	ssyncadd.s32 $0xFFFFF380  }
0xb1: {  	s20 =	simm.s32 $0x0;
	s19 =	simm.s32 $0x0;
	[bflag:$0x0] =	sbarrier.arrive $0xFFFF  }
.LBB2_24:
0xb2: {  	s21 =	smul.u32 $0x2710, s20;
	_ =	sdelay $0x1  }
0xb3: {  	s0 =	sadd.s32 s10, s21  }
0xb4: {  	s0 =	sshrl.u32 s0, $0x3  }
0xb5: {  	s5 =	sadd.s32 s7, s0  }
0xb6: {  	[tilespmem:s19], [sflag:$0x1] =	stream.linear.gather [hbm4b:s5+s19], $0x2710, $0x38;
	[tilespmem:$0x1BB00] =	vst v63  }
0xb7: {  	_ =	swait.ge [sflag:s29], $0x2710  }
0xb8: {  	[sflag:s29] =	ssyncset.done $0x0  }
0xb9: {  	s22 =	simm.s32 $0x2780;
	s26 =	sadd.s32 s8, s0;
	[sflag:s29] =	ssyncadd.s32 $0xFFFFD8F0  }
0xba: {  	[tilespmem:s22], [sflag:$0x1] =	stream.linear.gather [hbm4b:s26+s19], $0x2710, $0x38;
	[tilespmem:$0x1BB00] =	vst v63  }
0xbb: {  	_ =	swait.ge [sflag:s29], $0x2710  }
0xbc: {  	[sflag:s29] =	ssyncset.done $0x0  }
0xbd: {  	s18 =	simm.s32 $0x11480;
	s0 =	sadd.s32 s9, s0;
	[sflag:s29] =	ssyncadd.s32 $0xFFFFD8F0  }
0xbe: {  	[tilespmem:s18], [sflag:$0x1] =	stream.linear.gather [hbm4b:s0+s19], $0x2710, $0x38;
	[tilespmem:$0x1BB00] =	vst v63  }
0xbf: {  	_ =	swait.ge [sflag:s29], $0x2710  }
0xc0: {  	[sflag:s29] =	ssyncset.done $0x0  }
0xc1: {  	s25 =	simm.s32 $0x7680;
	[sflag:s29] =	ssyncadd.s32 $0xFFFFD8F0  }
0xc2: {  	[tilespmem:s25], [sflag:$0x1] =	stream.indirect.gather [spmem:s1], $0x1, s22, s13, $0xb8;
	[tilespmem:$0x1BB00] =	vst v63  }
0xc3: {  	_ =	swait.ge [sflag:s29], $0x2710  }
0xc4: {  	[sflag:s29] =	ssyncset.done $0x0  }
0xc5: {  	s23 =	simm.s32 $0x9E00;
	[sflag:s29] =	ssyncadd.s32 $0xFFFFD8F0  }
0xc6: {  	[tilespmem:s23], [sflag:$0x1] =	stream.indirect.gather [spmem:s1], $0x1, s19, s13, $0xb8;
	[tilespmem:$0x1BB00] =	vst v63  }
0xc7: {  	_ =	swait.ge [sflag:s29], $0x2710  }
0xc8: {  	[sflag:s29] =	ssyncset.done $0x0  }
0xc9: {  	s24 =	simm.s32 $0x13C00;
	[sflag:s29] =	ssyncadd.s32 $0xFFFFD8F0  }
0xca: {  	[tilespmem:s24], [sflag:$0x1] =	stream.indirect.gather [spmem:s4], $0x1, s19, s13, $0xb8;
	[tilespmem:$0x1BB00] =	vst v63  }
0xcb: {  	_ =	swait.ge [sflag:s29], $0x2710  }
0xcc: {  	[sflag:s29] =	ssyncset.done $0x0  }
0xcd: {  	[sflag:s29] =	ssyncadd.s32 $0xFFFFD8F0  }
0xce: {  	v2 =	vld [tilespmem:s18+$0x0]  }
0xcf: {  	v3 =	vld [tilespmem:s24+$0x0]  }
0xd0: {  	v4 =	vld [tilespmem:s25+$0x0]  }
0xd1: {  	v5 =	vld [tilespmem:s23+$0x0];
	_ =	sdelay $0x2  }
0xd2: {  	v6 =	vld [tilespmem:s22+$0x0]  }
0xd3: {  	v7 =	vadd.s32 $0x1, v4  }
0xd4: {  	s26 =	sand.u32 $0x3F0, s19;
	v2 =	vmul.f32 v3, v2;
	vm1 =	vne.s32 v4, $0x40000000;
	vm0 =	veq.s32 v5, v7  }
0xd5: {  	s0 =	sadd.s32 $0xC380, s26;
	vm0 =	vmand vm1, vm0  }
0xd6: {  	s24 =	simm.s32 $0xC580;
	v3 =	vor.u32 s0, v1;
	v2 =	vnsel vm0, $0xF149F2CA, v2  }
0xd7: {  	s23 =	simm.s32 $0x4F00;
	[tilespmem:s24+$0x0] =	vst v2;
	v2 =	vsel vm0, v6, v3  }
0xd8: {  	s25 =	simm.s32 $0x11490;
	[tilespmem:s23+$0x0] =	vst v2  }
0xd9: {  	s28 =	simm.s32 $0x13C10;
	v2 =	vld [tilespmem:s25+$0x0]  }
0xda: {  	s31 =	simm.s32 $0x7690;
	v3 =	vld [tilespmem:s28+$0x0]  }
0xdb: {  	s0 =	simm.s32 $0x9E10;
	v4 =	vld [tilespmem:s31+$0x0]  }
0xdc: {  	s5 =	simm.s32 $0x20;
	s26 =	simm.s32 $0x10;
	v5 =	vld [tilespmem:s0+$0x0]  }
.LBB2_25:
0xdd: {  	p0 =	sne.s32 s5, $0x2700  }
0xde: {  	s22 =	sadd.s32 $0x10, s22  }
0xdf: {  	v6 =	vld [tilespmem:s22+$0x0]  }
0xe0: {  	v7 =	vadd.s32 $0x1, v4  }
0xe1: {  	s18 =	sand.u32 $0x3F0, s26;
	s26 =	smov.u32 s5;
	v2 =	vmul.f32 v3, v2;
	vm1 =	vne.s32 v4, $0x40000000;
	vm0 =	veq.s32 v5, v7  }
0xe2: {  	s18 =	sadd.s32 $0xC380, s18;
	vm0 =	vmand vm1, vm0  }
0xe3: {  	s24 =	sadd.s32 $0x10, s24;
	v3 =	vor.u32 s18, v1;
	v2 =	vnsel vm0, $0xF149F2CA, v2  }
0xe4: {  	s23 =	sadd.s32 $0x10, s23;
	[tilespmem:s24+$0x0] =	vst v2;
	v2 =	vsel vm0, v6, v3  }
.Ltmp11:
0xe5: {  	s25 =	sadd.s32 $0x10, s25;
	[tilespmem:s23+$0x0] =	vst v2;
	(pc) =	sbr.rel @p0 .LBB2_25-.Ltmp11, $4  }
0xe6: {  	s28 =	sadd.s32 $0x10, s28;
	v2 =	vld [tilespmem:s25+$0x0]  }
0xe7: {  	s31 =	sadd.s32 $0x10, s31;
	v3 =	vld [tilespmem:s28+$0x0]  }
0xe8: {  	s0 =	sadd.s32 $0x10, s0;
	v4 =	vld [tilespmem:s31+$0x0]  }
0xe9: {  	s5 =	sadd.s32 $0x10, s5;
	v5 =	vld [tilespmem:s0+$0x0]  }
0xea: {  	_ = 	snop  }
0xeb: {  	s0 =	sadd.s32 $0x10, s22  }
0xec: {  	v6 =	vld [tilespmem:s0+$0x0]  }
0xed: {  	v7 =	vadd.s32 $0x1, v4  }
0xee: {  	s25 =	sand.u32 $0x3F0, s26;
	v2 =	vmul.f32 v3, v2;
	vm1 =	vne.s32 v4, $0x40000000;
	vm0 =	veq.s32 v5, v7  }
0xef: {  	s0 =	sadd.s32 $0xC380, s25;
	vm0 =	vmand vm1, vm0  }
0xf0: {  	s26 =	sadd.s32 $0x10, s24;
	s5 =	sadd.s32 s12, s21;
	v3 =	vor.u32 s0, v1;
	v2 =	vnsel vm0, $0xF149F2CA, v2  }
0xf1: {  	s28 =	sadd.s32 $0x10, s23;
	s5 =	sshrl.u32 s5, $0x3;
	[tilespmem:s26+$0x0] =	vst v2;
	v2 =	vsel vm0, v6, v3  }
0xf2: {  	s31 =	sadd.s32 s11, s5;
	[tilespmem:s28+$0x0] =	vst v2  }
0xf3: {  	[hbm4b:s31+s6] =	stream.linear.scatter [tilespmem:s14], [sflag:$0x1], $0x2710, $0x38;
	[tilespmem:$0x1BB00] =	vst v63  }
0xf4: {  	s20 =	sadd.s32 $0x1, s20;
	_ =	swait.ge [sflag:s29], $0x2710  }
0xf5: {  	p0 =	sne.s32 s20, $0x5;
	[sflag:s29] =	ssyncset.done $0x0  }
.Ltmp12:
0xf6: {  	[sflag:s29] =	ssyncadd.s32 $0xFFFFD8F0;
	(pc) =	sbr.rel @p0 .LBB2_24-.Ltmp12, $4  }
0xf7: {  	[spmem:s2] =	stream.indirect.scatter [tilespmem:s14], [sflag:$0x1], $0x1, s15, s13, $0xb8;
	[tilespmem:$0x1BB00] =	vst v63  }
0xf8: {  	_ =	swait.ge [sflag:s29], $0x2710  }
0xf9: {  	[sflag:s29] =	ssyncset.done $0x0  }
0xfa: {  	[sflag:s29] =	ssyncadd.s32 $0xFFFFD8F0  }
0xfb: {  	[bflag:$0x0] =	sbarrier.arrive $0xFFFF;
	s19 =	simm.s32 $0x0;
	s20 =	simm.s32 $0x0  }
.LBB2_28:
0xfc: {  	s0 =	smul.u32 $0x2710, s20;
	_ =	sdelay $0x1  }
0xfd: {  	s5 =	sadd.s32 s10, s0  }
0xfe: {  	s5 =	sshrl.u32 s5, $0x3  }
0xff: {  	s18 =	simm.s32 $0x2780;
	s5 =	sadd.s32 s8, s5  }
0x100: {  	[tilespmem:s18], [sflag:$0x1] =	stream.linear.gather [hbm4b:s5+s19], $0x2710, $0x38;
	[tilespmem:$0x1BB00] =	vst v63  }
0x101: {  	s0 =	sadd.s32 s12, s0;
	_ =	swait.ge [sflag:s29], $0x2710  }
0x102: {  	s0 =	sshrl.u32 s0, $0x3;
	[sflag:s29] =	ssyncset.done $0x0  }
0x103: {  	s26 =	simm.s32 $0xC580;
	s0 =	sadd.s32 s11, s0;
	[sflag:s29] =	ssyncadd.s32 $0xFFFFD8F0  }
0x104: {  	[tilespmem:s26], [sflag:$0x1] =	stream.linear.gather [hbm4b:s0+s19], $0x2710, $0x38;
	[tilespmem:$0x1BB00] =	vst v63  }
0x105: {  	_ =	swait.ge [sflag:s29], $0x2710  }
0x106: {  	[sflag:s29] =	ssyncset.done $0x0  }
0x107: {  	s28 =	simm.s32 $0xED00;
	[sflag:s29] =	ssyncadd.s32 $0xFFFFD8F0  }
0x108: {  	[tilespmem:s28], [sflag:$0x1] =	stream.indirect.gather [spmem:s2], $0x1, s18, s13, $0xb8;
	[tilespmem:$0x1BB00] =	vst v63  }
0x109: {  	_ =	swait.ge [sflag:s29], $0x2710  }
0x10a: {  	[sflag:s29] =	ssyncset.done $0x0  }
0x10b: {  	[sflag:s29] =	ssyncadd.s32 $0xFFFFD8F0  }
0x10c: {  	v2 =	vld [tilespmem:s28+$0x0]  }
0x10d: {  	v3 =	vld [tilespmem:s26+$0x0]  }
0x10e: {  	v4 =	vld [tilespmem:s18+$0x0];
	_ =	sdelay $0x1  }
0x10f: {  	s31 =	sand.u32 $0x3F0, s19  }
0x110: {  	s0 =	sadd.s32 $0xC380, s31  }
0x111: {  	v5 =	vor.u32 s0, v1;
	vm0 =	vgt.f32 v3, v2  }
0x112: {  	s0 =	simm.s32 $0x4F00;
	v2 =	vsel vm0, v4, v5  }
0x113: {  	s5 =	simm.s32 $0xED10;
	[tilespmem:s0+$0x0] =	vst v2  }
0x114: {  	s22 =	simm.s32 $0xC590;
	v2 =	vld [tilespmem:s5+$0x0]  }
0x115: {  	s21 =	simm.s32 $0x10;
	s24 =	simm.s32 $0x20;
	s23 =	simm.s32 $0x2790;
	v3 =	vld [tilespmem:s22+$0x0]  }
.LBB2_29:
0x116: {  	p0 =	sne.s32 s24, $0x2700;
	v4 =	vld [tilespmem:s23+$0x0];
	_ =	sdelay $0x1  }
0x117: {  	s18 =	sand.u32 $0x3F0, s21;
	s21 =	smov.u32 s24  }
0x118: {  	s18 =	sadd.s32 $0xC380, s18  }
.Ltmp13:
0x119: {  	v5 =	vor.u32 s18, v1;
	vm0 =	vgt.f32 v3, v2;
	(pc) =	sbr.rel @p0 .LBB2_29-.Ltmp13, $4  }
0x11a: {  	s0 =	sadd.s32 $0x10, s0;
	v2 =	vsel vm0, v4, v5  }
0x11b: {  	s5 =	sadd.s32 $0x10, s5;
	[tilespmem:s0+$0x0] =	vst v2  }
0x11c: {  	s22 =	sadd.s32 $0x10, s22;
	v2 =	vld [tilespmem:s5+$0x0]  }
0x11d: {  	s24 =	sadd.s32 $0x10, s24;
	s23 =	sadd.s32 $0x10, s23;
	v3 =	vld [tilespmem:s22+$0x0]  }
0x11e: {  	v4 =	vld [tilespmem:s23+$0x0];
	_ =	sdelay $0x1  }
0x11f: {  	s5 =	sand.u32 $0x3F0, s21  }
0x120: {  	s5 =	sadd.s32 $0xC380, s5  }
0x121: {  	s20 =	sadd.s32 $0x1, s20;
	v5 =	vor.u32 s5, v1;
	vm0 =	vgt.f32 v3, v2  }
0x122: {  	s0 =	sadd.s32 $0x10, s0;
	p0 =	sne.s32 s20, $0x5;
	v2 =	vsel vm0, v4, v5  }
.Ltmp14:
0x123: {  	[tilespmem:s0+$0x0] =	vst v2;
	(pc) =	sbr.rel @p0 .LBB2_28-.Ltmp14, $4  }
0x124: {  	[spmem:s2] =	stream.indirect.scatter [tilespmem:s14], [sflag:$0x1], $0x1, s15, s13, $0xb8;
	[tilespmem:$0x1BB00] =	vst v63  }
0x125: {  	_ =	swait.ge [sflag:s29], $0x2710  }
0x126: {  	[sflag:s29] =	ssyncset.done $0x0  }
0x127: {  	[sflag:s29] =	ssyncadd.s32 $0xFFFFD8F0  }
0x128: {  	[bflag:$0x0] =	sbarrier.arrive $0xFFFF;
	s19 =	simm.s32 $0x0;
	s20 =	simm.s32 $0x0  }
.LBB2_32:
0x129: {  	s0 =	smul.u32 $0x2710, s20;
	_ =	sdelay $0x1  }
0x12a: {  	s5 =	sadd.s32 s10, s0  }
0x12b: {  	s5 =	sshrl.u32 s5, $0x3  }
0x12c: {  	s5 =	sadd.s32 s8, s5  }
0x12d: {  	[tilespmem:s16], [sflag:$0x1] =	stream.linear.gather [hbm4b:s5+s19], $0x2710, $0x38;
	[tilespmem:$0x1BB00] =	vst v63  }
0x12e: {  	s0 =	sadd.s32 s12, s0;
	_ =	swait.ge [sflag:s29], $0x2710  }
0x12f: {  	s0 =	sshrl.u32 s0, $0x3;
	[sflag:s29] =	ssyncset.done $0x0  }
0x130: {  	s21 =	sadd.s32 s11, s0;
	[sflag:s29] =	ssyncadd.s32 $0xFFFFD8F0  }
0x131: {  	[tilespmem:s14], [sflag:$0x1] =	stream.linear.gather [hbm4b:s21+s19], $0x2710, $0x38;
	[tilespmem:$0x1BB00] =	vst v63  }
0x132: {  	_ =	swait.ge [sflag:s29], $0x2710  }
0x133: {  	[sflag:s29] =	ssyncset.done $0x0  }
0x134: {  	[sflag:s29] =	ssyncadd.s32 $0xFFFFD8F0  }
0x135: {  	[tilespmem:s17], [sflag:$0x1] =	stream.indirect.gather [spmem:s2], $0x1, s16, s13, $0xb8;
	[tilespmem:$0x1BB00] =	vst v63  }
0x136: {  	_ =	swait.ge [sflag:s29], $0x2710  }
0x137: {  	[sflag:s29] =	ssyncset.done $0x0  }
0x138: {  	s0 =	simm.s32 $0x0;
	[sflag:s29] =	ssyncadd.s32 $0xFFFFD8F0  }
0x139: {  	v2 =	vld [tilespmem:s0+$0xC580]  }
0x13a: {  	v3 =	vld [tilespmem:s0+$0xED00]  }
0x13b: {  	s5 =	simm.s32 $0x10  }
0x13c: {  	v4 =	vld [tilespmem:s5+$0xC580]  }
0x13d: {  	v5 =	vld [tilespmem:s5+$0xED00];
	_ =	sdelay $0x1  }
0x13e: {  	v2 =	vsub.f32 v2, v3;
	_ =	sdelay $0x1  }
0x13f: {  	v2 =	vmul.f32 $1.442695020e+00, v2  }
0x140: {  	v3 =	vsub.f32 v4, v5  }
0x141: {  	(erf) = vpow2.f32 v2  }
0x142: {  	s22 =	simm.s32 $0x20;
	v4 =	vmul.f32 $1.442695020e+00, v3  }
0x143: {  	v3 =	vld [tilespmem:s22+$0xED00]  }
0x144: {  	v2 =	vld [tilespmem:s22+$0xC580];
	(erf) = vpow2.f32 v4;
	_ =	sdelay $0x2  }
0x145: {  	s23 =	simm.s32 $0xC0  }
.LBB2_33:
0x146: {  	s18 =	sshra.s32 s23, $0x2;
	p0 =	sne.s32 s23, $0x9C00  }
.Ltmp15:
0x147: {  	s23 =	sadd.s32 $0x40, s23;
	v4 =	vsub.f32 v2, v3;
	v2 =	vld [tilespmem:s18+$0xC580];
	(pc) =	sbr.rel @p0 .LBB2_33-.Ltmp15, $4  }
0x148: {  	v3 =	vld [tilespmem:s18+$0xED00];
	v5 =	vpop (erf)  }
0x149: {  	v4 =	vmul.f32 $1.442695020e+00, v4;
	[tilespmem:s0+$0x11480] =	vst v5;
	s0 =	smov.u32 s5;
	s5 =	smov.u32 s22;
	s22 =	smov.u32 s18  }
0x14a: {  	_ = 	snop  }
0x14b: {  	(erf) = vpow2.f32 v4  }
0x14c: {  	_ = 	snop  }
0x14d: {  	v2 =	vsub.f32 v2, v3;
	_ =	sdelay $0x1  }
0x14e: {  	v2 =	vmul.f32 $1.442695020e+00, v2;
	_ =	sdelay $0x1  }
0x14f: {  	(erf) = vpow2.f32 v2;
	_ =	sdelay $0x6  }
0x150: {  	v2 =	vpop (erf)  }
0x151: {  	[tilespmem:s0+$0x11480] =	vst v2;
	v2 =	vpop (erf)  }
0x152: {  	[tilespmem:s5+$0x11480] =	vst v2;
	v2 =	vpop (erf)  }
0x153: {  	[tilespmem:s22+$0x11480] =	vst v2  }
0x154: {  	[hbm4b:s21+s6] =	stream.linear.scatter [tilespmem:s30], [sflag:$0x1], $0x2710, $0x38;
	[tilespmem:$0x1BB00] =	vst v63  }
0x155: {  	s20 =	sadd.s32 $0x1, s20;
	_ =	swait.ge [sflag:s29], $0x2710  }
0x156: {  	p0 =	sne.s32 s20, $0x5;
	[sflag:s29] =	ssyncset.done $0x0  }
.Ltmp16:
0x157: {  	[sflag:s29] =	ssyncadd.s32 $0xFFFFD8F0;
	(pc) =	sbr.rel @p0 .LBB2_32-.Ltmp16, $4  }
0x158: {  	[spmem:s3] =	stream.indirect.scatter.add.f32 [tilespmem:s30], [sflag:$0x1], $0x1, s16, s13, $0xb8;
	[tilespmem:$0x1BB00] =	vst v63  }
0x159: {  	_ =	swait.ge [sflag:s29], $0x2710  }
0x15a: {  	[sflag:s29] =	ssyncset.done $0x0  }
0x15b: {  	[sflag:s29] =	ssyncadd.s32 $0xFFFFD8F0  }
0x15c: {  	[bflag:$0x0] =	sbarrier.arrive $0xFFFF;
	s19 =	simm.s32 $0x0;
	s20 =	simm.s32 $0x0  }
.LBB2_36:
0x15d: {  	s0 =	smul.u32 $0x2710, s20;
	_ =	sdelay $0x1  }
0x15e: {  	s5 =	sadd.s32 s10, s0  }
0x15f: {  	s5 =	sshrl.u32 s5, $0x3  }
0x160: {  	s5 =	sadd.s32 s8, s5  }
0x161: {  	[tilespmem:s16], [sflag:$0x1] =	stream.linear.gather [hbm4b:s5+s19], $0x2710, $0x38;
	[tilespmem:$0x1BB00] =	vst v63  }
0x162: {  	s0 =	sadd.s32 s12, s0;
	_ =	swait.ge [sflag:s29], $0x2710  }
0x163: {  	s0 =	sshrl.u32 s0, $0x3;
	[sflag:s29] =	ssyncset.done $0x0  }
0x164: {  	s21 =	sadd.s32 s11, s0;
	[sflag:s29] =	ssyncadd.s32 $0xFFFFD8F0  }
0x165: {  	[tilespmem:s30], [sflag:$0x1] =	stream.linear.gather [hbm4b:s21+s19], $0x2710, $0x38;
	[tilespmem:$0x1BB00] =	vst v63  }
0x166: {  	_ =	swait.ge [sflag:s29], $0x2710  }
0x167: {  	[sflag:s29] =	ssyncset.done $0x0  }
0x168: {  	[sflag:s29] =	ssyncadd.s32 $0xFFFFD8F0  }
0x169: {  	[tilespmem:s17], [sflag:$0x1] =	stream.indirect.gather [spmem:s3], $0x1, s16, s13, $0xb8;
	[tilespmem:$0x1BB00] =	vst v63  }
0x16a: {  	_ =	swait.ge [sflag:s29], $0x2710  }
0x16b: {  	[sflag:s29] =	ssyncset.done $0x0  }
0x16c: {  	s5 =	simm.s32 $0x0;
	[sflag:s29] =	ssyncadd.s32 $0xFFFFD8F0  }
0x16d: {  	v2 =	vld [tilespmem:s5+$0xED00];
	_ =	sdelay $0x4  }
0x16e: {  	v2 =	vadd.f32 $1.000000020e-16, v2  }
0x16f: {  	s0 =	simm.s32 $0x10  }
0x170: {  	(erf) = vrcp.f32 v2;
	v2 =	vld [tilespmem:s0+$0xED00];
	_ =	sdelay $0x3  }
0x171: {  	s22 =	simm.s32 $0x20  }
0x172: {  	v3 =	vld [tilespmem:s22+$0xED00];
	v4 =	vadd.f32 $1.000000020e-16, v2  }
0x173: {  	v2 =	vld [tilespmem:s5+$0x11480]  }
0x174: {  	(erf) = vrcp.f32 v4;
	_ =	sdelay $0x2  }
0x175: {  	s23 =	simm.s32 $0xC0;
	v4 =	vpop (erf)  }
.LBB2_37:
0x176: {  	s18 =	sshra.s32 s23, $0x2;
	p0 =	sne.s32 s23, $0x9C00;
	s23 =	sadd.s32 $0x40, s23;
	v5 =	vadd.f32 $1.000000020e-16, v3;
	v4 =	vmul.f32 v4, v2;
	v2 =	vld [tilespmem:s0+$0x11480]  }
.Ltmp17:
0x177: {  	v3 =	vld [tilespmem:s18+$0xED00];
	(pc) =	sbr.rel @p0 .LBB2_37-.Ltmp17, $3  }
0x178: {  	(erf) = vrcp.f32 v5;
	[tilespmem:s5+$0xC580] =	vst v4;
	s5 =	smov.u32 s0;
	s0 =	smov.u32 s22;
	s22 =	smov.u32 s18  }
0x179: {  	_ =	sdelay $0x1  }
0x17a: {  	v4 =	vpop (erf)  }
0x17b: {  	v3 =	vadd.f32 $1.000000020e-16, v3;
	_ =	sdelay $0x1  }
0x17c: {  	(erf) = vrcp.f32 v3;
	_ =	sdelay $0x1  }
0x17d: {  	v2 =	vmul.f32 v4, v2;
	_ =	sdelay $0x1  }
0x17e: {  	v3 =	vld [tilespmem:s0+$0x11480];
	[tilespmem:s5+$0xC580] =	vst v2  }
0x17f: {  	v2 =	vld [tilespmem:s22+$0x11480];
	_ =	sdelay $0x2  }
0x180: {  	v62 =	vpop (erf)  }
0x181: {  	v3 =	vmul.f32 v62, v3;
	v63 =	vpop (erf)  }
0x182: {  	s20 =	sadd.s32 $0x1, s20;
	v2 =	vmul.f32 v63, v2  }
0x183: {  	p0 =	sne.s32 s20, $0x5;
	[tilespmem:s0+$0xC580] =	vst v3  }
.Ltmp18:
0x184: {  	[tilespmem:s22+$0xC580] =	vst v2;
	(pc) =	sbr.rel @p0 .LBB2_36-.Ltmp18, $4  }
0x185: {  	[hbm4b:s21+s6] =	stream.linear.scatter [tilespmem:s14], [sflag:$0x1], $0x2710, $0x38;
	[tilespmem:$0x1BB00] =	vst v63  }
0x186: {  	_ =	swait.ge [sflag:s29], $0x2710  }
0x187: {  	[sflag:s29] =	ssyncset.done $0x0  }
0x188: {  	[sflag:s29] =	ssyncadd.s32 $0xFFFFD8F0  }
0x189: {  	s5 =	rddreg [dreg:$0x15]  }
0x18a: {  	s0 =	rddreg [dreg:$0x13];
	s5 =	sadd.s32 $0x1, s5  }
0x18b: {  	p0 =	sne.s32 s5, s0  }
.Ltmp19:
0x18c: {  	_ = 	snop;
	(pc) =	sbr.rel @p0 .LBB2_1-.Ltmp19, $2  }
0x18d: {  	_ =	sdelay $0x2  }
0x18e: {  	s20 =	simm.s32 $0x80;
	s21 =	simm.s32 $0x400;
	s22 =	simm.s32 $0x17000  }
0x18f: {  	_ =	sfence.sel $0x180000  }
0x190: {  	[bflag:$0x0] =	sbarrier.arrive $0xFFFF  }
0x191: {  	_ =	strace $0x90000047  }
0x192: {  	s0 =	stileid.u32;
	[bflag:$0x2] =	sbarrier.arrive $0xFFFF  }
0x193: {  	p0 =	sne.s32 s0, $0x0;
	s0 =	rddreg [dreg:$0x5]  }
0x194: {  	s0 =	sadd.s32 @!p0 $0x100000, s0  }
0x195: {  	[sflag:s0] =	ssyncadd.tile.s32 @!p0 $0x1;
	_ =	shalt  }
.Lfunc_end2:
_tile_overlayer_lowered:
.L_overlay_start_2:
0x196: {  	(tag) =	ssettag $0x2  }
0x197: {  	s0 =	rddreg [dreg:$0x0];
	s2 =	stileid.u32  }
0x198: {  	s1 =	rddreg [dreg:$0x1];
	p0 =	sne.s32 s2, $0x0  }
0x199: {  	s3 =	rddreg [dreg:$0x2];
	[bflag:$0x3] =	sbarrier.arrive $0xFFFF;
	s2 =	simm.s32 @!p0 $0x1C01  }
0x19a: {  	[timem:s3], [sflag:s2] =	dma.local @!p0 [hbm:s0], s1  }
0x19b: {  	s0 =	simm.s32 @!p0 $0x1  }
0x19c: {  	_ =	swait.ge @!p0 [sflag:s0], s1  }
0x19d: {  	s1 =	ssub.s32 @!p0 $0x0, s1;
	[sflag:s0] =	ssyncset.done @!p0 $0x0  }
0x19e: {  	[sflag:s0] =	ssyncadd.s32 @!p0 s1  }
0x19f: {  	[bflag:$0x3] =	sbarrier.arrive $0xFFFF  }
0x1a0: {  	_ =	shalt  }

</sc_bundles>
